<compile_context>
chip_gen: v7x
topology: tpu7x:2x2x1
jax: 0.10.2.dev20260603
libtpu: 0.0.44.dev20260713+nightly
codegen_flags: <defaults>
</compile_context>

<pallas_src>
import functools

import jax
import jax.numpy as jnp
from jax import lax
from jax.experimental import pallas as pl
from jax.experimental.pallas import tpu as pltpu
from jax.experimental.pallas import tpu_sc as plsc

D = 128
H = 8
Z = 16
HZ = H * Z
AUXW = 16
WTAB = HZ + AUXW
L = 16
NC = 2
NS = 16
NW = NC * NS
C = 40


def _axis(name):
    return lax.axis_index(name)


def _barrier():
    plsc.subcore_barrier()


def _ploop(lo, hi, unroll, body):
    plsc.parallel_loop(lo, hi, 1, unroll=unroll)(body)


@functools.partial(jax.jit, static_argnames=())
def _edge_pass(srctab, dsttab, src, dst, ibeta16):
    n = srctab.shape[0]
    e_total = src.shape[0]
    assert e_total % (NW * C) == 0, e_total
    ew = e_total // NW
    chunks = ew // C
    npad = -(-n // (NS * 8)) * NS * 8
    rpt = npad // NS

    mesh = plsc.VectorSubcoreMesh(
        core_axis_name="c", subcore_axis_name="s",
        num_cores=NC, num_subcores=NS)

    @functools.partial(
        pl.kernel,
        out_type=jax.ShapeDtypeStruct((NC, npad, WTAB), jnp.float32),
        mesh=mesh,
        scratch_types=[
            pltpu.VMEM((C,), jnp.int32),
            pltpu.VMEM((C,), jnp.int32),
            pltpu.VMEM((C,), jnp.int32),
            pltpu.VMEM((C,), jnp.int32),
            pltpu.VMEM((2, C, WTAB), jnp.float32),
            pltpu.VMEM((2, C, HZ), jnp.float32),
            pltpu.VMEM((C, WTAB), jnp.float32),
            pltpu.VMEM((L,), jnp.float32),
            pltpu.VMEM_SHARED((npad, WTAB), jnp.float32),
            pltpu.SemaphoreType.DMA,
            pltpu.SemaphoreType.DMA,
            pltpu.SemaphoreType.DMA,
            pltpu.SemaphoreType.DMA,
        ],
        compiler_params=pltpu.CompilerParams(needs_layout_passes=False,
                                             use_tc_tiling_on_sc=False),
    )
    def kern(srctab_hbm, dsttab_hbm, src_hbm, dst_hbm, ibeta_hbm, out_hbm,
             sidv0, sidv1, didv0, didv1, srows, drows, msg, ibv, acc,
             sem_s0, sem_s1, sem_d0, sem_d1):
        sidv = (sidv0, sidv1)
        didv = (didv0, didv1)
        sem_s = (sem_s0, sem_s1)
        sem_d = (sem_d0, sem_d1)
        cid = _axis("c")
        sid = _axis("s")
        wid = sid * NC + cid
        lane = lax.iota(jnp.int32, L)
        zero16 = jnp.zeros((L,), jnp.float32)

        def zrow(i, _):
            for j in range(WTAB // L):
                msg[i, pl.ds(j * L, L)] = zero16
            return 0
        lax.fori_loop(0, C, zrow, 0, unroll=False)
        zbase = sid * rpt
        full = rpt // C
        rem = rpt - full * C
        for j in range(full):
            pltpu.sync_copy(msg, acc.at[pl.ds(zbase + j * C, C)])
        if rem:
            pltpu.sync_copy(msg.at[pl.ds(0, rem)],
                            acc.at[pl.ds(zbase + full * C, rem)])
        pltpu.sync_copy(ibeta_hbm, ibv)
        _barrier()

        ib = ibv[pl.ds(0, L)]
        ebase = wid * ew

        def issue(b, ci):
            base = pl.multiple_of(ebase + ci * C, 8)
            pltpu.sync_copy(src_hbm.at[pl.ds(base, C)], sidv[b])
            pltpu.sync_copy(dst_hbm.at[pl.ds(base, C)], didv[b])
            pltpu.async_copy(srctab_hbm.at[sidv[b]], srows.at[b], sem_s[b])
            pltpu.async_copy(dsttab_hbm.at[didv[b]], drows.at[b], sem_d[b])

        def consume(b, ci):
            pltpu.make_async_copy(srctab_hbm.at[sidv[b]], srows.at[b],
                                  sem_s[b]).wait()
            pltpu.make_async_copy(dsttab_hbm.at[didv[b]], drows.at[b],
                                  sem_d[b]).wait()

            hmask = [jnp.where(lane == h, 1.0, 0.0) for h in range(H)]

            def edge(ei):
                khs = [srows[b, ei, pl.ds(h * L, L)] for h in range(H)]
                parts = []
                for h in range(H):
                    qh = drows[b, ei, pl.ds(h * L, L)]
                    parts.append(jnp.sum(khs[h] * qh) * hmask[h])
                while len(parts) > 1:
                    parts = [parts[i] + parts[i + 1]
                             for i in range(0, len(parts), 2)]
                s = jnp.exp(jnp.clip(parts[0] * ib, -5.0, 5.0))
                aux = srows[b, ei, pl.ds(HZ, L)]
                sb = s * aux
                msg[ei, pl.ds(HZ, L)] = jnp.where(lane < H, sb, 0.0)
                for h in range(H):
                    msg[ei, pl.ds(h * L, L)] = khs[h] * sb[h]
            _ploop(0, C, 2, edge)
            pltpu.sync_copy(msg, acc.at[didv[b]], add=True)
            if isinstance(ci, int):
                if ci + 2 < chunks:
                    issue(b, ci + 2)
            else:
                pl.when(ci + 2 < chunks)(lambda: issue(b, ci + 2))

        for b in range(min(2, chunks)):
            issue(b, b)
        pairs = chunks // 2

        def pair(c2, _):
            for b in range(2):
                consume(b, c2 * 2 + b)
            return 0
        lax.fori_loop(0, pairs, pair, 0, unroll=False)
        if chunks % 2:
            consume(0, chunks - 1)

        _barrier()
        pltpu.sync_copy(acc.at[pl.ds(zbase, rpt)],
                        out_hbm.at[cid, pl.ds(zbase, rpt)])

    return kern(srctab, dsttab, src, dst, ibeta16)


_BLK = 1000


def _tc_project_body(h_ref, wq_ref, wk_ref, qtab_ref, ktab_ref, k144_ref):
    hb = h_ref[...]
    qt = jnp.dot(hb, wq_ref[...], preferred_element_type=jnp.float32)
    kt = jnp.dot(hb, wk_ref[...], preferred_element_type=jnp.float32)
    qtab_ref[...] = qt
    ktab_ref[...] = kt
    cols = lax.broadcasted_iota(jnp.int32, (hb.shape[0], WTAB), 1)
    pad = jnp.pad(kt, ((0, 0), (0, AUXW)))
    k144_ref[...] = pad + jnp.where((cols >= HZ) & (cols < HZ + H), 1.0, 0.0)


def _tc_project(h, wq, wk):
    n = h.shape[0]
    grid = (n // _BLK,)
    return pl.pallas_call(
        _tc_project_body,
        grid=grid,
        in_specs=[
            pl.BlockSpec((_BLK, D), lambda i: (i, 0)),
            pl.BlockSpec((D, HZ), lambda i: (0, 0)),
            pl.BlockSpec((D, HZ), lambda i: (0, 0)),
        ],
        out_specs=[
            pl.BlockSpec((_BLK, HZ), lambda i: (i, 0)),
            pl.BlockSpec((_BLK, HZ), lambda i: (i, 0)),
            pl.BlockSpec((_BLK, WTAB), lambda i: (i, 0)),
        ],
        out_shape=[
            jax.ShapeDtypeStruct((n, HZ), jnp.float32),
            jax.ShapeDtypeStruct((n, HZ), jnp.float32),
            jax.ShapeDtypeStruct((n, WTAB), jnp.float32),
        ],
    )(h, wq, wk)


def _tc_mid_body(g1_ref, qtab_ref, wqt_ref, rep_ref, beta_ref,
                 p2_ref, e1_ref, en_ref):
    g = g1_ref[0] + g1_ref[1]
    g1 = g[:, :HZ]
    zz = g[:, HZ:HZ + H]
    zinv = 1.0 / zz
    zrep = jnp.dot(zinv, rep_ref[...],
                   preferred_element_type=jnp.float32)
    e1_ref[...] = jnp.dot(g1 * zrep, wqt_ref[...],
                          preferred_element_type=jnp.float32)
    cols = lax.broadcasted_iota(jnp.int32, (g.shape[0], WTAB), 1)
    p2 = jnp.pad(qtab_ref[...], ((0, 0), (0, AUXW)))
    zpad = jnp.pad(zinv, ((0, 0), (HZ, AUXW - H)))
    p2_ref[...] = p2 + jnp.where((cols >= HZ) & (cols < HZ + H), zpad, 0.0)
    en_ref[...] = beta_ref[0, 0] * jnp.sum(jnp.log(zz), axis=1, keepdims=True)


def _tc_mid(g1both, qtab, wqt, rep, beta11):
    n = qtab.shape[0]
    grid = (n // _BLK,)
    return pl.pallas_call(
        _tc_mid_body,
        grid=grid,
        in_specs=[
            pl.BlockSpec((NC, _BLK, WTAB), lambda i: (0, i, 0)),
            pl.BlockSpec((_BLK, HZ), lambda i: (i, 0)),
            pl.BlockSpec((HZ, D), lambda i: (0, 0)),
            pl.BlockSpec((H, HZ), lambda i: (0, 0)),
            pl.BlockSpec((1, 1), lambda i: (0, 0), memory_space=pltpu.SMEM),
        ],
        out_specs=[
            pl.BlockSpec((_BLK, WTAB), lambda i: (i, 0)),
            pl.BlockSpec((_BLK, D), lambda i: (i, 0)),
            pl.BlockSpec((_BLK, 1), lambda i: (i, 0)),
        ],
        out_shape=[
            jax.ShapeDtypeStruct((n, WTAB), jnp.float32),
            jax.ShapeDtypeStruct((n, D), jnp.float32),
            jax.ShapeDtypeStruct((n, 1), jnp.float32),
        ],
    )(g1both, qtab, wqt, rep, beta11)


def _tc_final_body(g2_ref, e1_ref, wkt_ref, out_ref):
    g = g2_ref[0] + g2_ref[1]
    g2 = g[:, :HZ]
    out_ref[...] = e1_ref[...] + jnp.dot(g2, wkt_ref[...],
                                         preferred_element_type=jnp.float32)


def _tc_final(g2both, e1, wkt):
    n = e1.shape[0]
    grid = (n // _BLK,)
    return pl.pallas_call(
        _tc_final_body,
        grid=grid,
        in_specs=[
            pl.BlockSpec((NC, _BLK, WTAB), lambda i: (0, i, 0)),
            pl.BlockSpec((_BLK, D), lambda i: (i, 0)),
            pl.BlockSpec((HZ, D), lambda i: (0, 0)),
        ],
        out_specs=pl.BlockSpec((_BLK, D), lambda i: (i, 0)),
        out_shape=jax.ShapeDtypeStruct((n, D), jnp.float32),
    )(g2both, e1, wkt)


def kernel(h, edge_index, Q, K, beta):
    n = h.shape[0]
    src = edge_index[0]
    dst = edge_index[1]
    wq = Q.reshape(D, HZ)
    wk = K.reshape(D, HZ)
    ibeta16 = jnp.full((L,), 1.0, jnp.float32) / beta[0]
    beta11 = beta.reshape(1, 1)
    rep = jnp.kron(jnp.eye(H, dtype=jnp.float32),
                   jnp.ones((1, Z), jnp.float32))

    qtab, ktab, k144 = _tc_project(h, wq, wk)
    g1both = _edge_pass(k144, qtab, src, dst, ibeta16)
    p2, e1, energy = _tc_mid(g1both, qtab, wq.T, rep, beta11)
    g2both = _edge_pass(p2, ktab, src, dst, ibeta16)
    final = _tc_final(g2both, e1, wk.T)
    return (final, energy.reshape(n))

# --- scband reference (transcript-rebuilt; emitter-appended) ---
"""Pipeline reference for scband-multi-head-attention-layer-7361573945680 (READ-ONLY COPY).

The authoritative reference and input builder live on the scoring server;
editing this copy changes nothing except your own understanding.
"""

import jax, jax.numpy as jnp
import numpy as np

N = 10000
E = 320000
D = 128
H = 8
Z = 16

def setup_inputs(seed: int = 0) -> dict:
    key = jax.random.key(seed)
    k1, k2, k3, k4 = jax.random.split(key, 4)
    h = jax.random.normal(k1, (N, D), dtype=jnp.float32)
    edge_index = jax.random.randint(k2, (2, E), 0, N, dtype=jnp.int32)
    Q = 0.01 * jax.random.normal(k3, (D, H, Z), dtype=jnp.float32)
    K = 0.01 * jax.random.normal(k4, (D, H, Z), dtype=jnp.float32)
    beta = jnp.full((1,), np.sqrt(float(Z)), dtype=jnp.float32)
    return {"h": h, "edge_index": edge_index, "Q": Q, "K": K, "beta": beta}

def reference(h, edge_index, Q, K, beta):
    src = edge_index[0]
    dst = edge_index[1]
    n = h.shape[0]
    # node-level projections
    Q_h = jnp.einsum('bd,dhz->bhz', h, Q)   # [N,H,Z]
    K_h = jnp.einsum('bd,dhz->bhz', h, K)   # [N,H,Z]
    # F1 = einsum('dzh,bhz->bhd', Q.permute(0,2,1), K_h) == einsum('dhz,bhz->bhd', Q, K_h)
    F1 = jnp.einsum('dhz,bhz->bhd', Q, K_h)  # [N,H,D]
    F2 = jnp.einsum('dhz,bhz->bhd', K, Q_h)  # [N,H,D]
    # edge attention scores: src K_h dot dst Q_h
    score = (K_h[src] * Q_h[dst]).sum(-1, keepdims=True)           # [E,H,1]
    score = jnp.exp(jnp.clip(score / beta, -5.0, 5.0))
    # T1 = sum over in-edges of F1[src] * score
    T1 = jax.ops.segment_sum(F1[src] * score, dst, num_segments=n)  # [N,H,D]
    # z = sum over in-edges of score
    z = jax.ops.segment_sum(score, dst, num_segments=n)             # [N,H,1]
    # second score: src Q_h dot dst K_h
    score2 = (Q_h[src] * K_h[dst]).sum(-1, keepdims=True)           # [E,H,1]
    score2 = jnp.exp(jnp.clip(score2 / beta, -5.0, 5.0))
    # custom message: F2[src] * score2 / z[src]
    T2 = jax.ops.segment_sum(F2[src] * score2 / z[src], dst, num_segments=n)  # [N,H,D]
    head_out_1 = T1 / z
    head_out_2 = T2
    final = jnp.sum(head_out_1 + head_out_2, axis=1)                # [N,D]
    # manual_energy
    all_edge = jnp.squeeze(z, axis=-1)                              # [N,H]
    A2 = jnp.log(all_edge)
    energy = (beta * A2).sum(axis=-1)                               # [N]
    return (final, energy)

if __name__ == "__main__":
    import jax
    _d = setup_inputs()
    print(jax.jit(kernel)(*tuple(_d.values())))

</pallas_src>

<mosaic_0001>
#map = affine_map<(d0, d1) -> (0, 0)>
#map1 = affine_map<(d0, d1) -> (0)>
#map2 = affine_map<(d0, d1) -> (0, 0, 0)>
module attributes {stable_mosaic.version = 14 : i64} {
  func.func @kern(%arg0: i32, %arg1: i32, %arg2: memref<10000x144xf32, #tpu.memory_space<hbm>>, %arg3: memref<10000x128xf32, #tpu.memory_space<hbm>>, %arg4: memref<320000xi32, #tpu.memory_space<hbm>>, %arg5: memref<320000xi32, #tpu.memory_space<hbm>>, %arg6: memref<16xf32, #tpu.memory_space<hbm>>, %arg7: memref<2x10112x144xf32, #tpu.memory_space<hbm>>, %arg8: memref<40xi32, #tpu.memory_space<vmem>>, %arg9: memref<40xi32, #tpu.memory_space<vmem>>, %arg10: memref<40xi32, #tpu.memory_space<vmem>>, %arg11: memref<40xi32, #tpu.memory_space<vmem>>, %arg12: memref<2x40x144xf32, #tpu.memory_space<vmem>>, %arg13: memref<2x40x128xf32, #tpu.memory_space<vmem>>, %arg14: memref<40x144xf32, #tpu.memory_space<vmem>>, %arg15: memref<16xf32, #tpu.memory_space<vmem>>, %arg16: memref<10112x144xf32, #tpu.memory_space<vmem_shared>>, %arg17: memref<!tpu.dma_semaphore, #tpu.memory_space<semaphore_mem>>, %arg18: memref<!tpu.dma_semaphore, #tpu.memory_space<semaphore_mem>>, %arg19: memref<!tpu.dma_semaphore, #tpu.memory_space<semaphore_mem>>, %arg20: memref<!tpu.dma_semaphore, #tpu.memory_space<semaphore_mem>>) attributes {dimension_semantics = [#tpu.dimension_semantics<core_parallel>, #tpu.dimension_semantics<subcore_parallel>], iteration_bounds = array<i64: 2, 16>, scalar_prefetch = 0 : i64, scratch_operands = 13 : i64, tpu.core_type = #tpu.core_type<sc_vector_subcore>, window_params = [{transform_indices = #map}, {transform_indices = #map}, {transform_indices = #map1}, {transform_indices = #map1}, {transform_indices = #map1}, {transform_indices = #map2}]} {
    %mul3A = arith.constant 2 : i32
    %mul3A_0 = arith.muli %arg1, %mul3A : i32
    %add3A = arith.addi %mul3A_0, %arg0 : i32
    %iota3A = tpu.iota {dimensions = array<i32: 0>} : vector<16xi32>
    %broadcast_in_dim3A = arith.constant 0.000000e+00 : f32
    %broadcast_in_dim3A_1 = vector.broadcast %broadcast_in_dim3A : f32 to vector<16xf32>
    %scan3A = arith.constant 0 : i32
    %scan3A_2 = arith.constant 0 : i32
    %scan3A_3 = arith.constant 40 : i32
    %scan3A_4 = arith.addi %scan3A_2, %scan3A_3 : i32
    %scan3A_5 = arith.constant 1 : i32
    %scan3A_6 = scf.for %scan3A_89 = %scan3A_2 to %scan3A_4 step %scan3A_5 iter_args(%scan3A_90 = %scan3A) -> (i32)  : i32 {
      %swap3A = arith.index_cast %scan3A_89 : i32 to index
      %swap3A_91 = arith.constant 0 : index
      %swap3A_92 = tpu.vector_load %arg14[%swap3A, %swap3A_91] {strides = array<i32>} : memref<40x144xf32, #tpu.memory_space<vmem>>, vector<16xf32>,
      tpu.vector_store %arg14[%swap3A, %swap3A_91], %broadcast_in_dim3A_1 {strides = array<i32>} : memref<40x144xf32, #tpu.memory_space<vmem>>, vector<16xf32>,
      %swap3A_93 = arith.index_cast %scan3A_89 : i32 to index
      %swap3A_94 = arith.constant 16 : index
      %swap3A_95 = tpu.vector_load %arg14[%swap3A_93, %swap3A_94] {strides = array<i32>} : memref<40x144xf32, #tpu.memory_space<vmem>>, vector<16xf32>,
      tpu.vector_store %arg14[%swap3A_93, %swap3A_94], %broadcast_in_dim3A_1 {strides = array<i32>} : memref<40x144xf32, #tpu.memory_space<vmem>>, vector<16xf32>,
      %swap3A_96 = arith.index_cast %scan3A_89 : i32 to index
      %swap3A_97 = arith.constant 32 : index
      %swap3A_98 = tpu.vector_load %arg14[%swap3A_96, %swap3A_97] {strides = array<i32>} : memref<40x144xf32, #tpu.memory_space<vmem>>, vector<16xf32>,
      tpu.vector_store %arg14[%swap3A_96, %swap3A_97], %broadcast_in_dim3A_1 {strides = array<i32>} : memref<40x144xf32, #tpu.memory_space<vmem>>, vector<16xf32>,
      %swap3A_99 = arith.index_cast %scan3A_89 : i32 to index
      %swap3A_100 = arith.constant 48 : index
      %swap3A_101 = tpu.vector_load %arg14[%swap3A_99, %swap3A_100] {strides = array<i32>} : memref<40x144xf32, #tpu.memory_space<vmem>>, vector<16xf32>,
      tpu.vector_store %arg14[%swap3A_99, %swap3A_100], %broadcast_in_dim3A_1 {strides = array<i32>} : memref<40x144xf32, #tpu.memory_space<vmem>>, vector<16xf32>,
      %swap3A_102 = arith.index_cast %scan3A_89 : i32 to index
      %swap3A_103 = arith.constant 64 : index
      %swap3A_104 = tpu.vector_load %arg14[%swap3A_102, %swap3A_103] {strides = array<i32>} : memref<40x144xf32, #tpu.memory_space<vmem>>, vector<16xf32>,
      tpu.vector_store %arg14[%swap3A_102, %swap3A_103], %broadcast_in_dim3A_1 {strides = array<i32>} : memref<40x144xf32, #tpu.memory_space<vmem>>, vector<16xf32>,
      %swap3A_105 = arith.index_cast %scan3A_89 : i32 to index
      %swap3A_106 = arith.constant 80 : index
      %swap3A_107 = tpu.vector_load %arg14[%swap3A_105, %swap3A_106] {strides = array<i32>} : memref<40x144xf32, #tpu.memory_space<vmem>>, vector<16xf32>,
      tpu.vector_store %arg14[%swap3A_105, %swap3A_106], %broadcast_in_dim3A_1 {strides = array<i32>} : memref<40x144xf32, #tpu.memory_space<vmem>>, vector<16xf32>,
      %swap3A_108 = arith.index_cast %scan3A_89 : i32 to index
      %swap3A_109 = arith.constant 96 : index
      %swap3A_110 = tpu.vector_load %arg14[%swap3A_108, %swap3A_109] {strides = array<i32>} : memref<40x144xf32, #tpu.memory_space<vmem>>, vector<16xf32>,
      tpu.vector_store %arg14[%swap3A_108, %swap3A_109], %broadcast_in_dim3A_1 {strides = array<i32>} : memref<40x144xf32, #tpu.memory_space<vmem>>, vector<16xf32>,
      %swap3A_111 = arith.index_cast %scan3A_89 : i32 to index
      %swap3A_112 = arith.constant 112 : index
      %swap3A_113 = tpu.vector_load %arg14[%swap3A_111, %swap3A_112] {strides = array<i32>} : memref<40x144xf32, #tpu.memory_space<vmem>>, vector<16xf32>,
      tpu.vector_store %arg14[%swap3A_111, %swap3A_112], %broadcast_in_dim3A_1 {strides = array<i32>} : memref<40x144xf32, #tpu.memory_space<vmem>>, vector<16xf32>,
      %swap3A_114 = arith.index_cast %scan3A_89 : i32 to index
      %swap3A_115 = arith.constant 128 : index
      %swap3A_116 = tpu.vector_load %arg14[%swap3A_114, %swap3A_115] {strides = array<i32>} : memref<40x144xf32, #tpu.memory_space<vmem>>, vector<16xf32>,
      tpu.vector_store %arg14[%swap3A_114, %swap3A_115], %broadcast_in_dim3A_1 {strides = array<i32>} : memref<40x144xf32, #tpu.memory_space<vmem>>, vector<16xf32>,
      %scan3A_117 = arith.constant 0 : i32
      scf.yield %scan3A_117 : i32
    }
    %scan3A_7 = arith.constant 40 : i32
    %mul3A_8 = arith.constant 632 : i32
    %mul3A_9 = arith.muli %arg1, %mul3A_8 : i32
    %add3A_10 = arith.constant 0 : i32
    %add3A_11 = arith.addi %mul3A_9, %add3A_10 : i32
    "tpu.region"() ({
      %run_scoped3A = tpu.sem_alloc : memref<!tpu.dma_semaphore, #tpu.memory_space<semaphore_mem>>
      %dma_start3A_89 = arith.constant 0 : i32
      %dma_start3A_90 = tpu.memref_slice %arg16[%add3A_11, %dma_start3A_89] : memref<10112x144xf32, #tpu.memory_space<vmem_shared>> -> memref<40x144xf32, #tpu.memory_space<vmem_shared>>
      %dma_start3A_91 = arith.constant 0 : i32
      %dma_start3A_92 = tpu.memref_slice %arg16[%add3A_11, %dma_start3A_91] : memref<10112x144xf32, #tpu.memory_space<vmem_shared>> -> memref<40x144xf32, #tpu.memory_space<vmem_shared>>
      tpu.enqueue_dma source(%arg14 : memref<40x144xf32, #tpu.memory_space<vmem>>) target(%dma_start3A_92 : memref<40x144xf32, #tpu.memory_space<vmem_shared>>) target_semaphore(%run_scoped3A : memref<!tpu.dma_semaphore, #tpu.memory_space<semaphore_mem>>)
      %dma_wait3A = arith.constant 0 : i32
      %dma_wait3A_93 = tpu.memref_slice %arg16[%add3A_11, %dma_wait3A] : memref<10112x144xf32, #tpu.memory_space<vmem_shared>> -> memref<40x144xf32, #tpu.memory_space<vmem_shared>>
      %dma_wait3A_94 = arith.constant 0 : i32
      %dma_wait3A_95 = tpu.memref_slice %arg16[%add3A_11, %dma_wait3A_94] : memref<10112x144xf32, #tpu.memory_space<vmem_shared>> -> memref<40x144xf32, #tpu.memory_space<vmem_shared>>
      tpu.wait_dma2 semaphore(%run_scoped3A : memref<!tpu.dma_semaphore, #tpu.memory_space<semaphore_mem>>) src(%arg14 : memref<40x144xf32, #tpu.memory_space<vmem>>) dst(%dma_wait3A_95 : memref<40x144xf32, #tpu.memory_space<vmem_shared>>)
      tpu.yield
    }) : () -> ()
    %add3A_12 = arith.constant 40 : i32
    %add3A_13 = arith.addi %mul3A_9, %add3A_12 : i32
    "tpu.region"() ({
      %run_scoped3A = tpu.sem_alloc : memref<!tpu.dma_semaphore, #tpu.memory_space<semaphore_mem>>
      %dma_start3A_89 = arith.constant 0 : i32
      %dma_start3A_90 = tpu.memref_slice %arg16[%add3A_13, %dma_start3A_89] : memref<10112x144xf32, #tpu.memory_space<vmem_shared>> -> memref<40x144xf32, #tpu.memory_space<vmem_shared>>
      %dma_start3A_91 = arith.constant 0 : i32
      %dma_start3A_92 = tpu.memref_slice %arg16[%add3A_13, %dma_start3A_91] : memref<10112x144xf32, #tpu.memory_space<vmem_shared>> -> memref<40x144xf32, #tpu.memory_space<vmem_shared>>
      tpu.enqueue_dma source(%arg14 : memref<40x144xf32, #tpu.memory_space<vmem>>) target(%dma_start3A_92 : memref<40x144xf32, #tpu.memory_space<vmem_shared>>) target_semaphore(%run_scoped3A : memref<!tpu.dma_semaphore, #tpu.memory_space<semaphore_mem>>)
      %dma_wait3A = arith.constant 0 : i32
      %dma_wait3A_93 = tpu.memref_slice %arg16[%add3A_13, %dma_wait3A] : memref<10112x144xf32, #tpu.memory_space<vmem_shared>> -> memref<40x144xf32, #tpu.memory_space<vmem_shared>>
      %dma_wait3A_94 = arith.constant 0 : i32
      %dma_wait3A_95 = tpu.memref_slice %arg16[%add3A_13, %dma_wait3A_94] : memref<10112x144xf32, #tpu.memory_space<vmem_shared>> -> memref<40x144xf32, #tpu.memory_space<vmem_shared>>
      tpu.wait_dma2 semaphore(%run_scoped3A : memref<!tpu.dma_semaphore, #tpu.memory_space<semaphore_mem>>) src(%arg14 : memref<40x144xf32, #tpu.memory_space<vmem>>) dst(%dma_wait3A_95 : memref<40x144xf32, #tpu.memory_space<vmem_shared>>)
      tpu.yield
    }) : () -> ()
    %add3A_14 = arith.constant 80 : i32
    %add3A_15 = arith.addi %mul3A_9, %add3A_14 : i32
    "tpu.region"() ({
      %run_scoped3A = tpu.sem_alloc : memref<!tpu.dma_semaphore, #tpu.memory_space<semaphore_mem>>
      %dma_start3A_89 = arith.constant 0 : i32
      %dma_start3A_90 = tpu.memref_slice %arg16[%add3A_15, %dma_start3A_89] : memref<10112x144xf32, #tpu.memory_space<vmem_shared>> -> memref<40x144xf32, #tpu.memory_space<vmem_shared>>
      %dma_start3A_91 = arith.constant 0 : i32
      %dma_start3A_92 = tpu.memref_slice %arg16[%add3A_15, %dma_start3A_91] : memref<10112x144xf32, #tpu.memory_space<vmem_shared>> -> memref<40x144xf32, #tpu.memory_space<vmem_shared>>
      tpu.enqueue_dma source(%arg14 : memref<40x144xf32, #tpu.memory_space<vmem>>) target(%dma_start3A_92 : memref<40x144xf32, #tpu.memory_space<vmem_shared>>) target_semaphore(%run_scoped3A : memref<!tpu.dma_semaphore, #tpu.memory_space<semaphore_mem>>)
      %dma_wait3A = arith.constant 0 : i32
      %dma_wait3A_93 = tpu.memref_slice %arg16[%add3A_15, %dma_wait3A] : memref<10112x144xf32, #tpu.memory_space<vmem_shared>> -> memref<40x144xf32, #tpu.memory_space<vmem_shared>>
      %dma_wait3A_94 = arith.constant 0 : i32
      %dma_wait3A_95 = tpu.memref_slice %arg16[%add3A_15, %dma_wait3A_94] : memref<10112x144xf32, #tpu.memory_space<vmem_shared>> -> memref<40x144xf32, #tpu.memory_space<vmem_shared>>
      tpu.wait_dma2 semaphore(%run_scoped3A : memref<!tpu.dma_semaphore, #tpu.memory_space<semaphore_mem>>) src(%arg14 : memref<40x144xf32, #tpu.memory_space<vmem>>) dst(%dma_wait3A_95 : memref<40x144xf32, #tpu.memory_space<vmem_shared>>)
      tpu.yield
    }) : () -> ()
    %add3A_16 = arith.constant 120 : i32
    %add3A_17 = arith.addi %mul3A_9, %add3A_16 : i32
    "tpu.region"() ({
      %run_scoped3A = tpu.sem_alloc : memref<!tpu.dma_semaphore, #tpu.memory_space<semaphore_mem>>
      %dma_start3A_89 = arith.constant 0 : i32
      %dma_start3A_90 = tpu.memref_slice %arg16[%add3A_17, %dma_start3A_89] : memref<10112x144xf32, #tpu.memory_space<vmem_shared>> -> memref<40x144xf32, #tpu.memory_space<vmem_shared>>
      %dma_start3A_91 = arith.constant 0 : i32
      %dma_start3A_92 = tpu.memref_slice %arg16[%add3A_17, %dma_start3A_91] : memref<10112x144xf32, #tpu.memory_space<vmem_shared>> -> memref<40x144xf32, #tpu.memory_space<vmem_shared>>
      tpu.enqueue_dma source(%arg14 : memref<40x144xf32, #tpu.memory_space<vmem>>) target(%dma_start3A_92 : memref<40x144xf32, #tpu.memory_space<vmem_shared>>) target_semaphore(%run_scoped3A : memref<!tpu.dma_semaphore, #tpu.memory_space<semaphore_mem>>)
      %dma_wait3A = arith.constant 0 : i32
      %dma_wait3A_93 = tpu.memref_slice %arg16[%add3A_17, %dma_wait3A] : memref<10112x144xf32, #tpu.memory_space<vmem_shared>> -> memref<40x144xf32, #tpu.memory_space<vmem_shared>>
      %dma_wait3A_94 = arith.constant 0 : i32
      %dma_wait3A_95 = tpu.memref_slice %arg16[%add3A_17, %dma_wait3A_94] : memref<10112x144xf32, #tpu.memory_space<vmem_shared>> -> memref<40x144xf32, #tpu.memory_space<vmem_shared>>
      tpu.wait_dma2 semaphore(%run_scoped3A : memref<!tpu.dma_semaphore, #tpu.memory_space<semaphore_mem>>) src(%arg14 : memref<40x144xf32, #tpu.memory_space<vmem>>) dst(%dma_wait3A_95 : memref<40x144xf32, #tpu.memory_space<vmem_shared>>)
      tpu.yield
    }) : () -> ()
    %add3A_18 = arith.constant 160 : i32
    %add3A_19 = arith.addi %mul3A_9, %add3A_18 : i32
    "tpu.region"() ({
      %run_scoped3A = tpu.sem_alloc : memref<!tpu.dma_semaphore, #tpu.memory_space<semaphore_mem>>
      %dma_start3A_89 = arith.constant 0 : i32
      %dma_start3A_90 = tpu.memref_slice %arg16[%add3A_19, %dma_start3A_89] : memref<10112x144xf32, #tpu.memory_space<vmem_shared>> -> memref<40x144xf32, #tpu.memory_space<vmem_shared>>
      %dma_start3A_91 = arith.constant 0 : i32
      %dma_start3A_92 = tpu.memref_slice %arg16[%add3A_19, %dma_start3A_91] : memref<10112x144xf32, #tpu.memory_space<vmem_shared>> -> memref<40x144xf32, #tpu.memory_space<vmem_shared>>
      tpu.enqueue_dma source(%arg14 : memref<40x144xf32, #tpu.memory_space<vmem>>) target(%dma_start3A_92 : memref<40x144xf32, #tpu.memory_space<vmem_shared>>) target_semaphore(%run_scoped3A : memref<!tpu.dma_semaphore, #tpu.memory_space<semaphore_mem>>)
      %dma_wait3A = arith.constant 0 : i32
      %dma_wait3A_93 = tpu.memref_slice %arg16[%add3A_19, %dma_wait3A] : memref<10112x144xf32, #tpu.memory_space<vmem_shared>> -> memref<40x144xf32, #tpu.memory_space<vmem_shared>>
      %dma_wait3A_94 = arith.constant 0 : i32
      %dma_wait3A_95 = tpu.memref_slice %arg16[%add3A_19, %dma_wait3A_94] : memref<10112x144xf32, #tpu.memory_space<vmem_shared>> -> memref<40x144xf32, #tpu.memory_space<vmem_shared>>
      tpu.wait_dma2 semaphore(%run_scoped3A : memref<!tpu.dma_semaphore, #tpu.memory_space<semaphore_mem>>) src(%arg14 : memref<40x144xf32, #tpu.memory_space<vmem>>) dst(%dma_wait3A_95 : memref<40x144xf32, #tpu.memory_space<vmem_shared>>)
      tpu.yield
    }) : () -> ()
    %add3A_20 = arith.constant 200 : i32
    %add3A_21 = arith.addi %mul3A_9, %add3A_20 : i32
    "tpu.region"() ({
      %run_scoped3A = tpu.sem_alloc : memref<!tpu.dma_semaphore, #tpu.memory_space<semaphore_mem>>
      %dma_start3A_89 = arith.constant 0 : i32
      %dma_start3A_90 = tpu.memref_slice %arg16[%add3A_21, %dma_start3A_89] : memref<10112x144xf32, #tpu.memory_space<vmem_shared>> -> memref<40x144xf32, #tpu.memory_space<vmem_shared>>
      %dma_start3A_91 = arith.constant 0 : i32
      %dma_start3A_92 = tpu.memref_slice %arg16[%add3A_21, %dma_start3A_91] : memref<10112x144xf32, #tpu.memory_space<vmem_shared>> -> memref<40x144xf32, #tpu.memory_space<vmem_shared>>
      tpu.enqueue_dma source(%arg14 : memref<40x144xf32, #tpu.memory_space<vmem>>) target(%dma_start3A_92 : memref<40x144xf32, #tpu.memory_space<vmem_shared>>) target_semaphore(%run_scoped3A : memref<!tpu.dma_semaphore, #tpu.memory_space<semaphore_mem>>)
      %dma_wait3A = arith.constant 0 : i32
      %dma_wait3A_93 = tpu.memref_slice %arg16[%add3A_21, %dma_wait3A] : memref<10112x144xf32, #tpu.memory_space<vmem_shared>> -> memref<40x144xf32, #tpu.memory_space<vmem_shared>>
      %dma_wait3A_94 = arith.constant 0 : i32
      %dma_wait3A_95 = tpu.memref_slice %arg16[%add3A_21, %dma_wait3A_94] : memref<10112x144xf32, #tpu.memory_space<vmem_shared>> -> memref<40x144xf32, #tpu.memory_space<vmem_shared>>
      tpu.wait_dma2 semaphore(%run_scoped3A : memref<!tpu.dma_semaphore, #tpu.memory_space<semaphore_mem>>) src(%arg14 : memref<40x144xf32, #tpu.memory_space<vmem>>) dst(%dma_wait3A_95 : memref<40x144xf32, #tpu.memory_space<vmem_shared>>)
      tpu.yield
    }) : () -> ()
    %add3A_22 = arith.constant 240 : i32
    %add3A_23 = arith.addi %mul3A_9, %add3A_22 : i32
    "tpu.region"() ({
      %run_scoped3A = tpu.sem_alloc : memref<!tpu.dma_semaphore, #tpu.memory_space<semaphore_mem>>
      %dma_start3A_89 = arith.constant 0 : i32
      %dma_start3A_90 = tpu.memref_slice %arg16[%add3A_23, %dma_start3A_89] : memref<10112x144xf32, #tpu.memory_space<vmem_shared>> -> memref<40x144xf32, #tpu.memory_space<vmem_shared>>
      %dma_start3A_91 = arith.constant 0 : i32
      %dma_start3A_92 = tpu.memref_slice %arg16[%add3A_23, %dma_start3A_91] : memref<10112x144xf32, #tpu.memory_space<vmem_shared>> -> memref<40x144xf32, #tpu.memory_space<vmem_shared>>
      tpu.enqueue_dma source(%arg14 : memref<40x144xf32, #tpu.memory_space<vmem>>) target(%dma_start3A_92 : memref<40x144xf32, #tpu.memory_space<vmem_shared>>) target_semaphore(%run_scoped3A : memref<!tpu.dma_semaphore, #tpu.memory_space<semaphore_mem>>)
      %dma_wait3A = arith.constant 0 : i32
      %dma_wait3A_93 = tpu.memref_slice %arg16[%add3A_23, %dma_wait3A] : memref<10112x144xf32, #tpu.memory_space<vmem_shared>> -> memref<40x144xf32, #tpu.memory_space<vmem_shared>>
      %dma_wait3A_94 = arith.constant 0 : i32
      %dma_wait3A_95 = tpu.memref_slice %arg16[%add3A_23, %dma_wait3A_94] : memref<10112x144xf32, #tpu.memory_space<vmem_shared>> -> memref<40x144xf32, #tpu.memory_space<vmem_shared>>
      tpu.wait_dma2 semaphore(%run_scoped3A : memref<!tpu.dma_semaphore, #tpu.memory_space<semaphore_mem>>) src(%arg14 : memref<40x144xf32, #tpu.memory_space<vmem>>) dst(%dma_wait3A_95 : memref<40x144xf32, #tpu.memory_space<vmem_shared>>)
      tpu.yield
    }) : () -> ()
    %add3A_24 = arith.constant 280 : i32
    %add3A_25 = arith.addi %mul3A_9, %add3A_24 : i32
    "tpu.region"() ({
      %run_scoped3A = tpu.sem_alloc : memref<!tpu.dma_semaphore, #tpu.memory_space<semaphore_mem>>
      %dma_start3A_89 = arith.constant 0 : i32
      %dma_start3A_90 = tpu.memref_slice %arg16[%add3A_25, %dma_start3A_89] : memref<10112x144xf32, #tpu.memory_space<vmem_shared>> -> memref<40x144xf32, #tpu.memory_space<vmem_shared>>
      %dma_start3A_91 = arith.constant 0 : i32
      %dma_start3A_92 = tpu.memref_slice %arg16[%add3A_25, %dma_start3A_91] : memref<10112x144xf32, #tpu.memory_space<vmem_shared>> -> memref<40x144xf32, #tpu.memory_space<vmem_shared>>
      tpu.enqueue_dma source(%arg14 : memref<40x144xf32, #tpu.memory_space<vmem>>) target(%dma_start3A_92 : memref<40x144xf32, #tpu.memory_space<vmem_shared>>) target_semaphore(%run_scoped3A : memref<!tpu.dma_semaphore, #tpu.memory_space<semaphore_mem>>)
      %dma_wait3A = arith.constant 0 : i32
      %dma_wait3A_93 = tpu.memref_slice %arg16[%add3A_25, %dma_wait3A] : memref<10112x144xf32, #tpu.memory_space<vmem_shared>> -> memref<40x144xf32, #tpu.memory_space<vmem_shared>>
      %dma_wait3A_94 = arith.constant 0 : i32
      %dma_wait3A_95 = tpu.memref_slice %arg16[%add3A_25, %dma_wait3A_94] : memref<10112x144xf32, #tpu.memory_space<vmem_shared>> -> memref<40x144xf32, #tpu.memory_space<vmem_shared>>
      tpu.wait_dma2 semaphore(%run_scoped3A : memref<!tpu.dma_semaphore, #tpu.memory_space<semaphore_mem>>) src(%arg14 : memref<40x144xf32, #tpu.memory_space<vmem>>) dst(%dma_wait3A_95 : memref<40x144xf32, #tpu.memory_space<vmem_shared>>)
      tpu.yield
    }) : () -> ()
    %add3A_26 = arith.constant 320 : i32
    %add3A_27 = arith.addi %mul3A_9, %add3A_26 : i32
    "tpu.region"() ({
      %run_scoped3A = tpu.sem_alloc : memref<!tpu.dma_semaphore, #tpu.memory_space<semaphore_mem>>
      %dma_start3A_89 = arith.constant 0 : i32
      %dma_start3A_90 = tpu.memref_slice %arg16[%add3A_27, %dma_start3A_89] : memref<10112x144xf32, #tpu.memory_space<vmem_shared>> -> memref<40x144xf32, #tpu.memory_space<vmem_shared>>
      %dma_start3A_91 = arith.constant 0 : i32
      %dma_start3A_92 = tpu.memref_slice %arg16[%add3A_27, %dma_start3A_91] : memref<10112x144xf32, #tpu.memory_space<vmem_shared>> -> memref<40x144xf32, #tpu.memory_space<vmem_shared>>
      tpu.enqueue_dma source(%arg14 : memref<40x144xf32, #tpu.memory_space<vmem>>) target(%dma_start3A_92 : memref<40x144xf32, #tpu.memory_space<vmem_shared>>) target_semaphore(%run_scoped3A : memref<!tpu.dma_semaphore, #tpu.memory_space<semaphore_mem>>)
      %dma_wait3A = arith.constant 0 : i32
      %dma_wait3A_93 = tpu.memref_slice %arg16[%add3A_27, %dma_wait3A] : memref<10112x144xf32, #tpu.memory_space<vmem_shared>> -> memref<40x144xf32, #tpu.memory_space<vmem_shared>>
      %dma_wait3A_94 = arith.constant 0 : i32
      %dma_wait3A_95 = tpu.memref_slice %arg16[%add3A_27, %dma_wait3A_94] : memref<10112x144xf32, #tpu.memory_space<vmem_shared>> -> memref<40x144xf32, #tpu.memory_space<vmem_shared>>
      tpu.wait_dma2 semaphore(%run_scoped3A : memref<!tpu.dma_semaphore, #tpu.memory_space<semaphore_mem>>) src(%arg14 : memref<40x144xf32, #tpu.memory_space<vmem>>) dst(%dma_wait3A_95 : memref<40x144xf32, #tpu.memory_space<vmem_shared>>)
      tpu.yield
    }) : () -> ()
    %add3A_28 = arith.constant 360 : i32
    %add3A_29 = arith.addi %mul3A_9, %add3A_28 : i32
    "tpu.region"() ({
      %run_scoped3A = tpu.sem_alloc : memref<!tpu.dma_semaphore, #tpu.memory_space<semaphore_mem>>
      %dma_start3A_89 = arith.constant 0 : i32
      %dma_start3A_90 = tpu.memref_slice %arg16[%add3A_29, %dma_start3A_89] : memref<10112x144xf32, #tpu.memory_space<vmem_shared>> -> memref<40x144xf32, #tpu.memory_space<vmem_shared>>
      %dma_start3A_91 = arith.constant 0 : i32
      %dma_start3A_92 = tpu.memref_slice %arg16[%add3A_29, %dma_start3A_91] : memref<10112x144xf32, #tpu.memory_space<vmem_shared>> -> memref<40x144xf32, #tpu.memory_space<vmem_shared>>
      tpu.enqueue_dma source(%arg14 : memref<40x144xf32, #tpu.memory_space<vmem>>) target(%dma_start3A_92 : memref<40x144xf32, #tpu.memory_space<vmem_shared>>) target_semaphore(%run_scoped3A : memref<!tpu.dma_semaphore, #tpu.memory_space<semaphore_mem>>)
      %dma_wait3A = arith.constant 0 : i32
      %dma_wait3A_93 = tpu.memref_slice %arg16[%add3A_29, %dma_wait3A] : memref<10112x144xf32, #tpu.memory_space<vmem_shared>> -> memref<40x144xf32, #tpu.memory_space<vmem_shared>>
      %dma_wait3A_94 = arith.constant 0 : i32
      %dma_wait3A_95 = tpu.memref_slice %arg16[%add3A_29, %dma_wait3A_94] : memref<10112x144xf32, #tpu.memory_space<vmem_shared>> -> memref<40x144xf32, #tpu.memory_space<vmem_shared>>
      tpu.wait_dma2 semaphore(%run_scoped3A : memref<!tpu.dma_semaphore, #tpu.memory_space<semaphore_mem>>) src(%arg14 : memref<40x144xf32, #tpu.memory_space<vmem>>) dst(%dma_wait3A_95 : memref<40x144xf32, #tpu.memory_space<vmem_shared>>)
      tpu.yield
    }) : () -> ()
    %add3A_30 = arith.constant 400 : i32
    %add3A_31 = arith.addi %mul3A_9, %add3A_30 : i32
    "tpu.region"() ({
      %run_scoped3A = tpu.sem_alloc : memref<!tpu.dma_semaphore, #tpu.memory_space<semaphore_mem>>
      %dma_start3A_89 = arith.constant 0 : i32
      %dma_start3A_90 = tpu.memref_slice %arg16[%add3A_31, %dma_start3A_89] : memref<10112x144xf32, #tpu.memory_space<vmem_shared>> -> memref<40x144xf32, #tpu.memory_space<vmem_shared>>
      %dma_start3A_91 = arith.constant 0 : i32
      %dma_start3A_92 = tpu.memref_slice %arg16[%add3A_31, %dma_start3A_91] : memref<10112x144xf32, #tpu.memory_space<vmem_shared>> -> memref<40x144xf32, #tpu.memory_space<vmem_shared>>
      tpu.enqueue_dma source(%arg14 : memref<40x144xf32, #tpu.memory_space<vmem>>) target(%dma_start3A_92 : memref<40x144xf32, #tpu.memory_space<vmem_shared>>) target_semaphore(%run_scoped3A : memref<!tpu.dma_semaphore, #tpu.memory_space<semaphore_mem>>)
      %dma_wait3A = arith.constant 0 : i32
      %dma_wait3A_93 = tpu.memref_slice %arg16[%add3A_31, %dma_wait3A] : memref<10112x144xf32, #tpu.memory_space<vmem_shared>> -> memref<40x144xf32, #tpu.memory_space<vmem_shared>>
      %dma_wait3A_94 = arith.constant 0 : i32
      %dma_wait3A_95 = tpu.memref_slice %arg16[%add3A_31, %dma_wait3A_94] : memref<10112x144xf32, #tpu.memory_space<vmem_shared>> -> memref<40x144xf32, #tpu.memory_space<vmem_shared>>
      tpu.wait_dma2 semaphore(%run_scoped3A : memref<!tpu.dma_semaphore, #tpu.memory_space<semaphore_mem>>) src(%arg14 : memref<40x144xf32, #tpu.memory_space<vmem>>) dst(%dma_wait3A_95 : memref<40x144xf32, #tpu.memory_space<vmem_shared>>)
      tpu.yield
    }) : () -> ()
    %add3A_32 = arith.constant 440 : i32
    %add3A_33 = arith.addi %mul3A_9, %add3A_32 : i32
    "tpu.region"() ({
      %run_scoped3A = tpu.sem_alloc : memref<!tpu.dma_semaphore, #tpu.memory_space<semaphore_mem>>
      %dma_start3A_89 = arith.constant 0 : i32
      %dma_start3A_90 = tpu.memref_slice %arg16[%add3A_33, %dma_start3A_89] : memref<10112x144xf32, #tpu.memory_space<vmem_shared>> -> memref<40x144xf32, #tpu.memory_space<vmem_shared>>
      %dma_start3A_91 = arith.constant 0 : i32
      %dma_start3A_92 = tpu.memref_slice %arg16[%add3A_33, %dma_start3A_91] : memref<10112x144xf32, #tpu.memory_space<vmem_shared>> -> memref<40x144xf32, #tpu.memory_space<vmem_shared>>
      tpu.enqueue_dma source(%arg14 : memref<40x144xf32, #tpu.memory_space<vmem>>) target(%dma_start3A_92 : memref<40x144xf32, #tpu.memory_space<vmem_shared>>) target_semaphore(%run_scoped3A : memref<!tpu.dma_semaphore, #tpu.memory_space<semaphore_mem>>)
      %dma_wait3A = arith.constant 0 : i32
      %dma_wait3A_93 = tpu.memref_slice %arg16[%add3A_33, %dma_wait3A] : memref<10112x144xf32, #tpu.memory_space<vmem_shared>> -> memref<40x144xf32, #tpu.memory_space<vmem_shared>>
      %dma_wait3A_94 = arith.constant 0 : i32
      %dma_wait3A_95 = tpu.memref_slice %arg16[%add3A_33, %dma_wait3A_94] : memref<10112x144xf32, #tpu.memory_space<vmem_shared>> -> memref<40x144xf32, #tpu.memory_space<vmem_shared>>
      tpu.wait_dma2 semaphore(%run_scoped3A : memref<!tpu.dma_semaphore, #tpu.memory_space<semaphore_mem>>) src(%arg14 : memref<40x144xf32, #tpu.memory_space<vmem>>) dst(%dma_wait3A_95 : memref<40x144xf32, #tpu.memory_space<vmem_shared>>)
      tpu.yield
    }) : () -> ()
    %add3A_34 = arith.constant 480 : i32
    %add3A_35 = arith.addi %mul3A_9, %add3A_34 : i32
    "tpu.region"() ({
      %run_scoped3A = tpu.sem_alloc : memref<!tpu.dma_semaphore, #tpu.memory_space<semaphore_mem>>
      %dma_start3A_89 = arith.constant 0 : i32
      %dma_start3A_90 = tpu.memref_slice %arg16[%add3A_35, %dma_start3A_89] : memref<10112x144xf32, #tpu.memory_space<vmem_shared>> -> memref<40x144xf32, #tpu.memory_space<vmem_shared>>
      %dma_start3A_91 = arith.constant 0 : i32
      %dma_start3A_92 = tpu.memref_slice %arg16[%add3A_35, %dma_start3A_91] : memref<10112x144xf32, #tpu.memory_space<vmem_shared>> -> memref<40x144xf32, #tpu.memory_space<vmem_shared>>
      tpu.enqueue_dma source(%arg14 : memref<40x144xf32, #tpu.memory_space<vmem>>) target(%dma_start3A_92 : memref<40x144xf32, #tpu.memory_space<vmem_shared>>) target_semaphore(%run_scoped3A : memref<!tpu.dma_semaphore, #tpu.memory_space<semaphore_mem>>)
      %dma_wait3A = arith.constant 0 : i32
      %dma_wait3A_93 = tpu.memref_slice %arg16[%add3A_35, %dma_wait3A] : memref<10112x144xf32, #tpu.memory_space<vmem_shared>> -> memref<40x144xf32, #tpu.memory_space<vmem_shared>>
      %dma_wait3A_94 = arith.constant 0 : i32
      %dma_wait3A_95 = tpu.memref_slice %arg16[%add3A_35, %dma_wait3A_94] : memref<10112x144xf32, #tpu.memory_space<vmem_shared>> -> memref<40x144xf32, #tpu.memory_space<vmem_shared>>
      tpu.wait_dma2 semaphore(%run_scoped3A : memref<!tpu.dma_semaphore, #tpu.memory_space<semaphore_mem>>) src(%arg14 : memref<40x144xf32, #tpu.memory_space<vmem>>) dst(%dma_wait3A_95 : memref<40x144xf32, #tpu.memory_space<vmem_shared>>)
      tpu.yield
    }) : () -> ()
    %add3A_36 = arith.constant 520 : i32
    %add3A_37 = arith.addi %mul3A_9, %add3A_36 : i32
    "tpu.region"() ({
      %run_scoped3A = tpu.sem_alloc : memref<!tpu.dma_semaphore, #tpu.memory_space<semaphore_mem>>
      %dma_start3A_89 = arith.constant 0 : i32
      %dma_start3A_90 = tpu.memref_slice %arg16[%add3A_37, %dma_start3A_89] : memref<10112x144xf32, #tpu.memory_space<vmem_shared>> -> memref<40x144xf32, #tpu.memory_space<vmem_shared>>
      %dma_start3A_91 = arith.constant 0 : i32
      %dma_start3A_92 = tpu.memref_slice %arg16[%add3A_37, %dma_start3A_91] : memref<10112x144xf32, #tpu.memory_space<vmem_shared>> -> memref<40x144xf32, #tpu.memory_space<vmem_shared>>
      tpu.enqueue_dma source(%arg14 : memref<40x144xf32, #tpu.memory_space<vmem>>) target(%dma_start3A_92 : memref<40x144xf32, #tpu.memory_space<vmem_shared>>) target_semaphore(%run_scoped3A : memref<!tpu.dma_semaphore, #tpu.memory_space<semaphore_mem>>)
      %dma_wait3A = arith.constant 0 : i32
      %dma_wait3A_93 = tpu.memref_slice %arg16[%add3A_37, %dma_wait3A] : memref<10112x144xf32, #tpu.memory_space<vmem_shared>> -> memref<40x144xf32, #tpu.memory_space<vmem_shared>>
      %dma_wait3A_94 = arith.constant 0 : i32
      %dma_wait3A_95 = tpu.memref_slice %arg16[%add3A_37, %dma_wait3A_94] : memref<10112x144xf32, #tpu.memory_space<vmem_shared>> -> memref<40x144xf32, #tpu.memory_space<vmem_shared>>
      tpu.wait_dma2 semaphore(%run_scoped3A : memref<!tpu.dma_semaphore, #tpu.memory_space<semaphore_mem>>) src(%arg14 : memref<40x144xf32, #tpu.memory_space<vmem>>) dst(%dma_wait3A_95 : memref<40x144xf32, #tpu.memory_space<vmem_shared>>)
      tpu.yield
    }) : () -> ()
    %add3A_38 = arith.constant 560 : i32
    %add3A_39 = arith.addi %mul3A_9, %add3A_38 : i32
    "tpu.region"() ({
      %run_scoped3A = tpu.sem_alloc : memref<!tpu.dma_semaphore, #tpu.memory_space<semaphore_mem>>
      %dma_start3A_89 = arith.constant 0 : i32
      %dma_start3A_90 = tpu.memref_slice %arg16[%add3A_39, %dma_start3A_89] : memref<10112x144xf32, #tpu.memory_space<vmem_shared>> -> memref<40x144xf32, #tpu.memory_space<vmem_shared>>
      %dma_start3A_91 = arith.constant 0 : i32
      %dma_start3A_92 = tpu.memref_slice %arg16[%add3A_39, %dma_start3A_91] : memref<10112x144xf32, #tpu.memory_space<vmem_shared>> -> memref<40x144xf32, #tpu.memory_space<vmem_shared>>
      tpu.enqueue_dma source(%arg14 : memref<40x144xf32, #tpu.memory_space<vmem>>) target(%dma_start3A_92 : memref<40x144xf32, #tpu.memory_space<vmem_shared>>) target_semaphore(%run_scoped3A : memref<!tpu.dma_semaphore, #tpu.memory_space<semaphore_mem>>)
      %dma_wait3A = arith.constant 0 : i32
      %dma_wait3A_93 = tpu.memref_slice %arg16[%add3A_39, %dma_wait3A] : memref<10112x144xf32, #tpu.memory_space<vmem_shared>> -> memref<40x144xf32, #tpu.memory_space<vmem_shared>>
      %dma_wait3A_94 = arith.constant 0 : i32
      %dma_wait3A_95 = tpu.memref_slice %arg16[%add3A_39, %dma_wait3A_94] : memref<10112x144xf32, #tpu.memory_space<vmem_shared>> -> memref<40x144xf32, #tpu.memory_space<vmem_shared>>
      tpu.wait_dma2 semaphore(%run_scoped3A : memref<!tpu.dma_semaphore, #tpu.memory_space<semaphore_mem>>) src(%arg14 : memref<40x144xf32, #tpu.memory_space<vmem>>) dst(%dma_wait3A_95 : memref<40x144xf32, #tpu.memory_space<vmem_shared>>)
      tpu.yield
    }) : () -> ()
    %add3A_40 = arith.constant 600 : i32
    %add3A_41 = arith.addi %mul3A_9, %add3A_40 : i32
    "tpu.region"() ({
      %run_scoped3A = tpu.sem_alloc : memref<!tpu.dma_semaphore, #tpu.memory_space<semaphore_mem>>
      %dma_start3A_89 = arith.constant 0 : i32
      %dma_start3A_90 = arith.constant 0 : i32
      %dma_start3A_91 = tpu.memref_slice %arg14[%dma_start3A_89, %dma_start3A_90] : memref<40x144xf32, #tpu.memory_space<vmem>> -> memref<32x144xf32, #tpu.memory_space<vmem>>
      %dma_start3A_92 = arith.constant 0 : i32
      %dma_start3A_93 = tpu.memref_slice %arg16[%add3A_41, %dma_start3A_92] : memref<10112x144xf32, #tpu.memory_space<vmem_shared>> -> memref<32x144xf32, #tpu.memory_space<vmem_shared>>
      %dma_start3A_94 = arith.constant 0 : i32
      %dma_start3A_95 = tpu.memref_slice %arg16[%add3A_41, %dma_start3A_94] : memref<10112x144xf32, #tpu.memory_space<vmem_shared>> -> memref<32x144xf32, #tpu.memory_space<vmem_shared>>
      %dma_start3A_96 = arith.constant 0 : i32
      %dma_start3A_97 = arith.constant 0 : i32
      %dma_start3A_98 = tpu.memref_slice %arg14[%dma_start3A_96, %dma_start3A_97] : memref<40x144xf32, #tpu.memory_space<vmem>> -> memref<32x144xf32, #tpu.memory_space<vmem>>
      tpu.enqueue_dma source(%dma_start3A_98 : memref<32x144xf32, #tpu.memory_space<vmem>>) target(%dma_start3A_95 : memref<32x144xf32, #tpu.memory_space<vmem_shared>>) target_semaphore(%run_scoped3A : memref<!tpu.dma_semaphore, #tpu.memory_space<semaphore_mem>>)
      %dma_wait3A = arith.constant 0 : i32
      %dma_wait3A_99 = arith.constant 0 : i32
      %dma_wait3A_100 = tpu.memref_slice %arg14[%dma_wait3A, %dma_wait3A_99] : memref<40x144xf32, #tpu.memory_space<vmem>> -> memref<32x144xf32, #tpu.memory_space<vmem>>
      %dma_wait3A_101 = arith.constant 0 : i32
      %dma_wait3A_102 = tpu.memref_slice %arg16[%add3A_41, %dma_wait3A_101] : memref<10112x144xf32, #tpu.memory_space<vmem_shared>> -> memref<32x144xf32, #tpu.memory_space<vmem_shared>>
      %dma_wait3A_103 = arith.constant 0 : i32
      %dma_wait3A_104 = tpu.memref_slice %arg16[%add3A_41, %dma_wait3A_103] : memref<10112x144xf32, #tpu.memory_space<vmem_shared>> -> memref<32x144xf32, #tpu.memory_space<vmem_shared>>
      %dma_wait3A_105 = arith.constant 0 : i32
      %dma_wait3A_106 = arith.constant 0 : i32
      %dma_wait3A_107 = tpu.memref_slice %arg14[%dma_wait3A_105, %dma_wait3A_106] : memref<40x144xf32, #tpu.memory_space<vmem>> -> memref<32x144xf32, #tpu.memory_space<vmem>>
      tpu.wait_dma2 semaphore(%run_scoped3A : memref<!tpu.dma_semaphore, #tpu.memory_space<semaphore_mem>>) src(%dma_wait3A_107 : memref<32x144xf32, #tpu.memory_space<vmem>>) dst(%dma_wait3A_104 : memref<32x144xf32, #tpu.memory_space<vmem_shared>>)
      tpu.yield
    }) : () -> ()
    "tpu.region"() ({
      %run_scoped3A = tpu.sem_alloc : memref<!tpu.dma_semaphore, #tpu.memory_space<semaphore_mem>>
      tpu.enqueue_dma source(%arg6 : memref<16xf32, #tpu.memory_space<hbm>>) target(%arg15 : memref<16xf32, #tpu.memory_space<vmem>>) target_semaphore(%run_scoped3A : memref<!tpu.dma_semaphore, #tpu.memory_space<semaphore_mem>>)
      tpu.wait_dma2 semaphore(%run_scoped3A : memref<!tpu.dma_semaphore, #tpu.memory_space<semaphore_mem>>) src(%arg6 : memref<16xf32, #tpu.memory_space<hbm>>) dst(%arg15 : memref<16xf32, #tpu.memory_space<vmem>>)
      tpu.yield
    }) : () -> ()
    %barrier3A = arith.constant 0 : index
    tpu.barrier barrier_id(%barrier3A)
    %get3A = arith.constant 0 : index
    %get3A_42 = tpu.vector_load %arg15[%get3A] {strides = array<i32>} : memref<16xf32, #tpu.memory_space<vmem>>, vector<16xf32>,
    %mul3A_43 = arith.constant 10000 : i32
    %mul3A_44 = arith.muli %add3A, %mul3A_43 : i32
    %add3A_45 = arith.constant 0 : i32
    %add3A_46 = arith.addi %mul3A_44, %add3A_45 : i32
    %multiple_of3A = tpu.assume_multiple %add3A_46, 8 : i32
    "tpu.region"() ({
      %run_scoped3A = tpu.sem_alloc : memref<!tpu.dma_semaphore, #tpu.memory_space<semaphore_mem>>
      %dma_start3A_89 = tpu.memref_slice %arg4[%multiple_of3A] : memref<320000xi32, #tpu.memory_space<hbm>> -> memref<40xi32, #tpu.memory_space<hbm>>
      %dma_start3A_90 = tpu.memref_slice %arg4[%multiple_of3A] : memref<320000xi32, #tpu.memory_space<hbm>> -> memref<40xi32, #tpu.memory_space<hbm>>
      tpu.enqueue_dma source(%dma_start3A_90 : memref<40xi32, #tpu.memory_space<hbm>>) target(%arg8 : memref<40xi32, #tpu.memory_space<vmem>>) target_semaphore(%run_scoped3A : memref<!tpu.dma_semaphore, #tpu.memory_space<semaphore_mem>>)
      %dma_wait3A = tpu.memref_slice %arg4[%multiple_of3A] : memref<320000xi32, #tpu.memory_space<hbm>> -> memref<40xi32, #tpu.memory_space<hbm>>
      %dma_wait3A_91 = tpu.memref_slice %arg4[%multiple_of3A] : memref<320000xi32, #tpu.memory_space<hbm>> -> memref<40xi32, #tpu.memory_space<hbm>>
      tpu.wait_dma2 semaphore(%run_scoped3A : memref<!tpu.dma_semaphore, #tpu.memory_space<semaphore_mem>>) src(%dma_wait3A_91 : memref<40xi32, #tpu.memory_space<hbm>>) dst(%arg8 : memref<40xi32, #tpu.memory_space<vmem>>)
      tpu.yield
    }) : () -> ()
    "tpu.region"() ({
      %run_scoped3A = tpu.sem_alloc : memref<!tpu.dma_semaphore, #tpu.memory_space<semaphore_mem>>
      %dma_start3A_89 = tpu.memref_slice %arg5[%multiple_of3A] : memref<320000xi32, #tpu.memory_space<hbm>> -> memref<40xi32, #tpu.memory_space<hbm>>
      %dma_start3A_90 = tpu.memref_slice %arg5[%multiple_of3A] : memref<320000xi32, #tpu.memory_space<hbm>> -> memref<40xi32, #tpu.memory_space<hbm>>
      tpu.enqueue_dma source(%dma_start3A_90 : memref<40xi32, #tpu.memory_space<hbm>>) target(%arg10 : memref<40xi32, #tpu.memory_space<vmem>>) target_semaphore(%run_scoped3A : memref<!tpu.dma_semaphore, #tpu.memory_space<semaphore_mem>>)
      %dma_wait3A = tpu.memref_slice %arg5[%multiple_of3A] : memref<320000xi32, #tpu.memory_space<hbm>> -> memref<40xi32, #tpu.memory_space<hbm>>
      %dma_wait3A_91 = tpu.memref_slice %arg5[%multiple_of3A] : memref<320000xi32, #tpu.memory_space<hbm>> -> memref<40xi32, #tpu.memory_space<hbm>>
      tpu.wait_dma2 semaphore(%run_scoped3A : memref<!tpu.dma_semaphore, #tpu.memory_space<semaphore_mem>>) src(%dma_wait3A_91 : memref<40xi32, #tpu.memory_space<hbm>>) dst(%arg10 : memref<40xi32, #tpu.memory_space<vmem>>)
      tpu.yield
    }) : () -> ()
    %dma_start3A = arith.constant 0 : i32
    %dma_start3A_47 = arith.constant 0 : i32
    %dma_start3A_48 = arith.constant 0 : i32
    %dma_start3A_49 = tpu.memref_slice %arg12[%dma_start3A, %dma_start3A_47, %dma_start3A_48] : memref<2x40x144xf32, #tpu.memory_space<vmem>> -> memref<1x40x144xf32, #tpu.memory_space<vmem>>
    %dma_start3A_50 = tpu.memref_squeeze %dma_start3A_49 : memref<1x40x144xf32, #tpu.memory_space<vmem>> -> memref<40x144xf32, #tpu.memory_space<vmem>>
    %dma_start3A_51 = arith.constant 0 : i32
    %dma_start3A_52 = arith.constant 0 : i32
    %dma_start3A_53 = tpu.memref_slice %arg2[%dma_start3A_51, %dma_start3A_52] : memref<10000x144xf32, #tpu.memory_space<hbm>> -> memref<10000x144xf32, #tpu.memory_space<hbm>>
    tpu.enqueue_indirect_dma source(%dma_start3A_53 : memref<10000x144xf32, #tpu.memory_space<hbm>>) target(%dma_start3A_50 : memref<40x144xf32, #tpu.memory_space<vmem>>) offsets(%arg8 : memref<40xi32, #tpu.memory_space<vmem>>) semaphore(%arg17 : memref<!tpu.dma_semaphore, #tpu.memory_space<semaphore_mem>>)
    %dma_start3A_54 = arith.constant 0 : i32
    %dma_start3A_55 = arith.constant 0 : i32
    %dma_start3A_56 = arith.constant 0 : i32
    %dma_start3A_57 = tpu.memref_slice %arg13[%dma_start3A_54, %dma_start3A_55, %dma_start3A_56] : memref<2x40x128xf32, #tpu.memory_space<vmem>> -> memref<1x40x128xf32, #tpu.memory_space<vmem>>
    %dma_start3A_58 = tpu.memref_squeeze %dma_start3A_57 : memref<1x40x128xf32, #tpu.memory_space<vmem>> -> memref<40x128xf32, #tpu.memory_space<vmem>>
    %dma_start3A_59 = arith.constant 0 : i32
    %dma_start3A_60 = arith.constant 0 : i32
    %dma_start3A_61 = tpu.memref_slice %arg3[%dma_start3A_59, %dma_start3A_60] : memref<10000x128xf32, #tpu.memory_space<hbm>> -> memref<10000x128xf32, #tpu.memory_space<hbm>>
    tpu.enqueue_indirect_dma source(%dma_start3A_61 : memref<10000x128xf32, #tpu.memory_space<hbm>>) target(%dma_start3A_58 : memref<40x128xf32, #tpu.memory_space<vmem>>) offsets(%arg10 : memref<40xi32, #tpu.memory_space<vmem>>) semaphore(%arg19 : memref<!tpu.dma_semaphore, #tpu.memory_space<semaphore_mem>>)
    %add3A_62 = arith.constant 40 : i32
    %add3A_63 = arith.addi %mul3A_44, %add3A_62 : i32
    %multiple_of3A_64 = tpu.assume_multiple %add3A_63, 8 : i32
    "tpu.region"() ({
      %run_scoped3A = tpu.sem_alloc : memref<!tpu.dma_semaphore, #tpu.memory_space<semaphore_mem>>
      %dma_start3A_89 = tpu.memref_slice %arg4[%multiple_of3A_64] : memref<320000xi32, #tpu.memory_space<hbm>> -> memref<40xi32, #tpu.memory_space<hbm>>
      %dma_start3A_90 = tpu.memref_slice %arg4[%multiple_of3A_64] : memref<320000xi32, #tpu.memory_space<hbm>> -> memref<40xi32, #tpu.memory_space<hbm>>
      tpu.enqueue_dma source(%dma_start3A_90 : memref<40xi32, #tpu.memory_space<hbm>>) target(%arg9 : memref<40xi32, #tpu.memory_space<vmem>>) target_semaphore(%run_scoped3A : memref<!tpu.dma_semaphore, #tpu.memory_space<semaphore_mem>>)
      %dma_wait3A = tpu.memref_slice %arg4[%multiple_of3A_64] : memref<320000xi32, #tpu.memory_space<hbm>> -> memref<40xi32, #tpu.memory_space<hbm>>
      %dma_wait3A_91 = tpu.memref_slice %arg4[%multiple_of3A_64] : memref<320000xi32, #tpu.memory_space<hbm>> -> memref<40xi32, #tpu.memory_space<hbm>>
      tpu.wait_dma2 semaphore(%run_scoped3A : memref<!tpu.dma_semaphore, #tpu.memory_space<semaphore_mem>>) src(%dma_wait3A_91 : memref<40xi32, #tpu.memory_space<hbm>>) dst(%arg9 : memref<40xi32, #tpu.memory_space<vmem>>)
      tpu.yield
    }) : () -> ()
    "tpu.region"() ({
      %run_scoped3A = tpu.sem_alloc : memref<!tpu.dma_semaphore, #tpu.memory_space<semaphore_mem>>
      %dma_start3A_89 = tpu.memref_slice %arg5[%multiple_of3A_64] : memref<320000xi32, #tpu.memory_space<hbm>> -> memref<40xi32, #tpu.memory_space<hbm>>
      %dma_start3A_90 = tpu.memref_slice %arg5[%multiple_of3A_64] : memref<320000xi32, #tpu.memory_space<hbm>> -> memref<40xi32, #tpu.memory_space<hbm>>
      tpu.enqueue_dma source(%dma_start3A_90 : memref<40xi32, #tpu.memory_space<hbm>>) target(%arg11 : memref<40xi32, #tpu.memory_space<vmem>>) target_semaphore(%run_scoped3A : memref<!tpu.dma_semaphore, #tpu.memory_space<semaphore_mem>>)
      %dma_wait3A = tpu.memref_slice %arg5[%multiple_of3A_64] : memref<320000xi32, #tpu.memory_space<hbm>> -> memref<40xi32, #tpu.memory_space<hbm>>
      %dma_wait3A_91 = tpu.memref_slice %arg5[%multiple_of3A_64] : memref<320000xi32, #tpu.memory_space<hbm>> -> memref<40xi32, #tpu.memory_space<hbm>>
      tpu.wait_dma2 semaphore(%run_scoped3A : memref<!tpu.dma_semaphore, #tpu.memory_space<semaphore_mem>>) src(%dma_wait3A_91 : memref<40xi32, #tpu.memory_space<hbm>>) dst(%arg11 : memref<40xi32, #tpu.memory_space<vmem>>)
      tpu.yield
    }) : () -> ()
    %dma_start3A_65 = arith.constant 1 : i32
    %dma_start3A_66 = arith.constant 0 : i32
    %dma_start3A_67 = arith.constant 0 : i32
    %dma_start3A_68 = tpu.memref_slice %arg12[%dma_start3A_65, %dma_start3A_66, %dma_start3A_67] : memref<2x40x144xf32, #tpu.memory_space<vmem>> -> memref<1x40x144xf32, #tpu.memory_space<vmem>>
    %dma_start3A_69 = tpu.memref_squeeze %dma_start3A_68 : memref<1x40x144xf32, #tpu.memory_space<vmem>> -> memref<40x144xf32, #tpu.memory_space<vmem>>
    %dma_start3A_70 = arith.constant 0 : i32
    %dma_start3A_71 = arith.constant 0 : i32
    %dma_start3A_72 = tpu.memref_slice %arg2[%dma_start3A_70, %dma_start3A_71] : memref<10000x144xf32, #tpu.memory_space<hbm>> -> memref<10000x144xf32, #tpu.memory_space<hbm>>
    tpu.enqueue_indirect_dma source(%dma_start3A_72 : memref<10000x144xf32, #tpu.memory_space<hbm>>) target(%dma_start3A_69 : memref<40x144xf32, #tpu.memory_space<vmem>>) offsets(%arg9 : memref<40xi32, #tpu.memory_space<vmem>>) semaphore(%arg18 : memref<!tpu.dma_semaphore, #tpu.memory_space<semaphore_mem>>)
    %dma_start3A_73 = arith.constant 1 : i32
    %dma_start3A_74 = arith.constant 0 : i32
    %dma_start3A_75 = arith.constant 0 : i32
    %dma_start3A_76 = tpu.memref_slice %arg13[%dma_start3A_73, %dma_start3A_74, %dma_start3A_75] : memref<2x40x128xf32, #tpu.memory_space<vmem>> -> memref<1x40x128xf32, #tpu.memory_space<vmem>>
    %dma_start3A_77 = tpu.memref_squeeze %dma_start3A_76 : memref<1x40x128xf32, #tpu.memory_space<vmem>> -> memref<40x128xf32, #tpu.memory_space<vmem>>
    %dma_start3A_78 = arith.constant 0 : i32
    %dma_start3A_79 = arith.constant 0 : i32
    %dma_start3A_80 = tpu.memref_slice %arg3[%dma_start3A_78, %dma_start3A_79] : memref<10000x128xf32, #tpu.memory_space<hbm>> -> memref<10000x128xf32, #tpu.memory_space<hbm>>
    tpu.enqueue_indirect_dma source(%dma_start3A_80 : memref<10000x128xf32, #tpu.memory_space<hbm>>) target(%dma_start3A_77 : memref<40x128xf32, #tpu.memory_space<vmem>>) offsets(%arg11 : memref<40xi32, #tpu.memory_space<vmem>>) semaphore(%arg20 : memref<!tpu.dma_semaphore, #tpu.memory_space<semaphore_mem>>)
    %scan3A_81 = arith.constant 0 : i32
    %scan3A_82 = arith.constant 0 : i32
    %scan3A_83 = arith.constant 125 : i32
    %scan3A_84 = arith.addi %scan3A_82, %scan3A_83 : i32
    %scan3A_85 = arith.constant 1 : i32
    %scan3A_86 = scf.for %scan3A_89 = %scan3A_82 to %scan3A_84 step %scan3A_85 iter_args(%scan3A_90 = %scan3A_81) -> (i32)  : i32 {
      %mul3A_91 = arith.constant 2 : i32
      %mul3A_92 = arith.muli %scan3A_89, %mul3A_91 : i32
      %add3A_93 = arith.constant 0 : i32
      %add3A_94 = arith.addi %mul3A_92, %add3A_93 : i32
      %dma_wait3A = arith.constant 0 : i32
      %dma_wait3A_95 = arith.constant 0 : i32
      %dma_wait3A_96 = arith.constant 0 : i32
      %dma_wait3A_97 = tpu.memref_slice %arg12[%dma_wait3A, %dma_wait3A_95, %dma_wait3A_96] : memref<2x40x144xf32, #tpu.memory_space<vmem>> -> memref<1x40x144xf32, #tpu.memory_space<vmem>>
      %dma_wait3A_98 = tpu.memref_squeeze %dma_wait3A_97 : memref<1x40x144xf32, #tpu.memory_space<vmem>> -> memref<40x144xf32, #tpu.memory_space<vmem>>
      %dma_wait3A_99 = arith.constant 0 : i32
      %dma_wait3A_100 = arith.constant 0 : i32
      %dma_wait3A_101 = tpu.memref_slice %arg2[%dma_wait3A_99, %dma_wait3A_100] : memref<10000x144xf32, #tpu.memory_space<hbm>> -> memref<10000x144xf32, #tpu.memory_space<hbm>>
      tpu.wait_indirect_dma semaphore(%arg17 : memref<!tpu.dma_semaphore, #tpu.memory_space<semaphore_mem>>) src(%dma_wait3A_101 : memref<10000x144xf32, #tpu.memory_space<hbm>>) dst(%dma_wait3A_98 : memref<40x144xf32, #tpu.memory_space<vmem>>)
      %dma_wait3A_102 = arith.constant 0 : i32
      %dma_wait3A_103 = arith.constant 0 : i32
      %dma_wait3A_104 = arith.constant 0 : i32
      %dma_wait3A_105 = tpu.memref_slice %arg13[%dma_wait3A_102, %dma_wait3A_103, %dma_wait3A_104] : memref<2x40x128xf32, #tpu.memory_space<vmem>> -> memref<1x40x128xf32, #tpu.memory_space<vmem>>
      %dma_wait3A_106 = tpu.memref_squeeze %dma_wait3A_105 : memref<1x40x128xf32, #tpu.memory_space<vmem>> -> memref<40x128xf32, #tpu.memory_space<vmem>>
      %dma_wait3A_107 = arith.constant 0 : i32
      %dma_wait3A_108 = arith.constant 0 : i32
      %dma_wait3A_109 = tpu.memref_slice %arg3[%dma_wait3A_107, %dma_wait3A_108] : memref<10000x128xf32, #tpu.memory_space<hbm>> -> memref<10000x128xf32, #tpu.memory_space<hbm>>
      tpu.wait_indirect_dma semaphore(%arg19 : memref<!tpu.dma_semaphore, #tpu.memory_space<semaphore_mem>>) src(%dma_wait3A_109 : memref<10000x128xf32, #tpu.memory_space<hbm>>) dst(%dma_wait3A_106 : memref<40x128xf32, #tpu.memory_space<vmem>>)
      %eq3A = arith.constant 0 : i32
      %eq3A_110 = vector.broadcast %eq3A : i32 to vector<16xi32>
      %eq3A_111 = arith.cmpi eq, %iota3A, %eq3A_110 : vector<16xi32>
      %jit3A = arith.constant 1.000000e+00 : f32
      %jit3A_112 = arith.constant 0.000000e+00 : f32
      %broadcast_in_dim3A_113 = vector.broadcast %jit3A : f32 to vector<16xf32>
      %broadcast_in_dim3A_114 = vector.broadcast %jit3A_112 : f32 to vector<16xf32>
      %select_n3A = arith.select %eq3A_111, %broadcast_in_dim3A_113, %broadcast_in_dim3A_114 : vector<16xi1>, vector<16xf32>
      %eq3A_115 = arith.constant 1 : i32
      %eq3A_116 = vector.broadcast %eq3A_115 : i32 to vector<16xi32>
      %eq3A_117 = arith.cmpi eq, %iota3A, %eq3A_116 : vector<16xi32>
      %jit3A_118 = arith.constant 1.000000e+00 : f32
      %jit3A_119 = arith.constant 0.000000e+00 : f32
      %broadcast_in_dim3A_120 = vector.broadcast %jit3A_118 : f32 to vector<16xf32>
      %broadcast_in_dim3A_121 = vector.broadcast %jit3A_119 : f32 to vector<16xf32>
      %select_n3A_122 = arith.select %eq3A_117, %broadcast_in_dim3A_120, %broadcast_in_dim3A_121 : vector<16xi1>, vector<16xf32>
      %eq3A_123 = arith.constant 2 : i32
      %eq3A_124 = vector.broadcast %eq3A_123 : i32 to vector<16xi32>
      %eq3A_125 = arith.cmpi eq, %iota3A, %eq3A_124 : vector<16xi32>
      %jit3A_126 = arith.constant 1.000000e+00 : f32
      %jit3A_127 = arith.constant 0.000000e+00 : f32
      %broadcast_in_dim3A_128 = vector.broadcast %jit3A_126 : f32 to vector<16xf32>
      %broadcast_in_dim3A_129 = vector.broadcast %jit3A_127 : f32 to vector<16xf32>
      %select_n3A_130 = arith.select %eq3A_125, %broadcast_in_dim3A_128, %broadcast_in_dim3A_129 : vector<16xi1>, vector<16xf32>
      %eq3A_131 = arith.constant 3 : i32
      %eq3A_132 = vector.broadcast %eq3A_131 : i32 to vector<16xi32>
      %eq3A_133 = arith.cmpi eq, %iota3A, %eq3A_132 : vector<16xi32>
      %jit3A_134 = arith.constant 1.000000e+00 : f32
      %jit3A_135 = arith.constant 0.000000e+00 : f32
      %broadcast_in_dim3A_136 = vector.broadcast %jit3A_134 : f32 to vector<16xf32>
      %broadcast_in_dim3A_137 = vector.broadcast %jit3A_135 : f32 to vector<16xf32>
      %select_n3A_138 = arith.select %eq3A_133, %broadcast_in_dim3A_136, %broadcast_in_dim3A_137 : vector<16xi1>, vector<16xf32>
      %eq3A_139 = arith.constant 4 : i32
      %eq3A_140 = vector.broadcast %eq3A_139 : i32 to vector<16xi32>
      %eq3A_141 = arith.cmpi eq, %iota3A, %eq3A_140 : vector<16xi32>
      %jit3A_142 = arith.constant 1.000000e+00 : f32
      %jit3A_143 = arith.constant 0.000000e+00 : f32
      %broadcast_in_dim3A_144 = vector.broadcast %jit3A_142 : f32 to vector<16xf32>
      %broadcast_in_dim3A_145 = vector.broadcast %jit3A_143 : f32 to vector<16xf32>
      %select_n3A_146 = arith.select %eq3A_141, %broadcast_in_dim3A_144, %broadcast_in_dim3A_145 : vector<16xi1>, vector<16xf32>
      %eq3A_147 = arith.constant 5 : i32
      %eq3A_148 = vector.broadcast %eq3A_147 : i32 to vector<16xi32>
      %eq3A_149 = arith.cmpi eq, %iota3A, %eq3A_148 : vector<16xi32>
      %jit3A_150 = arith.constant 1.000000e+00 : f32
      %jit3A_151 = arith.constant 0.000000e+00 : f32
      %broadcast_in_dim3A_152 = vector.broadcast %jit3A_150 : f32 to vector<16xf32>
      %broadcast_in_dim3A_153 = vector.broadcast %jit3A_151 : f32 to vector<16xf32>
      %select_n3A_154 = arith.select %eq3A_149, %broadcast_in_dim3A_152, %broadcast_in_dim3A_153 : vector<16xi1>, vector<16xf32>
      %eq3A_155 = arith.constant 6 : i32
      %eq3A_156 = vector.broadcast %eq3A_155 : i32 to vector<16xi32>
      %eq3A_157 = arith.cmpi eq, %iota3A, %eq3A_156 : vector<16xi32>
      %jit3A_158 = arith.constant 1.000000e+00 : f32
      %jit3A_159 = arith.constant 0.000000e+00 : f32
      %broadcast_in_dim3A_160 = vector.broadcast %jit3A_158 : f32 to vector<16xf32>
      %broadcast_in_dim3A_161 = vector.broadcast %jit3A_159 : f32 to vector<16xf32>
      %select_n3A_162 = arith.select %eq3A_157, %broadcast_in_dim3A_160, %broadcast_in_dim3A_161 : vector<16xi1>, vector<16xf32>
      %eq3A_163 = arith.constant 7 : i32
      %eq3A_164 = vector.broadcast %eq3A_163 : i32 to vector<16xi32>
      %eq3A_165 = arith.cmpi eq, %iota3A, %eq3A_164 : vector<16xi32>
      %jit3A_166 = arith.constant 1.000000e+00 : f32
      %jit3A_167 = arith.constant 0.000000e+00 : f32
      %broadcast_in_dim3A_168 = vector.broadcast %jit3A_166 : f32 to vector<16xf32>
      %broadcast_in_dim3A_169 = vector.broadcast %jit3A_167 : f32 to vector<16xf32>
      %select_n3A_170 = arith.select %eq3A_165, %broadcast_in_dim3A_168, %broadcast_in_dim3A_169 : vector<16xi1>, vector<16xf32>
      %parallel_loop3A = arith.constant 0 : i32
      %parallel_loop3A_171 = arith.constant 40 : i32
      %parallel_loop3A_172 = arith.constant 1 : i32
      scf.for %parallel_loop3A_272 = %parallel_loop3A to %parallel_loop3A_171 step %parallel_loop3A_172  : i32 {
        %parallel_loop3A_273 = arith.constant 0 : i32
        %parallel_loop3A_274 = arith.index_cast %parallel_loop3A_273 : i32 to index
        %parallel_loop3A_275 = arith.index_cast %parallel_loop3A_272 : i32 to index
        %parallel_loop3A_276 = arith.constant 0 : index
        %parallel_loop3A_277 = tpu.vector_load %arg12[%parallel_loop3A_274, %parallel_loop3A_275, %parallel_loop3A_276] {strides = array<i32>} : memref<2x40x144xf32, #tpu.memory_space<vmem>>, vector<16xf32>,
        %parallel_loop3A_278 = arith.constant 0 : i32
        %parallel_loop3A_279 = arith.index_cast %parallel_loop3A_278 : i32 to index
        %parallel_loop3A_280 = arith.index_cast %parallel_loop3A_272 : i32 to index
        %parallel_loop3A_281 = arith.constant 16 : index
        %parallel_loop3A_282 = tpu.vector_load %arg12[%parallel_loop3A_279, %parallel_loop3A_280, %parallel_loop3A_281] {strides = array<i32>} : memref<2x40x144xf32, #tpu.memory_space<vmem>>, vector<16xf32>,
        %parallel_loop3A_283 = arith.constant 0 : i32
        %parallel_loop3A_284 = arith.index_cast %parallel_loop3A_283 : i32 to index
        %parallel_loop3A_285 = arith.index_cast %parallel_loop3A_272 : i32 to index
        %parallel_loop3A_286 = arith.constant 32 : index
        %parallel_loop3A_287 = tpu.vector_load %arg12[%parallel_loop3A_284, %parallel_loop3A_285, %parallel_loop3A_286] {strides = array<i32>} : memref<2x40x144xf32, #tpu.memory_space<vmem>>, vector<16xf32>,
        %parallel_loop3A_288 = arith.constant 0 : i32
        %parallel_loop3A_289 = arith.index_cast %parallel_loop3A_288 : i32 to index
        %parallel_loop3A_290 = arith.index_cast %parallel_loop3A_272 : i32 to index
        %parallel_loop3A_291 = arith.constant 48 : index
        %parallel_loop3A_292 = tpu.vector_load %arg12[%parallel_loop3A_289, %parallel_loop3A_290, %parallel_loop3A_291] {strides = array<i32>} : memref<2x40x144xf32, #tpu.memory_space<vmem>>, vector<16xf32>,
        %parallel_loop3A_293 = arith.constant 0 : i32
        %parallel_loop3A_294 = arith.index_cast %parallel_loop3A_293 : i32 to index
        %parallel_loop3A_295 = arith.index_cast %parallel_loop3A_272 : i32 to index
        %parallel_loop3A_296 = arith.constant 64 : index
        %parallel_loop3A_297 = tpu.vector_load %arg12[%parallel_loop3A_294, %parallel_loop3A_295, %parallel_loop3A_296] {strides = array<i32>} : memref<2x40x144xf32, #tpu.memory_space<vmem>>, vector<16xf32>,
        %parallel_loop3A_298 = arith.constant 0 : i32
        %parallel_loop3A_299 = arith.index_cast %parallel_loop3A_298 : i32 to index
        %parallel_loop3A_300 = arith.index_cast %parallel_loop3A_272 : i32 to index
        %parallel_loop3A_301 = arith.constant 80 : index
        %parallel_loop3A_302 = tpu.vector_load %arg12[%parallel_loop3A_299, %parallel_loop3A_300, %parallel_loop3A_301] {strides = array<i32>} : memref<2x40x144xf32, #tpu.memory_space<vmem>>, vector<16xf32>,
        %parallel_loop3A_303 = arith.constant 0 : i32
        %parallel_loop3A_304 = arith.index_cast %parallel_loop3A_303 : i32 to index
        %parallel_loop3A_305 = arith.index_cast %parallel_loop3A_272 : i32 to index
        %parallel_loop3A_306 = arith.constant 96 : index
        %parallel_loop3A_307 = tpu.vector_load %arg12[%parallel_loop3A_304, %parallel_loop3A_305, %parallel_loop3A_306] {strides = array<i32>} : memref<2x40x144xf32, #tpu.memory_space<vmem>>, vector<16xf32>,
        %parallel_loop3A_308 = arith.constant 0 : i32
        %parallel_loop3A_309 = arith.index_cast %parallel_loop3A_308 : i32 to index
        %parallel_loop3A_310 = arith.index_cast %parallel_loop3A_272 : i32 to index
        %parallel_loop3A_311 = arith.constant 112 : index
        %parallel_loop3A_312 = tpu.vector_load %arg12[%parallel_loop3A_309, %parallel_loop3A_310, %parallel_loop3A_311] {strides = array<i32>} : memref<2x40x144xf32, #tpu.memory_space<vmem>>, vector<16xf32>,
        %parallel_loop3A_313 = arith.constant 0 : i32
        %parallel_loop3A_314 = arith.index_cast %parallel_loop3A_313 : i32 to index
        %parallel_loop3A_315 = arith.index_cast %parallel_loop3A_272 : i32 to index
        %parallel_loop3A_316 = arith.constant 0 : index
        %parallel_loop3A_317 = tpu.vector_load %arg13[%parallel_loop3A_314, %parallel_loop3A_315, %parallel_loop3A_316] {strides = array<i32>} : memref<2x40x128xf32, #tpu.memory_space<vmem>>, vector<16xf32>,
        %parallel_loop3A_318 = arith.mulf %parallel_loop3A_277, %parallel_loop3A_317 : vector<16xf32>
        %parallel_loop3A_319 = arith.constant true
        %parallel_loop3A_320 = vector.broadcast %parallel_loop3A_319 : i1 to vector<16xi1>
        %parallel_loop3A_321 = tpu.scan <sum>, %parallel_loop3A_318 masked %parallel_loop3A_320 : vector<16xf32>, vector<16xi1> -> vector<16xf32>
        %parallel_loop3A_322 = vector.extract %parallel_loop3A_321[15] : f32 from vector<16xf32>
        %parallel_loop3A_323 = vector.broadcast %parallel_loop3A_322 : f32 to vector<16xf32>
        %parallel_loop3A_324 = arith.mulf %parallel_loop3A_323, %select_n3A : vector<16xf32>
        %parallel_loop3A_325 = arith.constant 0 : i32
        %parallel_loop3A_326 = arith.index_cast %parallel_loop3A_325 : i32 to index
        %parallel_loop3A_327 = arith.index_cast %parallel_loop3A_272 : i32 to index
        %parallel_loop3A_328 = arith.constant 16 : index
        %parallel_loop3A_329 = tpu.vector_load %arg13[%parallel_loop3A_326, %parallel_loop3A_327, %parallel_loop3A_328] {strides = array<i32>} : memref<2x40x128xf32, #tpu.memory_space<vmem>>, vector<16xf32>,
        %parallel_loop3A_330 = arith.mulf %parallel_loop3A_282, %parallel_loop3A_329 : vector<16xf32>
        %parallel_loop3A_331 = arith.constant true
        %parallel_loop3A_332 = vector.broadcast %parallel_loop3A_331 : i1 to vector<16xi1>
        %parallel_loop3A_333 = tpu.scan <sum>, %parallel_loop3A_330 masked %parallel_loop3A_332 : vector<16xf32>, vector<16xi1> -> vector<16xf32>
        %parallel_loop3A_334 = vector.extract %parallel_loop3A_333[15] : f32 from vector<16xf32>
        %parallel_loop3A_335 = vector.broadcast %parallel_loop3A_334 : f32 to vector<16xf32>
        %parallel_loop3A_336 = arith.mulf %parallel_loop3A_335, %select_n3A_122 : vector<16xf32>
        %parallel_loop3A_337 = arith.constant 0 : i32
        %parallel_loop3A_338 = arith.index_cast %parallel_loop3A_337 : i32 to index
        %parallel_loop3A_339 = arith.index_cast %parallel_loop3A_272 : i32 to index
        %parallel_loop3A_340 = arith.constant 32 : index
        %parallel_loop3A_341 = tpu.vector_load %arg13[%parallel_loop3A_338, %parallel_loop3A_339, %parallel_loop3A_340] {strides = array<i32>} : memref<2x40x128xf32, #tpu.memory_space<vmem>>, vector<16xf32>,
        %parallel_loop3A_342 = arith.mulf %parallel_loop3A_287, %parallel_loop3A_341 : vector<16xf32>
        %parallel_loop3A_343 = arith.constant true
        %parallel_loop3A_344 = vector.broadcast %parallel_loop3A_343 : i1 to vector<16xi1>
        %parallel_loop3A_345 = tpu.scan <sum>, %parallel_loop3A_342 masked %parallel_loop3A_344 : vector<16xf32>, vector<16xi1> -> vector<16xf32>
        %parallel_loop3A_346 = vector.extract %parallel_loop3A_345[15] : f32 from vector<16xf32>
        %parallel_loop3A_347 = vector.broadcast %parallel_loop3A_346 : f32 to vector<16xf32>
        %parallel_loop3A_348 = arith.mulf %parallel_loop3A_347, %select_n3A_130 : vector<16xf32>
        %parallel_loop3A_349 = arith.constant 0 : i32
        %parallel_loop3A_350 = arith.index_cast %parallel_loop3A_349 : i32 to index
        %parallel_loop3A_351 = arith.index_cast %parallel_loop3A_272 : i32 to index
        %parallel_loop3A_352 = arith.constant 48 : index
        %parallel_loop3A_353 = tpu.vector_load %arg13[%parallel_loop3A_350, %parallel_loop3A_351, %parallel_loop3A_352] {strides = array<i32>} : memref<2x40x128xf32, #tpu.memory_space<vmem>>, vector<16xf32>,
        %parallel_loop3A_354 = arith.mulf %parallel_loop3A_292, %parallel_loop3A_353 : vector<16xf32>
        %parallel_loop3A_355 = arith.constant true
        %parallel_loop3A_356 = vector.broadcast %parallel_loop3A_355 : i1 to vector<16xi1>
        %parallel_loop3A_357 = tpu.scan <sum>, %parallel_loop3A_354 masked %parallel_loop3A_356 : vector<16xf32>, vector<16xi1> -> vector<16xf32>
        %parallel_loop3A_358 = vector.extract %parallel_loop3A_357[15] : f32 from vector<16xf32>
        %parallel_loop3A_359 = vector.broadcast %parallel_loop3A_358 : f32 to vector<16xf32>
        %parallel_loop3A_360 = arith.mulf %parallel_loop3A_359, %select_n3A_138 : vector<16xf32>
        %parallel_loop3A_361 = arith.constant 0 : i32
        %parallel_loop3A_362 = arith.index_cast %parallel_loop3A_361 : i32 to index
        %parallel_loop3A_363 = arith.index_cast %parallel_loop3A_272 : i32 to index
        %parallel_loop3A_364 = arith.constant 64 : index
        %parallel_loop3A_365 = tpu.vector_load %arg13[%parallel_loop3A_362, %parallel_loop3A_363, %parallel_loop3A_364] {strides = array<i32>} : memref<2x40x128xf32, #tpu.memory_space<vmem>>, vector<16xf32>,
        %parallel_loop3A_366 = arith.mulf %parallel_loop3A_297, %parallel_loop3A_365 : vector<16xf32>
        %parallel_loop3A_367 = arith.constant true
        %parallel_loop3A_368 = vector.broadcast %parallel_loop3A_367 : i1 to vector<16xi1>
        %parallel_loop3A_369 = tpu.scan <sum>, %parallel_loop3A_366 masked %parallel_loop3A_368 : vector<16xf32>, vector<16xi1> -> vector<16xf32>
        %parallel_loop3A_370 = vector.extract %parallel_loop3A_369[15] : f32 from vector<16xf32>
        %parallel_loop3A_371 = vector.broadcast %parallel_loop3A_370 : f32 to vector<16xf32>
        %parallel_loop3A_372 = arith.mulf %parallel_loop3A_371, %select_n3A_146 : vector<16xf32>
        %parallel_loop3A_373 = arith.constant 0 : i32
        %parallel_loop3A_374 = arith.index_cast %parallel_loop3A_373 : i32 to index
        %parallel_loop3A_375 = arith.index_cast %parallel_loop3A_272 : i32 to index
        %parallel_loop3A_376 = arith.constant 80 : index
        %parallel_loop3A_377 = tpu.vector_load %arg13[%parallel_loop3A_374, %parallel_loop3A_375, %parallel_loop3A_376] {strides = array<i32>} : memref<2x40x128xf32, #tpu.memory_space<vmem>>, vector<16xf32>,
        %parallel_loop3A_378 = arith.mulf %parallel_loop3A_302, %parallel_loop3A_377 : vector<16xf32>
        %parallel_loop3A_379 = arith.constant true
        %parallel_loop3A_380 = vector.broadcast %parallel_loop3A_379 : i1 to vector<16xi1>
        %parallel_loop3A_381 = tpu.scan <sum>, %parallel_loop3A_378 masked %parallel_loop3A_380 : vector<16xf32>, vector<16xi1> -> vector<16xf32>
        %parallel_loop3A_382 = vector.extract %parallel_loop3A_381[15] : f32 from vector<16xf32>
        %parallel_loop3A_383 = vector.broadcast %parallel_loop3A_382 : f32 to vector<16xf32>
        %parallel_loop3A_384 = arith.mulf %parallel_loop3A_383, %select_n3A_154 : vector<16xf32>
        %parallel_loop3A_385 = arith.constant 0 : i32
        %parallel_loop3A_386 = arith.index_cast %parallel_loop3A_385 : i32 to index
        %parallel_loop3A_387 = arith.index_cast %parallel_loop3A_272 : i32 to index
        %parallel_loop3A_388 = arith.constant 96 : index
        %parallel_loop3A_389 = tpu.vector_load %arg13[%parallel_loop3A_386, %parallel_loop3A_387, %parallel_loop3A_388] {strides = array<i32>} : memref<2x40x128xf32, #tpu.memory_space<vmem>>, vector<16xf32>,
        %parallel_loop3A_390 = arith.mulf %parallel_loop3A_307, %parallel_loop3A_389 : vector<16xf32>
        %parallel_loop3A_391 = arith.constant true
        %parallel_loop3A_392 = vector.broadcast %parallel_loop3A_391 : i1 to vector<16xi1>
        %parallel_loop3A_393 = tpu.scan <sum>, %parallel_loop3A_390 masked %parallel_loop3A_392 : vector<16xf32>, vector<16xi1> -> vector<16xf32>
        %parallel_loop3A_394 = vector.extract %parallel_loop3A_393[15] : f32 from vector<16xf32>
        %parallel_loop3A_395 = vector.broadcast %parallel_loop3A_394 : f32 to vector<16xf32>
        %parallel_loop3A_396 = arith.mulf %parallel_loop3A_395, %select_n3A_162 : vector<16xf32>
        %parallel_loop3A_397 = arith.constant 0 : i32
        %parallel_loop3A_398 = arith.index_cast %parallel_loop3A_397 : i32 to index
        %parallel_loop3A_399 = arith.index_cast %parallel_loop3A_272 : i32 to index
        %parallel_loop3A_400 = arith.constant 112 : index
        %parallel_loop3A_401 = tpu.vector_load %arg13[%parallel_loop3A_398, %parallel_loop3A_399, %parallel_loop3A_400] {strides = array<i32>} : memref<2x40x128xf32, #tpu.memory_space<vmem>>, vector<16xf32>,
        %parallel_loop3A_402 = arith.mulf %parallel_loop3A_312, %parallel_loop3A_401 : vector<16xf32>
        %parallel_loop3A_403 = arith.constant true
        %parallel_loop3A_404 = vector.broadcast %parallel_loop3A_403 : i1 to vector<16xi1>
        %parallel_loop3A_405 = tpu.scan <sum>, %parallel_loop3A_402 masked %parallel_loop3A_404 : vector<16xf32>, vector<16xi1> -> vector<16xf32>
        %parallel_loop3A_406 = vector.extract %parallel_loop3A_405[15] : f32 from vector<16xf32>
        %parallel_loop3A_407 = vector.broadcast %parallel_loop3A_406 : f32 to vector<16xf32>
        %parallel_loop3A_408 = arith.mulf %parallel_loop3A_407, %select_n3A_170 : vector<16xf32>
        %parallel_loop3A_409 = arith.addf %parallel_loop3A_324, %parallel_loop3A_336 : vector<16xf32>
        %parallel_loop3A_410 = arith.addf %parallel_loop3A_348, %parallel_loop3A_360 : vector<16xf32>
        %parallel_loop3A_411 = arith.addf %parallel_loop3A_372, %parallel_loop3A_384 : vector<16xf32>
        %parallel_loop3A_412 = arith.addf %parallel_loop3A_396, %parallel_loop3A_408 : vector<16xf32>
        %parallel_loop3A_413 = arith.addf %parallel_loop3A_409, %parallel_loop3A_410 : vector<16xf32>
        %parallel_loop3A_414 = arith.addf %parallel_loop3A_411, %parallel_loop3A_412 : vector<16xf32>
        %parallel_loop3A_415 = arith.addf %parallel_loop3A_413, %parallel_loop3A_414 : vector<16xf32>
        %parallel_loop3A_416 = arith.mulf %parallel_loop3A_415, %get3A_42 : vector<16xf32>
        %parallel_loop3A_417 = arith.constant -5.000000e+00 : f32
        %parallel_loop3A_418 = arith.constant 5.000000e+00 : f32
        %parallel_loop3A_419 = vector.broadcast %parallel_loop3A_417 : f32 to vector<16xf32>
        %parallel_loop3A_420 = arith.maximumf %parallel_loop3A_419, %parallel_loop3A_416 : vector<16xf32>
        %parallel_loop3A_421 = vector.broadcast %parallel_loop3A_418 : f32 to vector<16xf32>
        %parallel_loop3A_422 = arith.minimumf %parallel_loop3A_421, %parallel_loop3A_420 : vector<16xf32>
        %parallel_loop3A_423 = math.exp %parallel_loop3A_422 : vector<16xf32>
        %parallel_loop3A_424 = arith.constant 0 : i32
        %parallel_loop3A_425 = arith.index_cast %parallel_loop3A_424 : i32 to index
        %parallel_loop3A_426 = arith.index_cast %parallel_loop3A_272 : i32 to index
        %parallel_loop3A_427 = arith.constant 128 : index
        %parallel_loop3A_428 = tpu.vector_load %arg12[%parallel_loop3A_425, %parallel_loop3A_426, %parallel_loop3A_427] {strides = array<i32>} : memref<2x40x144xf32, #tpu.memory_space<vmem>>, vector<16xf32>,
        %parallel_loop3A_429 = arith.mulf %parallel_loop3A_423, %parallel_loop3A_428 : vector<16xf32>
        %parallel_loop3A_430 = arith.constant 8 : i32
        %parallel_loop3A_431 = vector.broadcast %parallel_loop3A_430 : i32 to vector<16xi32>
        %parallel_loop3A_432 = arith.cmpi slt, %iota3A, %parallel_loop3A_431 : vector<16xi32>
        %parallel_loop3A_433 = arith.constant 0.000000e+00 : f32
        %parallel_loop3A_434 = vector.broadcast %parallel_loop3A_433 : f32 to vector<16xf32>
        %parallel_loop3A_435 = arith.select %parallel_loop3A_432, %parallel_loop3A_429, %parallel_loop3A_434 : vector<16xi1>, vector<16xf32>
        %parallel_loop3A_436 = arith.index_cast %parallel_loop3A_272 : i32 to index
        %parallel_loop3A_437 = arith.constant 128 : index
        %parallel_loop3A_438 = tpu.vector_load %arg14[%parallel_loop3A_436, %parallel_loop3A_437] {strides = array<i32>} : memref<40x144xf32, #tpu.memory_space<vmem>>, vector<16xf32>,
        tpu.vector_store %arg14[%parallel_loop3A_436, %parallel_loop3A_437], %parallel_loop3A_435 {strides = array<i32>} : memref<40x144xf32, #tpu.memory_space<vmem>>, vector<16xf32>,
        %parallel_loop3A_439 = vector.extract_strided_slice %parallel_loop3A_429 {offsets = [0], sizes = [1], strides = [1]} : vector<16xf32> to vector<1xf32>
        %parallel_loop3A_440 = vector.extract %parallel_loop3A_439[0] : f32 from vector<1xf32>
        %parallel_loop3A_441 = vector.broadcast %parallel_loop3A_440 : f32 to vector<16xf32>
        %parallel_loop3A_442 = arith.mulf %parallel_loop3A_277, %parallel_loop3A_441 : vector<16xf32>
        %parallel_loop3A_443 = arith.index_cast %parallel_loop3A_272 : i32 to index
        %parallel_loop3A_444 = arith.constant 0 : index
        %parallel_loop3A_445 = tpu.vector_load %arg14[%parallel_loop3A_443, %parallel_loop3A_444] {strides = array<i32>} : memref<40x144xf32, #tpu.memory_space<vmem>>, vector<16xf32>,
        tpu.vector_store %arg14[%parallel_loop3A_443, %parallel_loop3A_444], %parallel_loop3A_442 {strides = array<i32>} : memref<40x144xf32, #tpu.memory_space<vmem>>, vector<16xf32>,
        %parallel_loop3A_446 = vector.extract_strided_slice %parallel_loop3A_429 {offsets = [1], sizes = [1], strides = [1]} : vector<16xf32> to vector<1xf32>
        %parallel_loop3A_447 = vector.extract %parallel_loop3A_446[0] : f32 from vector<1xf32>
        %parallel_loop3A_448 = vector.broadcast %parallel_loop3A_447 : f32 to vector<16xf32>
        %parallel_loop3A_449 = arith.mulf %parallel_loop3A_282, %parallel_loop3A_448 : vector<16xf32>
        %parallel_loop3A_450 = arith.index_cast %parallel_loop3A_272 : i32 to index
        %parallel_loop3A_451 = arith.constant 16 : index
        %parallel_loop3A_452 = tpu.vector_load %arg14[%parallel_loop3A_450, %parallel_loop3A_451] {strides = array<i32>} : memref<40x144xf32, #tpu.memory_space<vmem>>, vector<16xf32>,
        tpu.vector_store %arg14[%parallel_loop3A_450, %parallel_loop3A_451], %parallel_loop3A_449 {strides = array<i32>} : memref<40x144xf32, #tpu.memory_space<vmem>>, vector<16xf32>,
        %parallel_loop3A_453 = vector.extract_strided_slice %parallel_loop3A_429 {offsets = [2], sizes = [1], strides = [1]} : vector<16xf32> to vector<1xf32>
        %parallel_loop3A_454 = vector.extract %parallel_loop3A_453[0] : f32 from vector<1xf32>
        %parallel_loop3A_455 = vector.broadcast %parallel_loop3A_454 : f32 to vector<16xf32>
        %parallel_loop3A_456 = arith.mulf %parallel_loop3A_287, %parallel_loop3A_455 : vector<16xf32>
        %parallel_loop3A_457 = arith.index_cast %parallel_loop3A_272 : i32 to index
        %parallel_loop3A_458 = arith.constant 32 : index
        %parallel_loop3A_459 = tpu.vector_load %arg14[%parallel_loop3A_457, %parallel_loop3A_458] {strides = array<i32>} : memref<40x144xf32, #tpu.memory_space<vmem>>, vector<16xf32>,
        tpu.vector_store %arg14[%parallel_loop3A_457, %parallel_loop3A_458], %parallel_loop3A_456 {strides = array<i32>} : memref<40x144xf32, #tpu.memory_space<vmem>>, vector<16xf32>,
        %parallel_loop3A_460 = vector.extract_strided_slice %parallel_loop3A_429 {offsets = [3], sizes = [1], strides = [1]} : vector<16xf32> to vector<1xf32>
        %parallel_loop3A_461 = vector.extract %parallel_loop3A_460[0] : f32 from vector<1xf32>
        %parallel_loop3A_462 = vector.broadcast %parallel_loop3A_461 : f32 to vector<16xf32>
        %parallel_loop3A_463 = arith.mulf %parallel_loop3A_292, %parallel_loop3A_462 : vector<16xf32>
        %parallel_loop3A_464 = arith.index_cast %parallel_loop3A_272 : i32 to index
        %parallel_loop3A_465 = arith.constant 48 : index
        %parallel_loop3A_466 = tpu.vector_load %arg14[%parallel_loop3A_464, %parallel_loop3A_465] {strides = array<i32>} : memref<40x144xf32, #tpu.memory_space<vmem>>, vector<16xf32>,
        tpu.vector_store %arg14[%parallel_loop3A_464, %parallel_loop3A_465], %parallel_loop3A_463 {strides = array<i32>} : memref<40x144xf32, #tpu.memory_space<vmem>>, vector<16xf32>,
        %parallel_loop3A_467 = vector.extract_strided_slice %parallel_loop3A_429 {offsets = [4], sizes = [1], strides = [1]} : vector<16xf32> to vector<1xf32>
        %parallel_loop3A_468 = vector.extract %parallel_loop3A_467[0] : f32 from vector<1xf32>
        %parallel_loop3A_469 = vector.broadcast %parallel_loop3A_468 : f32 to vector<16xf32>
        %parallel_loop3A_470 = arith.mulf %parallel_loop3A_297, %parallel_loop3A_469 : vector<16xf32>
        %parallel_loop3A_471 = arith.index_cast %parallel_loop3A_272 : i32 to index
        %parallel_loop3A_472 = arith.constant 64 : index
        %parallel_loop3A_473 = tpu.vector_load %arg14[%parallel_loop3A_471, %parallel_loop3A_472] {strides = array<i32>} : memref<40x144xf32, #tpu.memory_space<vmem>>, vector<16xf32>,
        tpu.vector_store %arg14[%parallel_loop3A_471, %parallel_loop3A_472], %parallel_loop3A_470 {strides = array<i32>} : memref<40x144xf32, #tpu.memory_space<vmem>>, vector<16xf32>,
        %parallel_loop3A_474 = vector.extract_strided_slice %parallel_loop3A_429 {offsets = [5], sizes = [1], strides = [1]} : vector<16xf32> to vector<1xf32>
        %parallel_loop3A_475 = vector.extract %parallel_loop3A_474[0] : f32 from vector<1xf32>
        %parallel_loop3A_476 = vector.broadcast %parallel_loop3A_475 : f32 to vector<16xf32>
        %parallel_loop3A_477 = arith.mulf %parallel_loop3A_302, %parallel_loop3A_476 : vector<16xf32>
        %parallel_loop3A_478 = arith.index_cast %parallel_loop3A_272 : i32 to index
        %parallel_loop3A_479 = arith.constant 80 : index
        %parallel_loop3A_480 = tpu.vector_load %arg14[%parallel_loop3A_478, %parallel_loop3A_479] {strides = array<i32>} : memref<40x144xf32, #tpu.memory_space<vmem>>, vector<16xf32>,
        tpu.vector_store %arg14[%parallel_loop3A_478, %parallel_loop3A_479], %parallel_loop3A_477 {strides = array<i32>} : memref<40x144xf32, #tpu.memory_space<vmem>>, vector<16xf32>,
        %parallel_loop3A_481 = vector.extract_strided_slice %parallel_loop3A_429 {offsets = [6], sizes = [1], strides = [1]} : vector<16xf32> to vector<1xf32>
        %parallel_loop3A_482 = vector.extract %parallel_loop3A_481[0] : f32 from vector<1xf32>
        %parallel_loop3A_483 = vector.broadcast %parallel_loop3A_482 : f32 to vector<16xf32>
        %parallel_loop3A_484 = arith.mulf %parallel_loop3A_307, %parallel_loop3A_483 : vector<16xf32>
        %parallel_loop3A_485 = arith.index_cast %parallel_loop3A_272 : i32 to index
        %parallel_loop3A_486 = arith.constant 96 : index
        %parallel_loop3A_487 = tpu.vector_load %arg14[%parallel_loop3A_485, %parallel_loop3A_486] {strides = array<i32>} : memref<40x144xf32, #tpu.memory_space<vmem>>, vector<16xf32>,
        tpu.vector_store %arg14[%parallel_loop3A_485, %parallel_loop3A_486], %parallel_loop3A_484 {strides = array<i32>} : memref<40x144xf32, #tpu.memory_space<vmem>>, vector<16xf32>,
        %parallel_loop3A_488 = vector.extract_strided_slice %parallel_loop3A_429 {offsets = [7], sizes = [1], strides = [1]} : vector<16xf32> to vector<1xf32>
        %parallel_loop3A_489 = vector.extract %parallel_loop3A_488[0] : f32 from vector<1xf32>
        %parallel_loop3A_490 = vector.broadcast %parallel_loop3A_489 : f32 to vector<16xf32>
        %parallel_loop3A_491 = arith.mulf %parallel_loop3A_312, %parallel_loop3A_490 : vector<16xf32>
        %parallel_loop3A_492 = arith.index_cast %parallel_loop3A_272 : i32 to index
        %parallel_loop3A_493 = arith.constant 112 : index
        %parallel_loop3A_494 = tpu.vector_load %arg14[%parallel_loop3A_492, %parallel_loop3A_493] {strides = array<i32>} : memref<40x144xf32, #tpu.memory_space<vmem>>, vector<16xf32>,
        tpu.vector_store %arg14[%parallel_loop3A_492, %parallel_loop3A_493], %parallel_loop3A_491 {strides = array<i32>} : memref<40x144xf32, #tpu.memory_space<vmem>>, vector<16xf32>,
      } {sc.loop_unroll_factor = 2 : i64, sc.parallel_access}
      "tpu.region"() ({
        %run_scoped3A = tpu.sem_alloc : memref<!tpu.dma_semaphore, #tpu.memory_space<semaphore_mem>>
        %dma_start3A_272 = arith.constant 0 : i32
        %dma_start3A_273 = arith.constant 0 : i32
        %dma_start3A_274 = tpu.memref_slice %arg16[%dma_start3A_272, %dma_start3A_273] : memref<10112x144xf32, #tpu.memory_space<vmem_shared>> -> memref<10112x144xf32, #tpu.memory_space<vmem_shared>>
        tpu.enqueue_indirect_dma source(%arg14 : memref<40x144xf32, #tpu.memory_space<vmem>>) target(%dma_start3A_274 : memref<10112x144xf32, #tpu.memory_space<vmem_shared>>) offsets(%arg10 : memref<40xi32, #tpu.memory_space<vmem>>) semaphore(%run_scoped3A : memref<!tpu.dma_semaphore, #tpu.memory_space<semaphore_mem>>) {add = true}
        %dma_wait3A_275 = arith.constant 0 : i32
        %dma_wait3A_276 = arith.constant 0 : i32
        %dma_wait3A_277 = tpu.memref_slice %arg16[%dma_wait3A_275, %dma_wait3A_276] : memref<10112x144xf32, #tpu.memory_space<vmem_shared>> -> memref<10112x144xf32, #tpu.memory_space<vmem_shared>>
        tpu.wait_indirect_dma semaphore(%run_scoped3A : memref<!tpu.dma_semaphore, #tpu.memory_space<semaphore_mem>>) src(%arg14 : memref<40x144xf32, #tpu.memory_space<vmem>>) dst(%dma_wait3A_277 : memref<10112x144xf32, #tpu.memory_space<vmem_shared>>)
        tpu.yield
      }) : () -> ()
      %add3A_173 = arith.constant 2 : i32
      %add3A_174 = arith.addi %add3A_94, %add3A_173 : i32
      %lt3A = arith.constant 250 : i32
      %lt3A_175 = arith.cmpi slt, %add3A_174, %lt3A : i32
      %convert_element_type3A = arith.extui %lt3A_175 : i1 to i32
      %cond3A = arith.constant 0 : i32
      %cond3A_176 = arith.cmpi ne, %convert_element_type3A, %cond3A : i32
      scf.if %cond3A_176 {
        %add3A_272 = arith.constant 2 : i32
        %add3A_273 = arith.addi %add3A_94, %add3A_272 : i32
        %mul3A_274 = arith.constant 40 : i32
        %mul3A_275 = arith.muli %add3A_273, %mul3A_274 : i32
        %add3A_276 = arith.addi %mul3A_44, %mul3A_275 : i32
        %multiple_of3A_277 = tpu.assume_multiple %add3A_276, 8 : i32
        "tpu.region"() ({
          %run_scoped3A = tpu.sem_alloc : memref<!tpu.dma_semaphore, #tpu.memory_space<semaphore_mem>>
          %dma_start3A_294 = tpu.memref_slice %arg4[%multiple_of3A_277] : memref<320000xi32, #tpu.memory_space<hbm>> -> memref<40xi32, #tpu.memory_space<hbm>>
          %dma_start3A_295 = tpu.memref_slice %arg4[%multiple_of3A_277] : memref<320000xi32, #tpu.memory_space<hbm>> -> memref<40xi32, #tpu.memory_space<hbm>>
          tpu.enqueue_dma source(%dma_start3A_295 : memref<40xi32, #tpu.memory_space<hbm>>) target(%arg8 : memref<40xi32, #tpu.memory_space<vmem>>) target_semaphore(%run_scoped3A : memref<!tpu.dma_semaphore, #tpu.memory_space<semaphore_mem>>)
          %dma_wait3A_296 = tpu.memref_slice %arg4[%multiple_of3A_277] : memref<320000xi32, #tpu.memory_space<hbm>> -> memref<40xi32, #tpu.memory_space<hbm>>
          %dma_wait3A_297 = tpu.memref_slice %arg4[%multiple_of3A_277] : memref<320000xi32, #tpu.memory_space<hbm>> -> memref<40xi32, #tpu.memory_space<hbm>>
          tpu.wait_dma2 semaphore(%run_scoped3A : memref<!tpu.dma_semaphore, #tpu.memory_space<semaphore_mem>>) src(%dma_wait3A_297 : memref<40xi32, #tpu.memory_space<hbm>>) dst(%arg8 : memref<40xi32, #tpu.memory_space<vmem>>)
          tpu.yield
        }) : () -> ()
        "tpu.region"() ({
          %run_scoped3A = tpu.sem_alloc : memref<!tpu.dma_semaphore, #tpu.memory_space<semaphore_mem>>
          %dma_start3A_294 = tpu.memref_slice %arg5[%multiple_of3A_277] : memref<320000xi32, #tpu.memory_space<hbm>> -> memref<40xi32, #tpu.memory_space<hbm>>
          %dma_start3A_295 = tpu.memref_slice %arg5[%multiple_of3A_277] : memref<320000xi32, #tpu.memory_space<hbm>> -> memref<40xi32, #tpu.memory_space<hbm>>
          tpu.enqueue_dma source(%dma_start3A_295 : memref<40xi32, #tpu.memory_space<hbm>>) target(%arg10 : memref<40xi32, #tpu.memory_space<vmem>>) target_semaphore(%run_scoped3A : memref<!tpu.dma_semaphore, #tpu.memory_space<semaphore_mem>>)
          %dma_wait3A_296 = tpu.memref_slice %arg5[%multiple_of3A_277] : memref<320000xi32, #tpu.memory_space<hbm>> -> memref<40xi32, #tpu.memory_space<hbm>>
          %dma_wait3A_297 = tpu.memref_slice %arg5[%multiple_of3A_277] : memref<320000xi32, #tpu.memory_space<hbm>> -> memref<40xi32, #tpu.memory_space<hbm>>
          tpu.wait_dma2 semaphore(%run_scoped3A : memref<!tpu.dma_semaphore, #tpu.memory_space<semaphore_mem>>) src(%dma_wait3A_297 : memref<40xi32, #tpu.memory_space<hbm>>) dst(%arg10 : memref<40xi32, #tpu.memory_space<vmem>>)
          tpu.yield
        }) : () -> ()
        %dma_start3A_278 = arith.constant 0 : i32
        %dma_start3A_279 = arith.constant 0 : i32
        %dma_start3A_280 = arith.constant 0 : i32
        %dma_start3A_281 = tpu.memref_slice %arg12[%dma_start3A_278, %dma_start3A_279, %dma_start3A_280] : memref<2x40x144xf32, #tpu.memory_space<vmem>> -> memref<1x40x144xf32, #tpu.memory_space<vmem>>
        %dma_start3A_282 = tpu.memref_squeeze %dma_start3A_281 : memref<1x40x144xf32, #tpu.memory_space<vmem>> -> memref<40x144xf32, #tpu.memory_space<vmem>>
        %dma_start3A_283 = arith.constant 0 : i32
        %dma_start3A_284 = arith.constant 0 : i32
        %dma_start3A_285 = tpu.memref_slice %arg2[%dma_start3A_283, %dma_start3A_284] : memref<10000x144xf32, #tpu.memory_space<hbm>> -> memref<10000x144xf32, #tpu.memory_space<hbm>>
        tpu.enqueue_indirect_dma source(%dma_start3A_285 : memref<10000x144xf32, #tpu.memory_space<hbm>>) target(%dma_start3A_282 : memref<40x144xf32, #tpu.memory_space<vmem>>) offsets(%arg8 : memref<40xi32, #tpu.memory_space<vmem>>) semaphore(%arg17 : memref<!tpu.dma_semaphore, #tpu.memory_space<semaphore_mem>>)
        %dma_start3A_286 = arith.constant 0 : i32
        %dma_start3A_287 = arith.constant 0 : i32
        %dma_start3A_288 = arith.constant 0 : i32
        %dma_start3A_289 = tpu.memref_slice %arg13[%dma_start3A_286, %dma_start3A_287, %dma_start3A_288] : memref<2x40x128xf32, #tpu.memory_space<vmem>> -> memref<1x40x128xf32, #tpu.memory_space<vmem>>
        %dma_start3A_290 = tpu.memref_squeeze %dma_start3A_289 : memref<1x40x128xf32, #tpu.memory_space<vmem>> -> memref<40x128xf32, #tpu.memory_space<vmem>>
        %dma_start3A_291 = arith.constant 0 : i32
        %dma_start3A_292 = arith.constant 0 : i32
        %dma_start3A_293 = tpu.memref_slice %arg3[%dma_start3A_291, %dma_start3A_292] : memref<10000x128xf32, #tpu.memory_space<hbm>> -> memref<10000x128xf32, #tpu.memory_space<hbm>>
        tpu.enqueue_indirect_dma source(%dma_start3A_293 : memref<10000x128xf32, #tpu.memory_space<hbm>>) target(%dma_start3A_290 : memref<40x128xf32, #tpu.memory_space<vmem>>) offsets(%arg10 : memref<40xi32, #tpu.memory_space<vmem>>) semaphore(%arg19 : memref<!tpu.dma_semaphore, #tpu.memory_space<semaphore_mem>>)
      } else {
      }
      %mul3A_177 = arith.constant 2 : i32
      %mul3A_178 = arith.muli %scan3A_89, %mul3A_177 : i32
      %add3A_179 = arith.constant 1 : i32
      %add3A_180 = arith.addi %mul3A_178, %add3A_179 : i32
      %dma_wait3A_181 = arith.constant 1 : i32
      %dma_wait3A_182 = arith.constant 0 : i32
      %dma_wait3A_183 = arith.constant 0 : i32
      %dma_wait3A_184 = tpu.memref_slice %arg12[%dma_wait3A_181, %dma_wait3A_182, %dma_wait3A_183] : memref<2x40x144xf32, #tpu.memory_space<vmem>> -> memref<1x40x144xf32, #tpu.memory_space<vmem>>
      %dma_wait3A_185 = tpu.memref_squeeze %dma_wait3A_184 : memref<1x40x144xf32, #tpu.memory_space<vmem>> -> memref<40x144xf32, #tpu.memory_space<vmem>>
      %dma_wait3A_186 = arith.constant 0 : i32
      %dma_wait3A_187 = arith.constant 0 : i32
      %dma_wait3A_188 = tpu.memref_slice %arg2[%dma_wait3A_186, %dma_wait3A_187] : memref<10000x144xf32, #tpu.memory_space<hbm>> -> memref<10000x144xf32, #tpu.memory_space<hbm>>
      tpu.wait_indirect_dma semaphore(%arg18 : memref<!tpu.dma_semaphore, #tpu.memory_space<semaphore_mem>>) src(%dma_wait3A_188 : memref<10000x144xf32, #tpu.memory_space<hbm>>) dst(%dma_wait3A_185 : memref<40x144xf32, #tpu.memory_space<vmem>>)
      %dma_wait3A_189 = arith.constant 1 : i32
      %dma_wait3A_190 = arith.constant 0 : i32
      %dma_wait3A_191 = arith.constant 0 : i32
      %dma_wait3A_192 = tpu.memref_slice %arg13[%dma_wait3A_189, %dma_wait3A_190, %dma_wait3A_191] : memref<2x40x128xf32, #tpu.memory_space<vmem>> -> memref<1x40x128xf32, #tpu.memory_space<vmem>>
      %dma_wait3A_193 = tpu.memref_squeeze %dma_wait3A_192 : memref<1x40x128xf32, #tpu.memory_space<vmem>> -> memref<40x128xf32, #tpu.memory_space<vmem>>
      %dma_wait3A_194 = arith.constant 0 : i32
      %dma_wait3A_195 = arith.constant 0 : i32
      %dma_wait3A_196 = tpu.memref_slice %arg3[%dma_wait3A_194, %dma_wait3A_195] : memref<10000x128xf32, #tpu.memory_space<hbm>> -> memref<10000x128xf32, #tpu.memory_space<hbm>>
      tpu.wait_indirect_dma semaphore(%arg20 : memref<!tpu.dma_semaphore, #tpu.memory_space<semaphore_mem>>) src(%dma_wait3A_196 : memref<10000x128xf32, #tpu.memory_space<hbm>>) dst(%dma_wait3A_193 : memref<40x128xf32, #tpu.memory_space<vmem>>)
      %eq3A_197 = arith.constant 0 : i32
      %eq3A_198 = vector.broadcast %eq3A_197 : i32 to vector<16xi32>
      %eq3A_199 = arith.cmpi eq, %iota3A, %eq3A_198 : vector<16xi32>
      %jit3A_200 = arith.constant 1.000000e+00 : f32
      %jit3A_201 = arith.constant 0.000000e+00 : f32
      %broadcast_in_dim3A_202 = vector.broadcast %jit3A_200 : f32 to vector<16xf32>
      %broadcast_in_dim3A_203 = vector.broadcast %jit3A_201 : f32 to vector<16xf32>
      %select_n3A_204 = arith.select %eq3A_199, %broadcast_in_dim3A_202, %broadcast_in_dim3A_203 : vector<16xi1>, vector<16xf32>
      %eq3A_205 = arith.constant 1 : i32
      %eq3A_206 = vector.broadcast %eq3A_205 : i32 to vector<16xi32>
      %eq3A_207 = arith.cmpi eq, %iota3A, %eq3A_206 : vector<16xi32>
      %jit3A_208 = arith.constant 1.000000e+00 : f32
      %jit3A_209 = arith.constant 0.000000e+00 : f32
      %broadcast_in_dim3A_210 = vector.broadcast %jit3A_208 : f32 to vector<16xf32>
      %broadcast_in_dim3A_211 = vector.broadcast %jit3A_209 : f32 to vector<16xf32>
      %select_n3A_212 = arith.select %eq3A_207, %broadcast_in_dim3A_210, %broadcast_in_dim3A_211 : vector<16xi1>, vector<16xf32>
      %eq3A_213 = arith.constant 2 : i32
      %eq3A_214 = vector.broadcast %eq3A_213 : i32 to vector<16xi32>
      %eq3A_215 = arith.cmpi eq, %iota3A, %eq3A_214 : vector<16xi32>
      %jit3A_216 = arith.constant 1.000000e+00 : f32
      %jit3A_217 = arith.constant 0.000000e+00 : f32
      %broadcast_in_dim3A_218 = vector.broadcast %jit3A_216 : f32 to vector<16xf32>
      %broadcast_in_dim3A_219 = vector.broadcast %jit3A_217 : f32 to vector<16xf32>
      %select_n3A_220 = arith.select %eq3A_215, %broadcast_in_dim3A_218, %broadcast_in_dim3A_219 : vector<16xi1>, vector<16xf32>
      %eq3A_221 = arith.constant 3 : i32
      %eq3A_222 = vector.broadcast %eq3A_221 : i32 to vector<16xi32>
      %eq3A_223 = arith.cmpi eq, %iota3A, %eq3A_222 : vector<16xi32>
      %jit3A_224 = arith.constant 1.000000e+00 : f32
      %jit3A_225 = arith.constant 0.000000e+00 : f32
      %broadcast_in_dim3A_226 = vector.broadcast %jit3A_224 : f32 to vector<16xf32>
      %broadcast_in_dim3A_227 = vector.broadcast %jit3A_225 : f32 to vector<16xf32>
      %select_n3A_228 = arith.select %eq3A_223, %broadcast_in_dim3A_226, %broadcast_in_dim3A_227 : vector<16xi1>, vector<16xf32>
      %eq3A_229 = arith.constant 4 : i32
      %eq3A_230 = vector.broadcast %eq3A_229 : i32 to vector<16xi32>
      %eq3A_231 = arith.cmpi eq, %iota3A, %eq3A_230 : vector<16xi32>
      %jit3A_232 = arith.constant 1.000000e+00 : f32
      %jit3A_233 = arith.constant 0.000000e+00 : f32
      %broadcast_in_dim3A_234 = vector.broadcast %jit3A_232 : f32 to vector<16xf32>
      %broadcast_in_dim3A_235 = vector.broadcast %jit3A_233 : f32 to vector<16xf32>
      %select_n3A_236 = arith.select %eq3A_231, %broadcast_in_dim3A_234, %broadcast_in_dim3A_235 : vector<16xi1>, vector<16xf32>
      %eq3A_237 = arith.constant 5 : i32
      %eq3A_238 = vector.broadcast %eq3A_237 : i32 to vector<16xi32>
      %eq3A_239 = arith.cmpi eq, %iota3A, %eq3A_238 : vector<16xi32>
      %jit3A_240 = arith.constant 1.000000e+00 : f32
      %jit3A_241 = arith.constant 0.000000e+00 : f32
      %broadcast_in_dim3A_242 = vector.broadcast %jit3A_240 : f32 to vector<16xf32>
      %broadcast_in_dim3A_243 = vector.broadcast %jit3A_241 : f32 to vector<16xf32>
      %select_n3A_244 = arith.select %eq3A_239, %broadcast_in_dim3A_242, %broadcast_in_dim3A_243 : vector<16xi1>, vector<16xf32>
      %eq3A_245 = arith.constant 6 : i32
      %eq3A_246 = vector.broadcast %eq3A_245 : i32 to vector<16xi32>
      %eq3A_247 = arith.cmpi eq, %iota3A, %eq3A_246 : vector<16xi32>
      %jit3A_248 = arith.constant 1.000000e+00 : f32
      %jit3A_249 = arith.constant 0.000000e+00 : f32
      %broadcast_in_dim3A_250 = vector.broadcast %jit3A_248 : f32 to vector<16xf32>
      %broadcast_in_dim3A_251 = vector.broadcast %jit3A_249 : f32 to vector<16xf32>
      %select_n3A_252 = arith.select %eq3A_247, %broadcast_in_dim3A_250, %broadcast_in_dim3A_251 : vector<16xi1>, vector<16xf32>
      %eq3A_253 = arith.constant 7 : i32
      %eq3A_254 = vector.broadcast %eq3A_253 : i32 to vector<16xi32>
      %eq3A_255 = arith.cmpi eq, %iota3A, %eq3A_254 : vector<16xi32>
      %jit3A_256 = arith.constant 1.000000e+00 : f32
      %jit3A_257 = arith.constant 0.000000e+00 : f32
      %broadcast_in_dim3A_258 = vector.broadcast %jit3A_256 : f32 to vector<16xf32>
      %broadcast_in_dim3A_259 = vector.broadcast %jit3A_257 : f32 to vector<16xf32>
      %select_n3A_260 = arith.select %eq3A_255, %broadcast_in_dim3A_258, %broadcast_in_dim3A_259 : vector<16xi1>, vector<16xf32>
      %parallel_loop3A_261 = arith.constant 0 : i32
      %parallel_loop3A_262 = arith.constant 40 : i32
      %parallel_loop3A_263 = arith.constant 1 : i32
      scf.for %parallel_loop3A_272 = %parallel_loop3A_261 to %parallel_loop3A_262 step %parallel_loop3A_263  : i32 {
        %parallel_loop3A_273 = arith.constant 1 : i32
        %parallel_loop3A_274 = arith.index_cast %parallel_loop3A_273 : i32 to index
        %parallel_loop3A_275 = arith.index_cast %parallel_loop3A_272 : i32 to index
        %parallel_loop3A_276 = arith.constant 0 : index
        %parallel_loop3A_277 = tpu.vector_load %arg12[%parallel_loop3A_274, %parallel_loop3A_275, %parallel_loop3A_276] {strides = array<i32>} : memref<2x40x144xf32, #tpu.memory_space<vmem>>, vector<16xf32>,
        %parallel_loop3A_278 = arith.constant 1 : i32
        %parallel_loop3A_279 = arith.index_cast %parallel_loop3A_278 : i32 to index
        %parallel_loop3A_280 = arith.index_cast %parallel_loop3A_272 : i32 to index
        %parallel_loop3A_281 = arith.constant 16 : index
        %parallel_loop3A_282 = tpu.vector_load %arg12[%parallel_loop3A_279, %parallel_loop3A_280, %parallel_loop3A_281] {strides = array<i32>} : memref<2x40x144xf32, #tpu.memory_space<vmem>>, vector<16xf32>,
        %parallel_loop3A_283 = arith.constant 1 : i32
        %parallel_loop3A_284 = arith.index_cast %parallel_loop3A_283 : i32 to index
        %parallel_loop3A_285 = arith.index_cast %parallel_loop3A_272 : i32 to index
        %parallel_loop3A_286 = arith.constant 32 : index
        %parallel_loop3A_287 = tpu.vector_load %arg12[%parallel_loop3A_284, %parallel_loop3A_285, %parallel_loop3A_286] {strides = array<i32>} : memref<2x40x144xf32, #tpu.memory_space<vmem>>, vector<16xf32>,
        %parallel_loop3A_288 = arith.constant 1 : i32
        %parallel_loop3A_289 = arith.index_cast %parallel_loop3A_288 : i32 to index
        %parallel_loop3A_290 = arith.index_cast %parallel_loop3A_272 : i32 to index
        %parallel_loop3A_291 = arith.constant 48 : index
        %parallel_loop3A_292 = tpu.vector_load %arg12[%parallel_loop3A_289, %parallel_loop3A_290, %parallel_loop3A_291] {strides = array<i32>} : memref<2x40x144xf32, #tpu.memory_space<vmem>>, vector<16xf32>,
        %parallel_loop3A_293 = arith.constant 1 : i32
        %parallel_loop3A_294 = arith.index_cast %parallel_loop3A_293 : i32 to index
        %parallel_loop3A_295 = arith.index_cast %parallel_loop3A_272 : i32 to index
        %parallel_loop3A_296 = arith.constant 64 : index
        %parallel_loop3A_297 = tpu.vector_load %arg12[%parallel_loop3A_294, %parallel_loop3A_295, %parallel_loop3A_296] {strides = array<i32>} : memref<2x40x144xf32, #tpu.memory_space<vmem>>, vector<16xf32>,
        %parallel_loop3A_298 = arith.constant 1 : i32
        %parallel_loop3A_299 = arith.index_cast %parallel_loop3A_298 : i32 to index
        %parallel_loop3A_300 = arith.index_cast %parallel_loop3A_272 : i32 to index
        %parallel_loop3A_301 = arith.constant 80 : index
        %parallel_loop3A_302 = tpu.vector_load %arg12[%parallel_loop3A_299, %parallel_loop3A_300, %parallel_loop3A_301] {strides = array<i32>} : memref<2x40x144xf32, #tpu.memory_space<vmem>>, vector<16xf32>,
        %parallel_loop3A_303 = arith.constant 1 : i32
        %parallel_loop3A_304 = arith.index_cast %parallel_loop3A_303 : i32 to index
        %parallel_loop3A_305 = arith.index_cast %parallel_loop3A_272 : i32 to index
        %parallel_loop3A_306 = arith.constant 96 : index
        %parallel_loop3A_307 = tpu.vector_load %arg12[%parallel_loop3A_304, %parallel_loop3A_305, %parallel_loop3A_306] {strides = array<i32>} : memref<2x40x144xf32, #tpu.memory_space<vmem>>, vector<16xf32>,
        %parallel_loop3A_308 = arith.constant 1 : i32
        %parallel_loop3A_309 = arith.index_cast %parallel_loop3A_308 : i32 to index
        %parallel_loop3A_310 = arith.index_cast %parallel_loop3A_272 : i32 to index
        %parallel_loop3A_311 = arith.constant 112 : index
        %parallel_loop3A_312 = tpu.vector_load %arg12[%parallel_loop3A_309, %parallel_loop3A_310, %parallel_loop3A_311] {strides = array<i32>} : memref<2x40x144xf32, #tpu.memory_space<vmem>>, vector<16xf32>,
        %parallel_loop3A_313 = arith.constant 1 : i32
        %parallel_loop3A_314 = arith.index_cast %parallel_loop3A_313 : i32 to index
        %parallel_loop3A_315 = arith.index_cast %parallel_loop3A_272 : i32 to index
        %parallel_loop3A_316 = arith.constant 0 : index
        %parallel_loop3A_317 = tpu.vector_load %arg13[%parallel_loop3A_314, %parallel_loop3A_315, %parallel_loop3A_316] {strides = array<i32>} : memref<2x40x128xf32, #tpu.memory_space<vmem>>, vector<16xf32>,
        %parallel_loop3A_318 = arith.mulf %parallel_loop3A_277, %parallel_loop3A_317 : vector<16xf32>
        %parallel_loop3A_319 = arith.constant true
        %parallel_loop3A_320 = vector.broadcast %parallel_loop3A_319 : i1 to vector<16xi1>
        %parallel_loop3A_321 = tpu.scan <sum>, %parallel_loop3A_318 masked %parallel_loop3A_320 : vector<16xf32>, vector<16xi1> -> vector<16xf32>
        %parallel_loop3A_322 = vector.extract %parallel_loop3A_321[15] : f32 from vector<16xf32>
        %parallel_loop3A_323 = vector.broadcast %parallel_loop3A_322 : f32 to vector<16xf32>
        %parallel_loop3A_324 = arith.mulf %parallel_loop3A_323, %select_n3A_204 : vector<16xf32>
        %parallel_loop3A_325 = arith.constant 1 : i32
        %parallel_loop3A_326 = arith.index_cast %parallel_loop3A_325 : i32 to index
        %parallel_loop3A_327 = arith.index_cast %parallel_loop3A_272 : i32 to index
        %parallel_loop3A_328 = arith.constant 16 : index
        %parallel_loop3A_329 = tpu.vector_load %arg13[%parallel_loop3A_326, %parallel_loop3A_327, %parallel_loop3A_328] {strides = array<i32>} : memref<2x40x128xf32, #tpu.memory_space<vmem>>, vector<16xf32>,
        %parallel_loop3A_330 = arith.mulf %parallel_loop3A_282, %parallel_loop3A_329 : vector<16xf32>
        %parallel_loop3A_331 = arith.constant true
        %parallel_loop3A_332 = vector.broadcast %parallel_loop3A_331 : i1 to vector<16xi1>
        %parallel_loop3A_333 = tpu.scan <sum>, %parallel_loop3A_330 masked %parallel_loop3A_332 : vector<16xf32>, vector<16xi1> -> vector<16xf32>
        %parallel_loop3A_334 = vector.extract %parallel_loop3A_333[15] : f32 from vector<16xf32>
        %parallel_loop3A_335 = vector.broadcast %parallel_loop3A_334 : f32 to vector<16xf32>
        %parallel_loop3A_336 = arith.mulf %parallel_loop3A_335, %select_n3A_212 : vector<16xf32>
        %parallel_loop3A_337 = arith.constant 1 : i32
        %parallel_loop3A_338 = arith.index_cast %parallel_loop3A_337 : i32 to index
        %parallel_loop3A_339 = arith.index_cast %parallel_loop3A_272 : i32 to index
        %parallel_loop3A_340 = arith.constant 32 : index
        %parallel_loop3A_341 = tpu.vector_load %arg13[%parallel_loop3A_338, %parallel_loop3A_339, %parallel_loop3A_340] {strides = array<i32>} : memref<2x40x128xf32, #tpu.memory_space<vmem>>, vector<16xf32>,
        %parallel_loop3A_342 = arith.mulf %parallel_loop3A_287, %parallel_loop3A_341 : vector<16xf32>
        %parallel_loop3A_343 = arith.constant true
        %parallel_loop3A_344 = vector.broadcast %parallel_loop3A_343 : i1 to vector<16xi1>
        %parallel_loop3A_345 = tpu.scan <sum>, %parallel_loop3A_342 masked %parallel_loop3A_344 : vector<16xf32>, vector<16xi1> -> vector<16xf32>
        %parallel_loop3A_346 = vector.extract %parallel_loop3A_345[15] : f32 from vector<16xf32>
        %parallel_loop3A_347 = vector.broadcast %parallel_loop3A_346 : f32 to vector<16xf32>
        %parallel_loop3A_348 = arith.mulf %parallel_loop3A_347, %select_n3A_220 : vector<16xf32>
        %parallel_loop3A_349 = arith.constant 1 : i32
        %parallel_loop3A_350 = arith.index_cast %parallel_loop3A_349 : i32 to index
        %parallel_loop3A_351 = arith.index_cast %parallel_loop3A_272 : i32 to index
        %parallel_loop3A_352 = arith.constant 48 : index
        %parallel_loop3A_353 = tpu.vector_load %arg13[%parallel_loop3A_350, %parallel_loop3A_351, %parallel_loop3A_352] {strides = array<i32>} : memref<2x40x128xf32, #tpu.memory_space<vmem>>, vector<16xf32>,
        %parallel_loop3A_354 = arith.mulf %parallel_loop3A_292, %parallel_loop3A_353 : vector<16xf32>
        %parallel_loop3A_355 = arith.constant true
        %parallel_loop3A_356 = vector.broadcast %parallel_loop3A_355 : i1 to vector<16xi1>
        %parallel_loop3A_357 = tpu.scan <sum>, %parallel_loop3A_354 masked %parallel_loop3A_356 : vector<16xf32>, vector<16xi1> -> vector<16xf32>
        %parallel_loop3A_358 = vector.extract %parallel_loop3A_357[15] : f32 from vector<16xf32>
        %parallel_loop3A_359 = vector.broadcast %parallel_loop3A_358 : f32 to vector<16xf32>
        %parallel_loop3A_360 = arith.mulf %parallel_loop3A_359, %select_n3A_228 : vector<16xf32>
        %parallel_loop3A_361 = arith.constant 1 : i32
        %parallel_loop3A_362 = arith.index_cast %parallel_loop3A_361 : i32 to index
        %parallel_loop3A_363 = arith.index_cast %parallel_loop3A_272 : i32 to index
        %parallel_loop3A_364 = arith.constant 64 : index
        %parallel_loop3A_365 = tpu.vector_load %arg13[%parallel_loop3A_362, %parallel_loop3A_363, %parallel_loop3A_364] {strides = array<i32>} : memref<2x40x128xf32, #tpu.memory_space<vmem>>, vector<16xf32>,
        %parallel_loop3A_366 = arith.mulf %parallel_loop3A_297, %parallel_loop3A_365 : vector<16xf32>
        %parallel_loop3A_367 = arith.constant true
        %parallel_loop3A_368 = vector.broadcast %parallel_loop3A_367 : i1 to vector<16xi1>
        %parallel_loop3A_369 = tpu.scan <sum>, %parallel_loop3A_366 masked %parallel_loop3A_368 : vector<16xf32>, vector<16xi1> -> vector<16xf32>
        %parallel_loop3A_370 = vector.extract %parallel_loop3A_369[15] : f32 from vector<16xf32>
        %parallel_loop3A_371 = vector.broadcast %parallel_loop3A_370 : f32 to vector<16xf32>
        %parallel_loop3A_372 = arith.mulf %parallel_loop3A_371, %select_n3A_236 : vector<16xf32>
        %parallel_loop3A_373 = arith.constant 1 : i32
        %parallel_loop3A_374 = arith.index_cast %parallel_loop3A_373 : i32 to index
        %parallel_loop3A_375 = arith.index_cast %parallel_loop3A_272 : i32 to index
        %parallel_loop3A_376 = arith.constant 80 : index
        %parallel_loop3A_377 = tpu.vector_load %arg13[%parallel_loop3A_374, %parallel_loop3A_375, %parallel_loop3A_376] {strides = array<i32>} : memref<2x40x128xf32, #tpu.memory_space<vmem>>, vector<16xf32>,
        %parallel_loop3A_378 = arith.mulf %parallel_loop3A_302, %parallel_loop3A_377 : vector<16xf32>
        %parallel_loop3A_379 = arith.constant true
        %parallel_loop3A_380 = vector.broadcast %parallel_loop3A_379 : i1 to vector<16xi1>
        %parallel_loop3A_381 = tpu.scan <sum>, %parallel_loop3A_378 masked %parallel_loop3A_380 : vector<16xf32>, vector<16xi1> -> vector<16xf32>
        %parallel_loop3A_382 = vector.extract %parallel_loop3A_381[15] : f32 from vector<16xf32>
        %parallel_loop3A_383 = vector.broadcast %parallel_loop3A_382 : f32 to vector<16xf32>
        %parallel_loop3A_384 = arith.mulf %parallel_loop3A_383, %select_n3A_244 : vector<16xf32>
        %parallel_loop3A_385 = arith.constant 1 : i32
        %parallel_loop3A_386 = arith.index_cast %parallel_loop3A_385 : i32 to index
        %parallel_loop3A_387 = arith.index_cast %parallel_loop3A_272 : i32 to index
        %parallel_loop3A_388 = arith.constant 96 : index
        %parallel_loop3A_389 = tpu.vector_load %arg13[%parallel_loop3A_386, %parallel_loop3A_387, %parallel_loop3A_388] {strides = array<i32>} : memref<2x40x128xf32, #tpu.memory_space<vmem>>, vector<16xf32>,
        %parallel_loop3A_390 = arith.mulf %parallel_loop3A_307, %parallel_loop3A_389 : vector<16xf32>
        %parallel_loop3A_391 = arith.constant true
        %parallel_loop3A_392 = vector.broadcast %parallel_loop3A_391 : i1 to vector<16xi1>
        %parallel_loop3A_393 = tpu.scan <sum>, %parallel_loop3A_390 masked %parallel_loop3A_392 : vector<16xf32>, vector<16xi1> -> vector<16xf32>
        %parallel_loop3A_394 = vector.extract %parallel_loop3A_393[15] : f32 from vector<16xf32>
        %parallel_loop3A_395 = vector.broadcast %parallel_loop3A_394 : f32 to vector<16xf32>
        %parallel_loop3A_396 = arith.mulf %parallel_loop3A_395, %select_n3A_252 : vector<16xf32>
        %parallel_loop3A_397 = arith.constant 1 : i32
        %parallel_loop3A_398 = arith.index_cast %parallel_loop3A_397 : i32 to index
        %parallel_loop3A_399 = arith.index_cast %parallel_loop3A_272 : i32 to index
        %parallel_loop3A_400 = arith.constant 112 : index
        %parallel_loop3A_401 = tpu.vector_load %arg13[%parallel_loop3A_398, %parallel_loop3A_399, %parallel_loop3A_400] {strides = array<i32>} : memref<2x40x128xf32, #tpu.memory_space<vmem>>, vector<16xf32>,
        %parallel_loop3A_402 = arith.mulf %parallel_loop3A_312, %parallel_loop3A_401 : vector<16xf32>
        %parallel_loop3A_403 = arith.constant true
        %parallel_loop3A_404 = vector.broadcast %parallel_loop3A_403 : i1 to vector<16xi1>
        %parallel_loop3A_405 = tpu.scan <sum>, %parallel_loop3A_402 masked %parallel_loop3A_404 : vector<16xf32>, vector<16xi1> -> vector<16xf32>
        %parallel_loop3A_406 = vector.extract %parallel_loop3A_405[15] : f32 from vector<16xf32>
        %parallel_loop3A_407 = vector.broadcast %parallel_loop3A_406 : f32 to vector<16xf32>
        %parallel_loop3A_408 = arith.mulf %parallel_loop3A_407, %select_n3A_260 : vector<16xf32>
        %parallel_loop3A_409 = arith.addf %parallel_loop3A_324, %parallel_loop3A_336 : vector<16xf32>
        %parallel_loop3A_410 = arith.addf %parallel_loop3A_348, %parallel_loop3A_360 : vector<16xf32>
        %parallel_loop3A_411 = arith.addf %parallel_loop3A_372, %parallel_loop3A_384 : vector<16xf32>
        %parallel_loop3A_412 = arith.addf %parallel_loop3A_396, %parallel_loop3A_408 : vector<16xf32>
        %parallel_loop3A_413 = arith.addf %parallel_loop3A_409, %parallel_loop3A_410 : vector<16xf32>
        %parallel_loop3A_414 = arith.addf %parallel_loop3A_411, %parallel_loop3A_412 : vector<16xf32>
        %parallel_loop3A_415 = arith.addf %parallel_loop3A_413, %parallel_loop3A_414 : vector<16xf32>
        %parallel_loop3A_416 = arith.mulf %parallel_loop3A_415, %get3A_42 : vector<16xf32>
        %parallel_loop3A_417 = arith.constant -5.000000e+00 : f32
        %parallel_loop3A_418 = arith.constant 5.000000e+00 : f32
        %parallel_loop3A_419 = vector.broadcast %parallel_loop3A_417 : f32 to vector<16xf32>
        %parallel_loop3A_420 = arith.maximumf %parallel_loop3A_419, %parallel_loop3A_416 : vector<16xf32>
        %parallel_loop3A_421 = vector.broadcast %parallel_loop3A_418 : f32 to vector<16xf32>
        %parallel_loop3A_422 = arith.minimumf %parallel_loop3A_421, %parallel_loop3A_420 : vector<16xf32>
        %parallel_loop3A_423 = math.exp %parallel_loop3A_422 : vector<16xf32>
        %parallel_loop3A_424 = arith.constant 1 : i32
        %parallel_loop3A_425 = arith.index_cast %parallel_loop3A_424 : i32 to index
        %parallel_loop3A_426 = arith.index_cast %parallel_loop3A_272 : i32 to index
        %parallel_loop3A_427 = arith.constant 128 : index
        %parallel_loop3A_428 = tpu.vector_load %arg12[%parallel_loop3A_425, %parallel_loop3A_426, %parallel_loop3A_427] {strides = array<i32>} : memref<2x40x144xf32, #tpu.memory_space<vmem>>, vector<16xf32>,
        %parallel_loop3A_429 = arith.mulf %parallel_loop3A_423, %parallel_loop3A_428 : vector<16xf32>
        %parallel_loop3A_430 = arith.constant 8 : i32
        %parallel_loop3A_431 = vector.broadcast %parallel_loop3A_430 : i32 to vector<16xi32>
        %parallel_loop3A_432 = arith.cmpi slt, %iota3A, %parallel_loop3A_431 : vector<16xi32>
        %parallel_loop3A_433 = arith.constant 0.000000e+00 : f32
        %parallel_loop3A_434 = vector.broadcast %parallel_loop3A_433 : f32 to vector<16xf32>
        %parallel_loop3A_435 = arith.select %parallel_loop3A_432, %parallel_loop3A_429, %parallel_loop3A_434 : vector<16xi1>, vector<16xf32>
        %parallel_loop3A_436 = arith.index_cast %parallel_loop3A_272 : i32 to index
        %parallel_loop3A_437 = arith.constant 128 : index
        %parallel_loop3A_438 = tpu.vector_load %arg14[%parallel_loop3A_436, %parallel_loop3A_437] {strides = array<i32>} : memref<40x144xf32, #tpu.memory_space<vmem>>, vector<16xf32>,
        tpu.vector_store %arg14[%parallel_loop3A_436, %parallel_loop3A_437], %parallel_loop3A_435 {strides = array<i32>} : memref<40x144xf32, #tpu.memory_space<vmem>>, vector<16xf32>,
        %parallel_loop3A_439 = vector.extract_strided_slice %parallel_loop3A_429 {offsets = [0], sizes = [1], strides = [1]} : vector<16xf32> to vector<1xf32>
        %parallel_loop3A_440 = vector.extract %parallel_loop3A_439[0] : f32 from vector<1xf32>
        %parallel_loop3A_441 = vector.broadcast %parallel_loop3A_440 : f32 to vector<16xf32>
        %parallel_loop3A_442 = arith.mulf %parallel_loop3A_277, %parallel_loop3A_441 : vector<16xf32>
        %parallel_loop3A_443 = arith.index_cast %parallel_loop3A_272 : i32 to index
        %parallel_loop3A_444 = arith.constant 0 : index
        %parallel_loop3A_445 = tpu.vector_load %arg14[%parallel_loop3A_443, %parallel_loop3A_444] {strides = array<i32>} : memref<40x144xf32, #tpu.memory_space<vmem>>, vector<16xf32>,
        tpu.vector_store %arg14[%parallel_loop3A_443, %parallel_loop3A_444], %parallel_loop3A_442 {strides = array<i32>} : memref<40x144xf32, #tpu.memory_space<vmem>>, vector<16xf32>,
        %parallel_loop3A_446 = vector.extract_strided_slice %parallel_loop3A_429 {offsets = [1], sizes = [1], strides = [1]} : vector<16xf32> to vector<1xf32>
        %parallel_loop3A_447 = vector.extract %parallel_loop3A_446[0] : f32 from vector<1xf32>
        %parallel_loop3A_448 = vector.broadcast %parallel_loop3A_447 : f32 to vector<16xf32>
        %parallel_loop3A_449 = arith.mulf %parallel_loop3A_282, %parallel_loop3A_448 : vector<16xf32>
        %parallel_loop3A_450 = arith.index_cast %parallel_loop3A_272 : i32 to index
        %parallel_loop3A_451 = arith.constant 16 : index
        %parallel_loop3A_452 = tpu.vector_load %arg14[%parallel_loop3A_450, %parallel_loop3A_451] {strides = array<i32>} : memref<40x144xf32, #tpu.memory_space<vmem>>, vector<16xf32>,
        tpu.vector_store %arg14[%parallel_loop3A_450, %parallel_loop3A_451], %parallel_loop3A_449 {strides = array<i32>} : memref<40x144xf32, #tpu.memory_space<vmem>>, vector<16xf32>,
        %parallel_loop3A_453 = vector.extract_strided_slice %parallel_loop3A_429 {offsets = [2], sizes = [1], strides = [1]} : vector<16xf32> to vector<1xf32>
        %parallel_loop3A_454 = vector.extract %parallel_loop3A_453[0] : f32 from vector<1xf32>
        %parallel_loop3A_455 = vector.broadcast %parallel_loop3A_454 : f32 to vector<16xf32>
        %parallel_loop3A_456 = arith.mulf %parallel_loop3A_287, %parallel_loop3A_455 : vector<16xf32>
        %parallel_loop3A_457 = arith.index_cast %parallel_loop3A_272 : i32 to index
        %parallel_loop3A_458 = arith.constant 32 : index
        %parallel_loop3A_459 = tpu.vector_load %arg14[%parallel_loop3A_457, %parallel_loop3A_458] {strides = array<i32>} : memref<40x144xf32, #tpu.memory_space<vmem>>, vector<16xf32>,
        tpu.vector_store %arg14[%parallel_loop3A_457, %parallel_loop3A_458], %parallel_loop3A_456 {strides = array<i32>} : memref<40x144xf32, #tpu.memory_space<vmem>>, vector<16xf32>,
        %parallel_loop3A_460 = vector.extract_strided_slice %parallel_loop3A_429 {offsets = [3], sizes = [1], strides = [1]} : vector<16xf32> to vector<1xf32>
        %parallel_loop3A_461 = vector.extract %parallel_loop3A_460[0] : f32 from vector<1xf32>
        %parallel_loop3A_462 = vector.broadcast %parallel_loop3A_461 : f32 to vector<16xf32>
        %parallel_loop3A_463 = arith.mulf %parallel_loop3A_292, %parallel_loop3A_462 : vector<16xf32>
        %parallel_loop3A_464 = arith.index_cast %parallel_loop3A_272 : i32 to index
        %parallel_loop3A_465 = arith.constant 48 : index
        %parallel_loop3A_466 = tpu.vector_load %arg14[%parallel_loop3A_464, %parallel_loop3A_465] {strides = array<i32>} : memref<40x144xf32, #tpu.memory_space<vmem>>, vector<16xf32>,
        tpu.vector_store %arg14[%parallel_loop3A_464, %parallel_loop3A_465], %parallel_loop3A_463 {strides = array<i32>} : memref<40x144xf32, #tpu.memory_space<vmem>>, vector<16xf32>,
        %parallel_loop3A_467 = vector.extract_strided_slice %parallel_loop3A_429 {offsets = [4], sizes = [1], strides = [1]} : vector<16xf32> to vector<1xf32>
        %parallel_loop3A_468 = vector.extract %parallel_loop3A_467[0] : f32 from vector<1xf32>
        %parallel_loop3A_469 = vector.broadcast %parallel_loop3A_468 : f32 to vector<16xf32>
        %parallel_loop3A_470 = arith.mulf %parallel_loop3A_297, %parallel_loop3A_469 : vector<16xf32>
        %parallel_loop3A_471 = arith.index_cast %parallel_loop3A_272 : i32 to index
        %parallel_loop3A_472 = arith.constant 64 : index
        %parallel_loop3A_473 = tpu.vector_load %arg14[%parallel_loop3A_471, %parallel_loop3A_472] {strides = array<i32>} : memref<40x144xf32, #tpu.memory_space<vmem>>, vector<16xf32>,
        tpu.vector_store %arg14[%parallel_loop3A_471, %parallel_loop3A_472], %parallel_loop3A_470 {strides = array<i32>} : memref<40x144xf32, #tpu.memory_space<vmem>>, vector<16xf32>,
        %parallel_loop3A_474 = vector.extract_strided_slice %parallel_loop3A_429 {offsets = [5], sizes = [1], strides = [1]} : vector<16xf32> to vector<1xf32>
        %parallel_loop3A_475 = vector.extract %parallel_loop3A_474[0] : f32 from vector<1xf32>
        %parallel_loop3A_476 = vector.broadcast %parallel_loop3A_475 : f32 to vector<16xf32>
        %parallel_loop3A_477 = arith.mulf %parallel_loop3A_302, %parallel_loop3A_476 : vector<16xf32>
        %parallel_loop3A_478 = arith.index_cast %parallel_loop3A_272 : i32 to index
        %parallel_loop3A_479 = arith.constant 80 : index
        %parallel_loop3A_480 = tpu.vector_load %arg14[%parallel_loop3A_478, %parallel_loop3A_479] {strides = array<i32>} : memref<40x144xf32, #tpu.memory_space<vmem>>, vector<16xf32>,
        tpu.vector_store %arg14[%parallel_loop3A_478, %parallel_loop3A_479], %parallel_loop3A_477 {strides = array<i32>} : memref<40x144xf32, #tpu.memory_space<vmem>>, vector<16xf32>,
        %parallel_loop3A_481 = vector.extract_strided_slice %parallel_loop3A_429 {offsets = [6], sizes = [1], strides = [1]} : vector<16xf32> to vector<1xf32>
        %parallel_loop3A_482 = vector.extract %parallel_loop3A_481[0] : f32 from vector<1xf32>
        %parallel_loop3A_483 = vector.broadcast %parallel_loop3A_482 : f32 to vector<16xf32>
        %parallel_loop3A_484 = arith.mulf %parallel_loop3A_307, %parallel_loop3A_483 : vector<16xf32>
        %parallel_loop3A_485 = arith.index_cast %parallel_loop3A_272 : i32 to index
        %parallel_loop3A_486 = arith.constant 96 : index
        %parallel_loop3A_487 = tpu.vector_load %arg14[%parallel_loop3A_485, %parallel_loop3A_486] {strides = array<i32>} : memref<40x144xf32, #tpu.memory_space<vmem>>, vector<16xf32>,
        tpu.vector_store %arg14[%parallel_loop3A_485, %parallel_loop3A_486], %parallel_loop3A_484 {strides = array<i32>} : memref<40x144xf32, #tpu.memory_space<vmem>>, vector<16xf32>,
        %parallel_loop3A_488 = vector.extract_strided_slice %parallel_loop3A_429 {offsets = [7], sizes = [1], strides = [1]} : vector<16xf32> to vector<1xf32>
        %parallel_loop3A_489 = vector.extract %parallel_loop3A_488[0] : f32 from vector<1xf32>
        %parallel_loop3A_490 = vector.broadcast %parallel_loop3A_489 : f32 to vector<16xf32>
        %parallel_loop3A_491 = arith.mulf %parallel_loop3A_312, %parallel_loop3A_490 : vector<16xf32>
        %parallel_loop3A_492 = arith.index_cast %parallel_loop3A_272 : i32 to index
        %parallel_loop3A_493 = arith.constant 112 : index
        %parallel_loop3A_494 = tpu.vector_load %arg14[%parallel_loop3A_492, %parallel_loop3A_493] {strides = array<i32>} : memref<40x144xf32, #tpu.memory_space<vmem>>, vector<16xf32>,
        tpu.vector_store %arg14[%parallel_loop3A_492, %parallel_loop3A_493], %parallel_loop3A_491 {strides = array<i32>} : memref<40x144xf32, #tpu.memory_space<vmem>>, vector<16xf32>,
      } {sc.loop_unroll_factor = 2 : i64, sc.parallel_access}
      "tpu.region"() ({
        %run_scoped3A = tpu.sem_alloc : memref<!tpu.dma_semaphore, #tpu.memory_space<semaphore_mem>>
        %dma_start3A_272 = arith.constant 0 : i32
        %dma_start3A_273 = arith.constant 0 : i32
        %dma_start3A_274 = tpu.memref_slice %arg16[%dma_start3A_272, %dma_start3A_273] : memref<10112x144xf32, #tpu.memory_space<vmem_shared>> -> memref<10112x144xf32, #tpu.memory_space<vmem_shared>>
        tpu.enqueue_indirect_dma source(%arg14 : memref<40x144xf32, #tpu.memory_space<vmem>>) target(%dma_start3A_274 : memref<10112x144xf32, #tpu.memory_space<vmem_shared>>) offsets(%arg11 : memref<40xi32, #tpu.memory_space<vmem>>) semaphore(%run_scoped3A : memref<!tpu.dma_semaphore, #tpu.memory_space<semaphore_mem>>) {add = true}
        %dma_wait3A_275 = arith.constant 0 : i32
        %dma_wait3A_276 = arith.constant 0 : i32
        %dma_wait3A_277 = tpu.memref_slice %arg16[%dma_wait3A_275, %dma_wait3A_276] : memref<10112x144xf32, #tpu.memory_space<vmem_shared>> -> memref<10112x144xf32, #tpu.memory_space<vmem_shared>>
        tpu.wait_indirect_dma semaphore(%run_scoped3A : memref<!tpu.dma_semaphore, #tpu.memory_space<semaphore_mem>>) src(%arg14 : memref<40x144xf32, #tpu.memory_space<vmem>>) dst(%dma_wait3A_277 : memref<10112x144xf32, #tpu.memory_space<vmem_shared>>)
        tpu.yield
      }) : () -> ()
      %add3A_264 = arith.constant 2 : i32
      %add3A_265 = arith.addi %add3A_180, %add3A_264 : i32
      %lt3A_266 = arith.constant 250 : i32
      %lt3A_267 = arith.cmpi slt, %add3A_265, %lt3A_266 : i32
      %convert_element_type3A_268 = arith.extui %lt3A_267 : i1 to i32
      %cond3A_269 = arith.constant 0 : i32
      %cond3A_270 = arith.cmpi ne, %convert_element_type3A_268, %cond3A_269 : i32
      scf.if %cond3A_270 {
        %add3A_272 = arith.constant 2 : i32
        %add3A_273 = arith.addi %add3A_180, %add3A_272 : i32
        %mul3A_274 = arith.constant 40 : i32
        %mul3A_275 = arith.muli %add3A_273, %mul3A_274 : i32
        %add3A_276 = arith.addi %mul3A_44, %mul3A_275 : i32
        %multiple_of3A_277 = tpu.assume_multiple %add3A_276, 8 : i32
        "tpu.region"() ({
          %run_scoped3A = tpu.sem_alloc : memref<!tpu.dma_semaphore, #tpu.memory_space<semaphore_mem>>
          %dma_start3A_294 = tpu.memref_slice %arg4[%multiple_of3A_277] : memref<320000xi32, #tpu.memory_space<hbm>> -> memref<40xi32, #tpu.memory_space<hbm>>
          %dma_start3A_295 = tpu.memref_slice %arg4[%multiple_of3A_277] : memref<320000xi32, #tpu.memory_space<hbm>> -> memref<40xi32, #tpu.memory_space<hbm>>
          tpu.enqueue_dma source(%dma_start3A_295 : memref<40xi32, #tpu.memory_space<hbm>>) target(%arg9 : memref<40xi32, #tpu.memory_space<vmem>>) target_semaphore(%run_scoped3A : memref<!tpu.dma_semaphore, #tpu.memory_space<semaphore_mem>>)
          %dma_wait3A_296 = tpu.memref_slice %arg4[%multiple_of3A_277] : memref<320000xi32, #tpu.memory_space<hbm>> -> memref<40xi32, #tpu.memory_space<hbm>>
          %dma_wait3A_297 = tpu.memref_slice %arg4[%multiple_of3A_277] : memref<320000xi32, #tpu.memory_space<hbm>> -> memref<40xi32, #tpu.memory_space<hbm>>
          tpu.wait_dma2 semaphore(%run_scoped3A : memref<!tpu.dma_semaphore, #tpu.memory_space<semaphore_mem>>) src(%dma_wait3A_297 : memref<40xi32, #tpu.memory_space<hbm>>) dst(%arg9 : memref<40xi32, #tpu.memory_space<vmem>>)
          tpu.yield
        }) : () -> ()
        "tpu.region"() ({
          %run_scoped3A = tpu.sem_alloc : memref<!tpu.dma_semaphore, #tpu.memory_space<semaphore_mem>>
          %dma_start3A_294 = tpu.memref_slice %arg5[%multiple_of3A_277] : memref<320000xi32, #tpu.memory_space<hbm>> -> memref<40xi32, #tpu.memory_space<hbm>>
          %dma_start3A_295 = tpu.memref_slice %arg5[%multiple_of3A_277] : memref<320000xi32, #tpu.memory_space<hbm>> -> memref<40xi32, #tpu.memory_space<hbm>>
          tpu.enqueue_dma source(%dma_start3A_295 : memref<40xi32, #tpu.memory_space<hbm>>) target(%arg11 : memref<40xi32, #tpu.memory_space<vmem>>) target_semaphore(%run_scoped3A : memref<!tpu.dma_semaphore, #tpu.memory_space<semaphore_mem>>)
          %dma_wait3A_296 = tpu.memref_slice %arg5[%multiple_of3A_277] : memref<320000xi32, #tpu.memory_space<hbm>> -> memref<40xi32, #tpu.memory_space<hbm>>
          %dma_wait3A_297 = tpu.memref_slice %arg5[%multiple_of3A_277] : memref<320000xi32, #tpu.memory_space<hbm>> -> memref<40xi32, #tpu.memory_space<hbm>>
          tpu.wait_dma2 semaphore(%run_scoped3A : memref<!tpu.dma_semaphore, #tpu.memory_space<semaphore_mem>>) src(%dma_wait3A_297 : memref<40xi32, #tpu.memory_space<hbm>>) dst(%arg11 : memref<40xi32, #tpu.memory_space<vmem>>)
          tpu.yield
        }) : () -> ()
        %dma_start3A_278 = arith.constant 1 : i32
        %dma_start3A_279 = arith.constant 0 : i32
        %dma_start3A_280 = arith.constant 0 : i32
        %dma_start3A_281 = tpu.memref_slice %arg12[%dma_start3A_278, %dma_start3A_279, %dma_start3A_280] : memref<2x40x144xf32, #tpu.memory_space<vmem>> -> memref<1x40x144xf32, #tpu.memory_space<vmem>>
        %dma_start3A_282 = tpu.memref_squeeze %dma_start3A_281 : memref<1x40x144xf32, #tpu.memory_space<vmem>> -> memref<40x144xf32, #tpu.memory_space<vmem>>
        %dma_start3A_283 = arith.constant 0 : i32
        %dma_start3A_284 = arith.constant 0 : i32
        %dma_start3A_285 = tpu.memref_slice %arg2[%dma_start3A_283, %dma_start3A_284] : memref<10000x144xf32, #tpu.memory_space<hbm>> -> memref<10000x144xf32, #tpu.memory_space<hbm>>
        tpu.enqueue_indirect_dma source(%dma_start3A_285 : memref<10000x144xf32, #tpu.memory_space<hbm>>) target(%dma_start3A_282 : memref<40x144xf32, #tpu.memory_space<vmem>>) offsets(%arg9 : memref<40xi32, #tpu.memory_space<vmem>>) semaphore(%arg18 : memref<!tpu.dma_semaphore, #tpu.memory_space<semaphore_mem>>)
        %dma_start3A_286 = arith.constant 1 : i32
        %dma_start3A_287 = arith.constant 0 : i32
        %dma_start3A_288 = arith.constant 0 : i32
        %dma_start3A_289 = tpu.memref_slice %arg13[%dma_start3A_286, %dma_start3A_287, %dma_start3A_288] : memref<2x40x128xf32, #tpu.memory_space<vmem>> -> memref<1x40x128xf32, #tpu.memory_space<vmem>>
        %dma_start3A_290 = tpu.memref_squeeze %dma_start3A_289 : memref<1x40x128xf32, #tpu.memory_space<vmem>> -> memref<40x128xf32, #tpu.memory_space<vmem>>
        %dma_start3A_291 = arith.constant 0 : i32
        %dma_start3A_292 = arith.constant 0 : i32
        %dma_start3A_293 = tpu.memref_slice %arg3[%dma_start3A_291, %dma_start3A_292] : memref<10000x128xf32, #tpu.memory_space<hbm>> -> memref<10000x128xf32, #tpu.memory_space<hbm>>
        tpu.enqueue_indirect_dma source(%dma_start3A_293 : memref<10000x128xf32, #tpu.memory_space<hbm>>) target(%dma_start3A_290 : memref<40x128xf32, #tpu.memory_space<vmem>>) offsets(%arg11 : memref<40xi32, #tpu.memory_space<vmem>>) semaphore(%arg20 : memref<!tpu.dma_semaphore, #tpu.memory_space<semaphore_mem>>)
      } else {
      }
      %scan3A_271 = arith.constant 0 : i32
      scf.yield %scan3A_271 : i32
    }
    %scan3A_87 = arith.constant 125 : i32
    %barrier3A_88 = arith.constant 0 : index
    tpu.barrier barrier_id(%barrier3A_88)
    "tpu.region"() ({
      %run_scoped3A = tpu.sem_alloc : memref<!tpu.dma_semaphore, #tpu.memory_space<semaphore_mem>>
      %dma_start3A_89 = arith.constant 0 : i32
      %dma_start3A_90 = tpu.memref_slice %arg7[%arg0, %mul3A_9, %dma_start3A_89] : memref<2x10112x144xf32, #tpu.memory_space<hbm>> -> memref<1x632x144xf32, #tpu.memory_space<hbm>>
      %dma_start3A_91 = tpu.memref_squeeze %dma_start3A_90 : memref<1x632x144xf32, #tpu.memory_space<hbm>> -> memref<632x144xf32, #tpu.memory_space<hbm>>
      %dma_start3A_92 = arith.constant 0 : i32
      %dma_start3A_93 = tpu.memref_slice %arg16[%mul3A_9, %dma_start3A_92] : memref<10112x144xf32, #tpu.memory_space<vmem_shared>> -> memref<632x144xf32, #tpu.memory_space<vmem_shared>>
      tpu.enqueue_dma source(%dma_start3A_93 : memref<632x144xf32, #tpu.memory_space<vmem_shared>>) target(%dma_start3A_91 : memref<632x144xf32, #tpu.memory_space<hbm>>) target_semaphore(%run_scoped3A : memref<!tpu.dma_semaphore, #tpu.memory_space<semaphore_mem>>)
      %dma_wait3A = arith.constant 0 : i32
      %dma_wait3A_94 = tpu.memref_slice %arg7[%arg0, %mul3A_9, %dma_wait3A] : memref<2x10112x144xf32, #tpu.memory_space<hbm>> -> memref<1x632x144xf32, #tpu.memory_space<hbm>>
      %dma_wait3A_95 = tpu.memref_squeeze %dma_wait3A_94 : memref<1x632x144xf32, #tpu.memory_space<hbm>> -> memref<632x144xf32, #tpu.memory_space<hbm>>
      %dma_wait3A_96 = arith.constant 0 : i32
      %dma_wait3A_97 = tpu.memref_slice %arg16[%mul3A_9, %dma_wait3A_96] : memref<10112x144xf32, #tpu.memory_space<vmem_shared>> -> memref<632x144xf32, #tpu.memory_space<vmem_shared>>
      tpu.wait_dma2 semaphore(%run_scoped3A : memref<!tpu.dma_semaphore, #tpu.memory_space<semaphore_mem>>) src(%dma_wait3A_97 : memref<632x144xf32, #tpu.memory_space<vmem_shared>>) dst(%dma_wait3A_95 : memref<632x144xf32, #tpu.memory_space<hbm>>)
      tpu.yield
    }) : () -> ()
    return
  }
}

</mosaic_0001>

<sc_bundles>
// kernel: _edge_pass.3.cloned.1.call-start
scs
__scs_entry_jumppad:
0x0: {  	(pc) =	sbr.rel $0x88, $3  }
0x1: {  	(tag) =	ssettag $0x0;
	lr =	simm.s32 $0x1  }
0x2: {  	[smem:$0x3F9C] =	sst lr;
	_ =	strace $0xD0000000  }
0x3: {  	_ = 	snop  }
0x4: {  	_ = 	snop  }
0x5: {  	_ = 	snop  }
0x6: {  	_ = 	snop  }
0x7: {  	_ = 	snop  }
__scs_overlays_trampoline_lowered:
0x8: {  	[smem:$0x3FAB] =	sst s0  }
0x9: {  	[smem:$0x3FAC] =	sst s1  }
0xa: {  	[smem:$0x3FAD] =	sst s2  }
0xb: {  	[smem:$0x3FAE] =	sst s3  }
0xc: {  	[smem:$0x3FAF] =	sst s4  }
0xd: {  	[smem:$0x3FB0] =	sst s5  }
0xe: {  	[smem:$0x3FB1] =	sst s6  }
0xf: {  	[smem:$0x3FB2] =	sst s7  }
0x10: {  	[smem:$0x3FB3] =	sst s8  }
0x11: {  	[smem:$0x3FB4] =	sst s9;
	s0 =	simm.s32 @!p0 $0x0  }
0x12: {  	s1 =	sld [smem:$0x3F9A];
	s0 =	simm.s32 @p0 $0x1  }
0x13: {  	[smem:$0x3FB5] =	sst s0;
	s0 =	simm.s32 @!p1 $0x0  }
0x14: {  	s2 =	sld [smem:$0x3F99];
	s0 =	simm.s32 @p1 $0x1  }
0x15: {  	[smem:$0x3FB6] =	sst s0;
	s0 =	simm.s32 @!p2 $0x0  }
0x16: {  	s3 =	sld [smem:$0x3FDB];
	s0 =	simm.s32 @p2 $0x1  }
0x17: {  	s4 =	simm.s32 $0x1BF5;
	[smem:$0x3FB8] =	sst s0  }
0x18: {  	s0 =	sld [smem:$0x3F9B];
	_ =	swait.ge [sflag:s4], $0x0  }
0x19: {  	s7 =	sld [smem:$0x3F9C]  }
0x1a: {  	s8 =	sadd.s32 $0xFFFFE003, lr  }
0x1b: {  	s9 =	sadd.s32 $0xFFFFFEF7, lr;
	s5 =	simm.s32 $0xFFFFFFFF;
	p2 =	slt.u32 s8, $0xFFFFF086  }
0x1c: {  	p1 =	slt.u32 s9, $0xF7A;
	s5 =	simm.s32 @!p2 $0x0  }
0x1d: {  	s5 =	simm.s32 @p1 $0x1;
	p0 =	seq.s32 s7, s2  }
0x1e: {  	s7 =	smul.u32 @!p0 $0xF7A, s2;
	p2 =	seq.s32 @!p0 s5, $0x0  }
0x1f: {  	s9 =	smul.u32 $0xF7A, s1;
	s8 =	simm.s32 @!p0 $0x1BF5;
	p2 =	por !p2, p0  }
0x20: {  	[sflag:s8] =	ssyncset.s32 @!p0 $0xFFFFF086;
	s6 =	sadd.s32 @!p0 s3, s7;
	s7 =	simm.s32 @!p0 $0x108  }
0x21: {  	s3 =	sadd.s32 s3, s9;
	s6 =	sadd.s32 @!p0 $0x88, s6;
	s7 =	simm.s32 @p2 $0x1082  }
0x22: {  	[simem:s7], [sflag:s8] =	dma.local @!p0 [hbm:s6], $0xF7A  }
0x23: {  	s9 =	sor.u32 $0xD0000000, s2;
	s6 =	simm.s32 $0x108;
	_ =	swait.ge @!p0 [sflag:s8], $0x0  }
0x24: {  	s3 =	sadd.s32 $0x88, s3;
	s6 =	simm.s32 @!p1 $0x1082;
	[sflag:s4] =	ssyncset.s32 $0xFFFFF086  }
0x25: {  	[simem:s6], [sflag:s4] =	dma.local [hbm:s3], $0xF7A  }
0x26: {  	[smem:$0x3F9C] =	sst s1;
	(tag) =	ssettag s2;
	_ =	strace s9  }
0x27: {  	s1 =	sld [smem:$0x3FAC]  }
0x28: {  	s2 =	sld [smem:$0x3FAD]  }
0x29: {  	s4 =	sld [smem:$0x3FAF]  }
0x2a: {  	p0 =	seq.s32 s5, $0x0;
	s5 =	sld [smem:$0x3FB0]  }
0x2b: {  	s6 =	sld [smem:$0x3FB1]  }
0x2c: {  	s7 =	sld [smem:$0x3FB2]  }
0x2d: {  	s3 =	simm.s32 $0x108;
	s8 =	sld [smem:$0x3FB3]  }
0x2e: {  	s3 =	simm.s32 @!p0 $0x1082;
	s9 =	sld [smem:$0x3FB4]  }
0x2f: {  	lr =	sadd.s32 s0, s3;
	s0 =	sld [smem:$0x3FAB]  }
0x30: {  	s3 =	sld [smem:$0x3FAE]  }
0x31: {  	[smem:$0x3FB7] =	sst s10  }
0x32: {  	s10 =	sld [smem:$0x3FB5];
	_ =	sdelay $0x3  }
0x33: {  	p0 =	seq.s32 s10, $0x1;
	s10 =	sld [smem:$0x3FB7];
	_ =	sdelay $0x3  }
0x34: {  	[smem:$0x3FB7] =	sst s10  }
0x35: {  	s10 =	sld [smem:$0x3FB6];
	_ =	sdelay $0x3  }
0x36: {  	p1 =	seq.s32 s10, $0x1;
	s10 =	sld [smem:$0x3FB7];
	_ =	sdelay $0x3  }
0x37: {  	[smem:$0x3FB7] =	sst s10  }
0x38: {  	s10 =	sld [smem:$0x3FB8]  }
0x39: {  	_ = 	snop;
	(pc) =	sbr.ind lr, $3  }
0x3a: {  	_ = 	snop  }
0x3b: {  	_ = 	snop  }
0x3c: {  	p2 =	seq.s32 s10, $0x1;
	s10 =	sld [smem:$0x3FB7]  }
0x3d: {  	_ =	shalt  }
0x3e: {  	_ =	shalt  }
0x3f: {  	_ =	shalt  }
0x40: {  	_ =	shalt  }
0x41: {  	_ =	shalt  }
0x42: {  	_ =	shalt  }
0x43: {  	_ =	shalt  }
0x44: {  	_ =	shalt  }
0x45: {  	_ =	shalt  }
0x46: {  	_ =	shalt  }
0x47: {  	_ =	shalt  }
0x48: {  	_ =	shalt  }
0x49: {  	_ =	shalt  }
0x4a: {  	_ =	shalt  }
0x4b: {  	_ =	shalt  }
0x4c: {  	_ =	shalt  }
0x4d: {  	_ =	shalt  }
0x4e: {  	_ =	shalt  }
0x4f: {  	_ =	shalt  }
0x50: {  	_ =	shalt  }
0x51: {  	_ =	shalt  }
0x52: {  	_ =	shalt  }
0x53: {  	_ =	shalt  }
0x54: {  	_ =	shalt  }
0x55: {  	_ =	shalt  }
0x56: {  	_ =	shalt  }
0x57: {  	_ =	shalt  }
0x58: {  	_ =	shalt  }
0x59: {  	_ =	shalt  }
0x5a: {  	_ =	shalt  }
0x5b: {  	_ =	shalt  }
0x5c: {  	_ =	shalt  }
0x5d: {  	_ =	shalt  }
0x5e: {  	_ =	shalt  }
0x5f: {  	_ =	shalt  }
0x60: {  	_ =	shalt  }
0x61: {  	_ =	shalt  }
0x62: {  	_ =	shalt  }
0x63: {  	_ =	shalt  }
0x64: {  	_ =	shalt  }
0x65: {  	_ =	shalt  }
0x66: {  	_ =	shalt  }
0x67: {  	_ =	shalt  }
0x68: {  	_ =	shalt  }
0x69: {  	_ =	shalt  }
0x6a: {  	_ =	shalt  }
0x6b: {  	_ =	shalt  }
0x6c: {  	_ =	shalt  }
0x6d: {  	_ =	shalt  }
0x6e: {  	_ =	shalt  }
0x6f: {  	_ =	shalt  }
0x70: {  	_ =	shalt  }
0x71: {  	_ =	shalt  }
0x72: {  	_ =	shalt  }
0x73: {  	_ =	shalt  }
0x74: {  	_ =	shalt  }
0x75: {  	_ =	shalt  }
0x76: {  	_ =	shalt  }
0x77: {  	_ =	shalt  }
0x78: {  	_ =	shalt  }
0x79: {  	_ =	shalt  }
0x7a: {  	_ =	shalt  }
0x7b: {  	_ =	shalt  }
0x7c: {  	_ =	shalt  }
0x7d: {  	_ =	shalt  }
0x7e: {  	_ =	shalt  }
0x7f: {  	_ =	shalt  }
0x80: {  	_ =	shalt  }
0x81: {  	_ =	shalt  }
0x82: {  	_ =	shalt  }
0x83: {  	_ =	shalt  }
0x84: {  	_ =	shalt  }
0x85: {  	_ =	shalt  }
0x86: {  	_ =	shalt  }
0x87: {  	_ =	shalt  }
.Lfunc_end0:
.L_simem_size_0:
called_computation_lowered:
.L_overlay_start_0:
0x88: {  	s2 =	sld [smem:$0x3FD9]  }
0x89: {  	s3 =	sld [smem:$0x3FFE];
	_ =	sdelay $0x1  }
0x8a: {  	s1 =	srdreg.scid  }
0x8b: {  	s0 =	sand.u32 $0x1, s1  }
0x8c: {  	s17 =	sshll.u32 s0, $0xA;
	s2 =	sadd.s32 s3, s2  }
0x8d: {  	s2 =	sadd.s32 s2, s17  }
0x8e: {  	[smem:$0x3FC3] =	sst s2  }
0x8f: {  	_ = 	snop  }
0x90: {  	s2 =	sld [smem:$0x3FC8]  }
0x91: {  	s18 =	sld [smem:$0x3FC7]  }
0x92: {  	s4 =	sld [smem:$0x3FC6]  }
0x93: {  	s5 =	sld [smem:$0x3FC5]  }
0x94: {  	s6 =	sld [smem:$0x3FD0];
	(tm) =	ssettm $0x1  }
0x95: {  	s7 =	sld [smem:$0x3FFB];
	_ =	sdelay $0x3  }
0x96: {  	_ =	strace s7  }
0x97: {  	s7 =	sld [smem:$0x3FFC];
	_ =	sdelay $0x3  }
0x98: {  	_ =	strace s7  }
0x99: {  	s7 =	sld [smem:$0x3FFD];
	_ =	sdelay $0x3  }
0x9a: {  	_ =	strace s7  }
0x9b: {  	_ =	strace $0x8FFFFFFF  }
0x9c: {  	s19 =	sld [smem:$0x3FDB];
	_ =	sdelay $0x1  }
0x9d: {  	s8 =	simm.s32 $_scs_section_size  }
0x9e: {  	s9 =	simm.s32 $_size__tile_overlayer_lowered;
	s10 =	simm.s32 $_tile_overlayer_lowered  }
0x9f: {  	s22 =	simm.s32 $0x1BFF;
	s21 =	sshll.u32 s10, $0x1;
	s7 =	sadd.s32 s8, s19  }
0xa0: {  	s11 =	simm.s32 $0x0;
	s20 =	sshll.u32 s9, $0x1;
	s9 =	sadd.s32 s21, s7  }
0xa1: {  	[timem:s11], [sflag:s22] =	dma.local [hbm:s9], s20  }
0xa2: {  	_ =	swait.ge [sflag:s22], s20  }
0xa3: {  	s8 =	ssub.s32 $0x0, s20;
	[sflag:s22] =	ssyncset.done $0x0  }
0xa4: {  	[sflag:s22] =	ssyncadd.s32 s8;
	_ =	sdelay $0x1  }
0xa5: {  	s23 =	simm.s32 $0x1B8B  }
0xa6: {  	_ =	swait.ge [sflag:s23], $0x1  }
0xa7: {  	[sflag:s23] =	ssyncset.done $0x0  }
0xa8: {  	s25 =	simm.s32 $0x1B8E;
	s24 =	sld [smem:$0x3FFE];
	[sflag:s23] =	ssyncadd.s32 $0xFFFFFFFF  }
0xa9: {  	s26 =	simm.s32 $execute0_lowered;
	[smem:$0x3FD2] =	sst s25  }
0xaa: {  	s9 =	sshll.u32 s26, $0x1;
	_ =	strace $0x80000046;
	[dreg:$0x1] =	wrdreg $0xFFFFFFFF  }
0xab: {  	s28 =	simm.s32 $_size_execute0_lowered;
	s7 =	sadd.s32 s7, s9;
	[dreg:$0x0] =	wrdreg $0x0  }
0xac: {  	s9 =	sshll.u32 s28, $0x1;
	[dreg:$0x2] =	wrdreg s7  }
0xad: {  	[dreg:$0x3] =	wrdreg s9  }
0xae: {  	[dreg:$0x4] =	wrdreg $0xC0  }
0xaf: {  	_ =	task [dreg:s11], $0x5FFFF  }
0xb0: {  	[dreg:$0x1] =	wrdreg $0xFFFFFFFF  }
0xb1: {  	[dreg:$0x0] =	wrdreg $0x60  }
0xb2: {  	[dreg:$0x2] =	wrdreg s24  }
0xb3: {  	[dreg:$0x3] =	wrdreg s2  }
0xb4: {  	[dreg:$0x4] =	wrdreg s18  }
0xb5: {  	[dreg:$0x5] =	wrdreg s4  }
0xb6: {  	[dreg:$0x6] =	wrdreg s5  }
0xb7: {  	[dreg:$0x7] =	wrdreg s6  }
0xb8: {  	[dreg:$0x8] =	wrdreg $0x6C300  }
0xb9: {  	[dreg:$0x9] =	wrdreg $0x9  }
0xba: {  	_ =	task.clear_ibuf [dreg:s11], $0xAFFFF;
	_ =	strace $0x90000046  }
0xbb: {  	s29 =	simm.s32 $0x9;
	_ =	strace $0x80000048  }
0xbc: {  	_ =	swait.ge [sflag:s29], $0x1  }
0xbd: {  	[sflag:s29] =	ssyncadd.s32 $0xFFFFFFFF  }
0xbe: {  	_ =	strace $0x90000048  }
0xbf: {  	_ =	sfence  }
0xc0: {  	s30 =	sld [smem:$0x0];
	_ =	sdelay $0x2  }
0xc1: {  	s31 =	sshll.u32 s1, $0xD;
	s1 =	sshrl.u32 s1, $0x2  }
0xc2: {  	s3 =	sand.u32 $0x4000, s31;
	s1 =	sadd.s32 s1, s30  }
0xc3: {  	s0 =	sor.u32 s3, s0;
	s1 =	sshll.u32 s1, $0x11  }
0xc4: {  	s0 =	sor.u32 s1, s0  }
0xc5: {  	s0 =	sadd.s32 $0x8F2B, s0  }
0xc6: {  	[sflag:s0] =	ssyncadd.remote.s32 $0x1  }
0xc7: {  	_ =	sfence.sel $0xFFFF  }
0xc8: {  	[dreg:$0x0] =	wrdreg $0xFFFFFFFF;
	(pc) =	sbr.abs _section_cstart, $3  }
0xc9: {  	[dreg:$0x1] =	wrdreg $0xFFFFFFFF  }
0xca: {  	_ =	task.clear_ibuf [dreg:s11], $0x2FFFF;
	_ =	strace $0x9FFFFFFF  }
0xcb: {  	(tm) =	ssettm $0x7FFFFFFF  }
tec
execute0_lowered:
.L_overlay_start_1:
0x0: {  	(tag) =	ssettag $0x1  }
0x1: {  	s0 =	rddreg [dreg:$0x0]  }
0x2: {  	s1 =	rddreg [dreg:$0x1]  }
0x3: {  	s2 =	rddreg [dreg:$0x2]  }
0x4: {  	s3 =	rddreg [dreg:$0x3]  }
0x5: {  	s4 =	rddreg [dreg:$0x5];
	s13 =	stileid.u32  }
0x6: {  	s5 =	rddreg [dreg:$0x6];
	s7 =	simm.s32 $0x0;
	s10 =	smul.u32 $0x58E00, s13  }
0x7: {  	s6 =	srdreg.scid;
	[smem:$0x7FF] =	sst s7  }
0x8: {  	s6 =	sand.u32 $0x1, s6;
	s8 =	sadd.s32 $0x400, s0;
	s10 =	sshrl.u32 s10, $0x2  }
0x9: {  	s11 =	smul.u32 $0x16380, s13;
	s22 =	sshll.u32 s13, $0x1;
	s10 =	sadd.s32 s10, s5  }
0xa: {  	s13 =	simm.s32 $0x78;
	_ =	strace $0x80000047;
	s23 =	sadd.s32 $0x1680, s10  }
0xb: {  	s9 =	ssub.s32 $0x2, s6;
	s24 =	sadd.s32 $0x2D00, s10;
	[dreg:$0x8] =	wrdreg s23  }
0xc: {  	s0 =	sor.u32 s6, s22;
	s25 =	sadd.s32 $0x4380, s10;
	[dreg:$0x9] =	wrdreg s24  }
0xd: {  	s6 =	smul.u32 $0x163800, s6;
	s26 =	sadd.s32 $0x5A00, s10;
	[dreg:$0xa] =	wrdreg s25  }
0xe: {  	s21 =	sshrl.u32 s9, $0x1;
	s14 =	sadd.s32 $0x7080, s10;
	[dreg:$0xb] =	wrdreg s26  }
0xf: {  	s0 =	smul.u32 $0x2710, s0;
	s15 =	sadd.s32 $0x8700, s10;
	[dreg:$0xc] =	wrdreg s14  }
0x10: {  	s12 =	ssub.s32 s9, s21;
	s16 =	sadd.s32 $0x9D80, s10;
	[dreg:$0xd] =	wrdreg s15  }
0x11: {  	s9 =	sadd.s32 s11, s5;
	s17 =	sadd.s32 $0xB400, s10;
	[dreg:$0xe] =	wrdreg s16  }
0x12: {  	s6 =	sadd.s32 s11, s6;
	s18 =	sadd.s32 $0xCA80, s10;
	[dreg:$0xf] =	wrdreg s17  }
0x13: {  	s11 =	simm.s32 $0x50;
	s19 =	sadd.s32 $0xE100, s10;
	[dreg:$0x10] =	wrdreg s18  }
0x14: {  	s20 =	sadd.s32 $0xF780, s10;
	s6 =	sshrl.u32 s6, $0x3;
	[dreg:$0x11] =	wrdreg s19  }
0x15: {  	s21 =	sadd.s32 $0x10E00, s10;
	s22 =	sadd.s32 $0x12480, s10;
	[dreg:$0x12] =	wrdreg s20  }
0x16: {  	s31 =	sadd.s32 $0x50, s0;
	s4 =	sadd.s32 s4, s6;
	[dreg:$0x14] =	wrdreg s21  }
0x17: {  	[dreg:$0x15] =	wrdreg s22;
	s23 =	sadd.s32 $0x13B00, s10;
	s24 =	sshrl.u32 s0, $0x3  }
0x18: {  	s25 =	sadd.s32 $0x28, s0;
	s10 =	sadd.s32 $0x15180, s10;
	s0 =	sadd.s32 $0x78, s0  }
0x19: {  	s14 =	simm.s32 $0x1720;
	s15 =	simm.s32 $0x41A0;
	s16 =	simm.s32 $0x1  }
0x1a: {  	v0 =	vimm.f32 $0.0e+00;
	vm0 =	vcmask $0x300;
	vm1 =	vcmask $0x704;
	s17 =	simm.s32 $0x3;
	s18 =	simm.s32 $0x2;
	[dreg:$0x13] =	wrdreg s4  }
.Ltmp0:
0x1b: {  	v1 =	vsel vm0, $0x3F800000, v0;
	v2 =	vsel vm1, $0x3F800000, v0;
	vm0 =	vcmask $0xB08;
	s19 =	simm.s32 $0x4;
	[dreg:$0x16] =	wrdreg s23;
	(pc) =	sbr.rel .LBB2_1-.Ltmp0, $4  }
0x1c: {  	vm1 =	vcmask $0x1310;
	v3 =	vsel vm0, $0x3F800000, v0;
	vm0 =	vcmask $0xF0C;
	s20 =	simm.s32 $0x0;
	[dreg:$0x17] =	wrdreg s10;
	s6 =	sshrl.u32 s25, $0x3  }
0x1d: {  	v5 =	vsel vm1, $0x3F800000, v0;
	v4 =	vsel vm0, $0x3F800000, v0;
	vm0 =	vcmask $0x1714;
	s26 =	sadd.s32 s2, s24;
	s28 =	sadd.s32 s3, s24;
	s4 =	smax.u32 s12, $0x1  }
0x1e: {  	vm1 =	vcmask $0x1F1C;
	v6 =	vsel vm0, $0x3F800000, v0;
	vm0 =	vcmask $0x1B18;
	s10 =	simm.s32 $0x5;
	s12 =	simm.s32 $0x28;
	[dreg:$0x18] =	wrdreg s26  }
0x1f: {  	v8 =	vsel vm1, $0x3F800000, v0;
	v7 =	vsel vm0, $0x3F800000, v0;
	vm0 =	vmmov $0xff;
	s29 =	sadd.s32 s2, s6;
	s30 =	sadd.s32 s3, s6;
	s6 =	simm.s32 $0x55A0  }
.LBB2_10:
0x20: {  	s21 =	stileid.u32;
	[bflag:$0x0] =	sbarrier.arrive $0xFFFF;
	s20 =	sadd.s32 $0x1, s20  }
0x21: {  	s22 =	sshrl.u32 s9, $0x3;
	s21 =	sshll.u32 s21, $0x6;
	p0 =	sne.s32 s20, s4  }
.Ltmp1:
0x22: {  	s23 =	rddreg [dreg:$0x13];
	s21 =	sor.u32 $0x1C05, s21;
	(pc) =	sbr.rel @!p0 .LBB2_11-.Ltmp1, $4  }
0x23: {  	[hbm:s23], [sflag:s21] =	dma.local [spmem:s22], $0x2C70  }
0x24: {  	_ =	swait.ge [sflag:s10], $0x2C70  }
0x25: {  	[sflag:s10] =	ssyncset.done $0x0  }
0x26: {  	[sflag:s10] =	ssyncadd.s32 $0xFFFFD390  }
.LBB2_1:
0x27: {  	s21 =	simm.s32 $0x0;
	s22 =	simm.s32 $0x240  }
.LBB2_2:
0x28: {  	p0 =	sne.s32 s22, $0x57C0;
	[tilespmem:s21+$0x5620] =	vst v0  }
0x29: {  	[tilespmem:s21+$0x55A0] =	vst v0  }
0x2a: {  	[tilespmem:s21+$0x55B0] =	vst v0  }
0x2b: {  	[tilespmem:s21+$0x55C0] =	vst v0  }
.Ltmp2:
0x2c: {  	[tilespmem:s21+$0x55D0] =	vst v0;
	(pc) =	sbr.rel @p0 .LBB2_2-.Ltmp2, $4  }
0x2d: {  	[tilespmem:s21+$0x55E0] =	vst v0  }
0x2e: {  	[tilespmem:s21+$0x55F0] =	vst v0  }
0x2f: {  	[tilespmem:s21+$0x5600] =	vst v0  }
0x30: {  	[tilespmem:s21+$0x5610] =	vst v0;
	s21 =	sshra.s32 s22, $0x2;
	s22 =	sadd.s32 $0x240, s22  }
0x31: {  	[tilespmem:s21+$0x5620] =	vst v0  }
0x32: {  	[tilespmem:s21+$0x55A0] =	vst v0  }
0x33: {  	[tilespmem:s21+$0x55B0] =	vst v0  }
0x34: {  	[tilespmem:s21+$0x55C0] =	vst v0  }
0x35: {  	[tilespmem:s21+$0x55D0] =	vst v0  }
0x36: {  	[tilespmem:s21+$0x55E0] =	vst v0  }
0x37: {  	[tilespmem:s21+$0x55F0] =	vst v0  }
0x38: {  	[tilespmem:s21+$0x5600] =	vst v0  }
0x39: {  	[tilespmem:s21+$0x5610] =	vst v0  }
0x3a: {  	[spmem:s9] =	stream.linear.scatter [tilespmem:s6], [sflag:$0x5], $0x1680, $0x38;
	[tilespmem:$0x1CFB0] =	vst v63  }
0x3b: {  	_ =	swait.ge [sflag:s10], $0x1680  }
0x3c: {  	[sflag:s10] =	ssyncset.done $0x0  }
0x3d: {  	s24 =	rddreg [dreg:$0x8];
	[sflag:s10] =	ssyncadd.s32 $0xFFFFE980  }
0x3e: {  	[spmem:s24] =	stream.linear.scatter [tilespmem:s6], [sflag:$0x5], $0x1680, $0x38;
	[tilespmem:$0x1CFB0] =	vst v63  }
0x3f: {  	_ =	swait.ge [sflag:s10], $0x1680  }
0x40: {  	[sflag:s10] =	ssyncset.done $0x0  }
0x41: {  	s25 =	rddreg [dreg:$0x9];
	[sflag:s10] =	ssyncadd.s32 $0xFFFFE980  }
0x42: {  	[spmem:s25] =	stream.linear.scatter [tilespmem:s6], [sflag:$0x5], $0x1680, $0x38;
	[tilespmem:$0x1CFB0] =	vst v63  }
0x43: {  	_ =	swait.ge [sflag:s10], $0x1680  }
0x44: {  	[sflag:s10] =	ssyncset.done $0x0  }
0x45: {  	s26 =	rddreg [dreg:$0xa];
	[sflag:s10] =	ssyncadd.s32 $0xFFFFE980  }
0x46: {  	[spmem:s26] =	stream.linear.scatter [tilespmem:s6], [sflag:$0x5], $0x1680, $0x38;
	[tilespmem:$0x1CFB0] =	vst v63  }
0x47: {  	_ =	swait.ge [sflag:s10], $0x1680  }
0x48: {  	[sflag:s10] =	ssyncset.done $0x0  }
0x49: {  	s22 =	rddreg [dreg:$0xb];
	[sflag:s10] =	ssyncadd.s32 $0xFFFFE980  }
0x4a: {  	[spmem:s22] =	stream.linear.scatter [tilespmem:s6], [sflag:$0x5], $0x1680, $0x38;
	[tilespmem:$0x1CFB0] =	vst v63  }
0x4b: {  	_ =	swait.ge [sflag:s10], $0x1680  }
0x4c: {  	[sflag:s10] =	ssyncset.done $0x0  }
0x4d: {  	s23 =	rddreg [dreg:$0xc];
	[sflag:s10] =	ssyncadd.s32 $0xFFFFE980  }
0x4e: {  	[spmem:s23] =	stream.linear.scatter [tilespmem:s6], [sflag:$0x5], $0x1680, $0x38;
	[tilespmem:$0x1CFB0] =	vst v63  }
0x4f: {  	_ =	swait.ge [sflag:s10], $0x1680  }
0x50: {  	[sflag:s10] =	ssyncset.done $0x0  }
0x51: {  	s24 =	rddreg [dreg:$0xd];
	[sflag:s10] =	ssyncadd.s32 $0xFFFFE980  }
0x52: {  	[spmem:s24] =	stream.linear.scatter [tilespmem:s6], [sflag:$0x5], $0x1680, $0x38;
	[tilespmem:$0x1CFB0] =	vst v63  }
0x53: {  	_ =	swait.ge [sflag:s10], $0x1680  }
0x54: {  	[sflag:s10] =	ssyncset.done $0x0  }
0x55: {  	s25 =	rddreg [dreg:$0xe];
	[sflag:s10] =	ssyncadd.s32 $0xFFFFE980  }
0x56: {  	[spmem:s25] =	stream.linear.scatter [tilespmem:s6], [sflag:$0x5], $0x1680, $0x38;
	[tilespmem:$0x1CFB0] =	vst v63  }
0x57: {  	_ =	swait.ge [sflag:s10], $0x1680  }
0x58: {  	[sflag:s10] =	ssyncset.done $0x0  }
0x59: {  	s26 =	rddreg [dreg:$0xf];
	[sflag:s10] =	ssyncadd.s32 $0xFFFFE980  }
0x5a: {  	[spmem:s26] =	stream.linear.scatter [tilespmem:s6], [sflag:$0x5], $0x1680, $0x38;
	[tilespmem:$0x1CFB0] =	vst v63  }
0x5b: {  	_ =	swait.ge [sflag:s10], $0x1680  }
0x5c: {  	[sflag:s10] =	ssyncset.done $0x0  }
0x5d: {  	s22 =	rddreg [dreg:$0x10];
	[sflag:s10] =	ssyncadd.s32 $0xFFFFE980  }
0x5e: {  	[spmem:s22] =	stream.linear.scatter [tilespmem:s6], [sflag:$0x5], $0x1680, $0x38;
	[tilespmem:$0x1CFB0] =	vst v63  }
0x5f: {  	_ =	swait.ge [sflag:s10], $0x1680  }
0x60: {  	[sflag:s10] =	ssyncset.done $0x0  }
0x61: {  	s23 =	rddreg [dreg:$0x11];
	[sflag:s10] =	ssyncadd.s32 $0xFFFFE980  }
0x62: {  	[spmem:s23] =	stream.linear.scatter [tilespmem:s6], [sflag:$0x5], $0x1680, $0x38;
	[tilespmem:$0x1CFB0] =	vst v63  }
0x63: {  	_ =	swait.ge [sflag:s10], $0x1680  }
0x64: {  	[sflag:s10] =	ssyncset.done $0x0  }
0x65: {  	s24 =	rddreg [dreg:$0x12];
	[sflag:s10] =	ssyncadd.s32 $0xFFFFE980  }
0x66: {  	[spmem:s24] =	stream.linear.scatter [tilespmem:s6], [sflag:$0x5], $0x1680, $0x38;
	[tilespmem:$0x1CFB0] =	vst v63  }
0x67: {  	_ =	swait.ge [sflag:s10], $0x1680  }
0x68: {  	[sflag:s10] =	ssyncset.done $0x0  }
0x69: {  	s25 =	rddreg [dreg:$0x14];
	[sflag:s10] =	ssyncadd.s32 $0xFFFFE980  }
0x6a: {  	[spmem:s25] =	stream.linear.scatter [tilespmem:s6], [sflag:$0x5], $0x1680, $0x38;
	[tilespmem:$0x1CFB0] =	vst v63  }
0x6b: {  	_ =	swait.ge [sflag:s10], $0x1680  }
0x6c: {  	[sflag:s10] =	ssyncset.done $0x0  }
0x6d: {  	s26 =	rddreg [dreg:$0x15];
	[sflag:s10] =	ssyncadd.s32 $0xFFFFE980  }
0x6e: {  	[spmem:s26] =	stream.linear.scatter [tilespmem:s6], [sflag:$0x5], $0x1680, $0x38;
	[tilespmem:$0x1CFB0] =	vst v63  }
0x6f: {  	_ =	swait.ge [sflag:s10], $0x1680  }
0x70: {  	[sflag:s10] =	ssyncset.done $0x0  }
0x71: {  	s22 =	rddreg [dreg:$0x16];
	[sflag:s10] =	ssyncadd.s32 $0xFFFFE980  }
0x72: {  	[spmem:s22] =	stream.linear.scatter [tilespmem:s6], [sflag:$0x5], $0x1680, $0x38;
	[tilespmem:$0x1CFB0] =	vst v63  }
0x73: {  	_ =	swait.ge [sflag:s10], $0x1680  }
0x74: {  	[sflag:s10] =	ssyncset.done $0x0  }
0x75: {  	s23 =	rddreg [dreg:$0x17];
	[sflag:s10] =	ssyncadd.s32 $0xFFFFE980  }
0x76: {  	[spmem:s23] =	stream.linear.scatter [tilespmem:s6], [sflag:$0x5], $0x1200, $0x38;
	[tilespmem:$0x1CFB0] =	vst v63  }
0x77: {  	_ =	swait.ge [sflag:s10], $0x1200  }
0x78: {  	[sflag:s10] =	ssyncset.done $0x0  }
0x79: {  	[sflag:s10] =	ssyncadd.s32 $0xFFFFEE00  }
0x7a: {  	s21 =	simm.s32 $0x0;
	s23 =	simm.s32 $0x6C20;
	s22 =	rddreg [dreg:$0x4]  }
0x7b: {  	[tilespmem:s23], [sflag:$0x5] =	stream.linear.gather [hbm4b:s22+s21], $0x10, $0x38;
	[tilespmem:$0x1CFB0] =	vst v63  }
0x7c: {  	_ =	swait.ge [sflag:s10], $0x10  }
0x7d: {  	[sflag:s10] =	ssyncset.done $0x0  }
0x7e: {  	[sflag:s10] =	ssyncadd.s32 $0xFFFFFFF0  }
0x7f: {  	[bflag:$0x0] =	sbarrier.arrive $0xFFFF  }
0x80: {  	s24 =	rddreg [dreg:$0x18]  }
0x81: {  	v9 =	vld [tilespmem:$0x6C20];
	[tilespmem:s21], [sflag:$0x5] =	stream.linear.gather [hbm4b:s24+s21], $0x28, $0x38  }
0x82: {  	_ =	swait.ge [sflag:s10], $0x28  }
0x83: {  	[sflag:s10] =	ssyncset.done $0x0  }
0x84: {  	[sflag:s10] =	ssyncadd.s32 $0xFFFFFFD8  }
0x85: {  	[tilespmem:s11], [sflag:$0x5] =	stream.linear.gather [hbm4b:s28+s21], $0x28, $0x38;
	[tilespmem:$0x1CFB0] =	vst v63  }
0x86: {  	_ =	swait.ge [sflag:s10], $0x28  }
0x87: {  	[sflag:s10] =	ssyncset.done $0x0  }
0x88: {  	s25 =	simm.s32 $0xA0;
	[sflag:s10] =	ssyncadd.s32 $0xFFFFFFD8  }
0x89: {  	[tilespmem:s25], [sflag:$0x1] =	stream.indirect.gather [hbm4b:s8+s12], $0x90, s21, s12, $0xb8;
	[tilespmem:$0x1CFB0] =	vst v63  }
0x8a: {  	s26 =	simm.s32 $0x2DA0  }
0x8b: {  	[tilespmem:s26], [sflag:$0x3] =	stream.indirect.gather [hbm4b:s1+s12], $0x80, s11, s12, $0xb8;
	[tilespmem:$0x1CFB0] =	vst v63  }
0x8c: {  	_ = 	snop  }
0x8d: {  	[tilespmem:s12], [sflag:$0x5] =	stream.linear.gather [hbm4b:s29+s21], $0x28, $0x38;
	[tilespmem:$0x1CFB0] =	vst v63  }
0x8e: {  	_ =	swait.ge [sflag:s10], $0x28  }
0x8f: {  	[sflag:s10] =	ssyncset.done $0x0  }
0x90: {  	[sflag:s10] =	ssyncadd.s32 $0xFFFFFFD8  }
0x91: {  	[tilespmem:s13], [sflag:$0x5] =	stream.linear.gather [hbm4b:s30+s21], $0x28, $0x38;
	[tilespmem:$0x1CFB0] =	vst v63  }
0x92: {  	_ =	swait.ge [sflag:s10], $0x28  }
0x93: {  	[sflag:s10] =	ssyncset.done $0x0  }
0x94: {  	[sflag:s10] =	ssyncadd.s32 $0xFFFFFFD8  }
0x95: {  	[tilespmem:s14], [sflag:$0x2] =	stream.indirect.gather [hbm4b:s8+s12], $0x90, s12, s12, $0xb8;
	[tilespmem:$0x1CFB0] =	vst v63  }
0x96: {  	_ = 	snop  }
0x97: {  	[tilespmem:s15], [sflag:$0x4] =	stream.indirect.gather [hbm4b:s1+s12], $0x80, s13, s12, $0xb8;
	[tilespmem:$0x1CFB0] =	vst v63  }
.LBB2_4:
0x98: {  	_ =	swait.ge [sflag:s16], $0x1680  }
0x99: {  	[sflag:s16] =	ssyncset.done $0x0  }
0x9a: {  	[sflag:s16] =	ssyncadd.s32 $0xFFFFE980  }
0x9b: {  	_ =	swait.ge [sflag:s17], $0x1400  }
0x9c: {  	[sflag:s17] =	ssyncset.done $0x0  }
0x9d: {  	s25 =	simm.s32 $0x130;
	[sflag:s17] =	ssyncadd.s32 $0xFFFFEC00  }
0x9e: {  	s22 =	simm.s32 $0x2E20;
	v38 =	vld [tilespmem:s25+$0x0]  }
0x9f: {  	v10 =	vld [tilespmem:s22+$0x0]  }
0xa0: {  	v39 =	vld [tilespmem:s25+$0x10]  }
0xa1: {  	v11 =	vld [tilespmem:s22+$0x10]  }
0xa2: {  	v36 =	vld [tilespmem:s25+$0x20]  }
0xa3: {  	v12 =	vld [tilespmem:s22+$0x20]  }
0xa4: {  	v37 =	vld [tilespmem:s25+$0x30]  }
0xa5: {  	v13 =	vld [tilespmem:s22+$0x30]  }
0xa6: {  	v35 =	vld [tilespmem:s25+$0x40]  }
0xa7: {  	v14 =	vld [tilespmem:s22+$0x40]  }
0xa8: {  	v34 =	vld [tilespmem:s25+$0x50]  }
0xa9: {  	v15 =	vld [tilespmem:s22+$0x50]  }
0xaa: {  	v33 =	vld [tilespmem:s25+$0x60]  }
0xab: {  	v16 =	vld [tilespmem:s22+$0x60];
	v10 =	vmul.f32 v10, v38  }
0xac: {  	v40 =	vld [tilespmem:s25+$0x70];
	v11 =	vmul.f32 v11, v39  }
0xad: {  	(xrf2) =	vadd.scan.msk.f32 $0xffff, v10;
	v10 =	vmul.f32 v12, v36;
	v12 =	vld [tilespmem:s22+$0x70]  }
0xae: {  	(xrf2) =	vadd.scan.msk.f32 $0xffff, v11;
	v11 =	vmul.f32 v13, v37  }
0xaf: {  	(xrf2) =	vadd.scan.msk.f32 $0xffff, v10;
	v10 =	vmul.f32 v14, v35  }
0xb0: {  	(xrf2) =	vadd.scan.msk.f32 $0xffff, v11;
	v11 =	vmul.f32 v15, v34  }
0xb1: {  	(xrf2) =	vadd.scan.msk.f32 $0xffff, v10;
	v10 =	vmul.f32 v16, v33  }
0xb2: {  	v17 =	vld [tilespmem:s25+$0xFFFFFFA0];
	(xrf2) =	vadd.scan.msk.f32 $0xffff, v11;
	v11 =	vmul.f32 v12, v40  }
0xb3: {  	v19 =	vld [tilespmem:s25+$0xFFFFFFD0];
	(xrf2) =	vadd.scan.msk.f32 $0xffff, v10  }
0xb4: {  	v10 =	vld [tilespmem:s25+$0xFFFFFF80];
	(xrf2) =	vadd.scan.msk.f32 $0xffff, v11  }
0xb5: {  	v11 =	vld [tilespmem:s22+$0xFFFFFF90]  }
0xb6: {  	v25 =	vld [tilespmem:s22+$0xFFFFFF80]  }
0xb7: {  	v27 =	vld [tilespmem:s22+$0xFFFFFFA0];
	v13, _, _ =	vpop (xrf2)  }
0xb8: {  	v29 =	vld [tilespmem:s22+$0xFFFFFFB0];
	v14, _, _ =	vpop (xrf2)  }
0xb9: {  	v30 =	vld [tilespmem:s22+$0xFFFFFFC0];
	v23 =	vbroadcast v13, $0xF;
	v18, _, _ =	vpop (xrf2)  }
0xba: {  	v31 =	vld [tilespmem:s22+$0xFFFFFFD0];
	v11 =	vmul.f32 v11, v10;
	v14 =	vbroadcast v14, $0xF;
	v20, _, _ =	vpop (xrf2)  }
0xbb: {  	s23 =	simm.s32 $0x2F20;
	v32 =	vld [tilespmem:s22+$0xFFFFFFE0];
	v18 =	vbroadcast v18, $0xF;
	v23 =	vmul.f32 v1, v23;
	v21, _, _ =	vpop (xrf2)  }
0xbc: {  	v59 =	vld [tilespmem:s23+$0x30];
	v20 =	vbroadcast v20, $0xF;
	v14 =	vmul.f32 v2, v14;
	v22, _, _ =	vpop (xrf2)  }
0xbd: {  	v12 =	vld [tilespmem:s25+$0xFFFFFF90];
	v21 =	vbroadcast v21, $0xF;
	v18 =	vmul.f32 v3, v18;
	v24, _, _ =	vpop (xrf2)  }
0xbe: {  	v46 =	vld [tilespmem:s23+$0x40];
	v22 =	vbroadcast v22, $0xF;
	v20 =	vmul.f32 v4, v20;
	v26, _, _ =	vpop (xrf2)  }
0xbf: {  	v16 =	vld [tilespmem:s25+$0xFFFFFFB0];
	v28 =	vbroadcast v24, $0xF;
	v26 =	vbroadcast v26, $0xF  }
0xc0: {  	v15 =	vld [tilespmem:s25+$0xFFFFFFC0];
	v21 =	vmul.f32 v5, v21;
	v22 =	vmul.f32 v6, v22  }
0xc1: {  	v24 =	vld [tilespmem:s25+$0xFFFFFF70];
	v28 =	vmul.f32 v7, v28;
	v26 =	vmul.f32 v8, v26  }
0xc2: {  	v47 =	vld [tilespmem:s25+$0x80];
	v27 =	vmul.f32 v27, v12;
	v14 =	vadd.f32 v14, v23;
	v18 =	vadd.f32 v20, v18  }
0xc3: {  	v13 =	vld [tilespmem:s25+$0xFFFFFFE0];
	(xrf2) =	vadd.scan.msk.f32 $0xffff, v11;
	v23 =	vmul.f32 v29, v17;
	v11 =	vadd.f32 v22, v21;
	v21 =	vadd.f32 v26, v28  }
0xc4: {  	(xrf2) =	vadd.scan.msk.f32 $0xffff, v27;
	v20 =	vld [tilespmem:s22+$0xFFFFFFF0];
	v22 =	vmul.f32 v30, v16  }
0xc5: {  	v50 =	vld [tilespmem:s23+$0x50];
	(xrf2) =	vadd.scan.msk.f32 $0xffff, v23;
	v14 =	vadd.f32 v18, v14;
	v26 =	vmul.f32 v31, v15;
	v11 =	vadd.f32 v21, v11  }
0xc6: {  	v60 =	vld [tilespmem:s23+$0x60];
	s22 =	simm.s32 $0x250;
	(xrf2) =	vadd.scan.msk.f32 $0xffff, v22;
	v18 =	vmul.f32 v25, v24  }
0xc7: {  	v23 =	vld [tilespmem:s22+$0x20];
	v22 =	vmul.f32 v32, v19;
	(xrf2) =	vadd.scan.msk.f32 $0xffff, v26;
	v14 =	vadd.f32 v11, v14  }
0xc8: {  	v30 =	vld [tilespmem:s23+$0x20];
	(xrf2) =	vadd.scan.msk.f32 $0xffff, v18  }
0xc9: {  	v25 =	vld [tilespmem:s22+$0x30];
	v20 =	vmul.f32 v20, v13;
	(xrf2) =	vadd.scan.msk.f32 $0xffff, v22;
	v18 =	vmul.f32 v14, v9  }
0xca: {  	v27 =	vld [tilespmem:s23+$0x0]  }
0xcb: {  	v28 =	vld [tilespmem:s23+$0x10];
	(xrf2) =	vadd.scan.msk.f32 $0xffff, v20;
	v18 =	vmax.f32 v18, $-5.000000000e+00  }
0xcc: {  	v21 =	vld [tilespmem:s22+$0x0];
	v18 =	vmin.f32 v18, $5.000000000e+00  }
0xcd: {  	v22 =	vld [tilespmem:s22+$0x10];
	v20, _, _ =	vpop (xrf2);
	v26 =	vmul.f32 $1.442695020e+00, v18  }
0xce: {  	v56 =	vld [tilespmem:s23+$0x70];
	v30 =	vmul.f32 v30, v23;
	v62 =	vmul.f32 v59, v25;
	v29, _, _ =	vpop (xrf2)  }
0xcf: {  	v53 =	vld [tilespmem:s23+$0xFFFFFFB0];
	v20 =	vbroadcast v20, $0xF;
	v31, _, _ =	vpop (xrf2);
	(erf) = vpow2.f32 v26  }
0xd0: {  	v54 =	vld [tilespmem:s23+$0xFFFFFFC0];
	v26 =	vbroadcast v29, $0xF;
	v29 =	vbroadcast v31, $0xF;
	v31, _, _ =	vpop (xrf2)  }
0xd1: {  	v32 =	vld [tilespmem:s22+$0x70];
	v45 =	vmul.f32 v27, v21;
	v41 =	vmul.f32 v2, v20;
	v42, _, _ =	vpop (xrf2)  }
0xd2: {  	v20 =	vld [tilespmem:s22+$0xFFFFFFB0];
	v51 =	vmul.f32 v28, v22;
	v31 =	vbroadcast v31, $0xF;
	v44, _, _ =	vpop (xrf2)  }
0xd3: {  	v43 =	vmul.f32 v3, v26;
	v29 =	vmul.f32 v4, v29;
	v26 =	vld [tilespmem:s22+$0x40];
	v27, _, _ =	vpop (xrf2)  }
0xd4: {  	v42 =	vbroadcast v42, $0xF;
	v49 =	vbroadcast v27, $0xF;
	v27 =	vld [tilespmem:s22+$0x50]  }
0xd5: {  	v31 =	vmul.f32 v5, v31;
	v44 =	vbroadcast v44, $0xF;
	v48, _, _ =	vpop (xrf2);
	v43 =	vadd.f32 v29, v43;
	v29 =	vld [tilespmem:s22+$0x60]  }
0xd6: {  	v18 =	vld [tilespmem:s22+$0xFFFFFFA0];
	v42 =	vmul.f32 v6, v42;
	v48 =	vbroadcast v48, $0xF  }
0xd7: {  	v44 =	vmul.f32 v1, v44;
	v49 =	vmul.f32 v7, v49  }
0xd8: {  	v31 =	vadd.f32 v42, v31;
	v48 =	vmul.f32 v8, v48;
	v63 =	vmul.f32 v46, v26  }
0xd9: {  	(xrf2) =	vadd.scan.msk.f32 $0xffff, v45;
	v41 =	vadd.f32 v41, v44;
	v46 =	vmul.f32 v56, v32;
	v61 =	vpop (erf);
	v45 =	vmul.f32 v50, v27  }
0xda: {  	v11 =	vld [tilespmem:s22+$0xFFFFFF80];
	(xrf2) =	vadd.scan.msk.f32 $0xffff, v51;
	v48 =	vadd.f32 v48, v49;
	v42 =	vmul.f32 v60, v29;
	v44 =	vmul.f32 v61, v47  }
0xdb: {  	v14 =	vld [tilespmem:s22+$0xFFFFFF90];
	(xrf2) =	vadd.scan.msk.f32 $0xffff, v30;
	v41 =	vadd.f32 v43, v41;
	v43 =	vmul.f32 v53, v18;
	v53 =	vmul.f32 v54, v20  }
0xdc: {  	(xrf2) =	vadd.scan.msk.f32 $0xffff, v62;
	v60 =	vld [tilespmem:s23+$0xFFFFFF90];
	v57 =	vbroadcast v44, $0x0;
	v58 =	vbroadcast v44, $0x7  }
0xdd: {  	v28 =	vld [tilespmem:s22+$0xFFFFFFC0];
	(xrf2) =	vadd.scan.msk.f32 $0xffff, v63;
	v48 =	vadd.f32 v48, v31;
	v59 =	vbroadcast v44, $0x1;
	v52 =	vbroadcast v44, $0x2  }
0xde: {  	v63 =	vld [tilespmem:s23+$0xFFFFFFA0];
	(xrf2) =	vadd.scan.msk.f32 $0xffff, v45;
	v61 =	vbroadcast v44, $0x3;
	v62 =	vbroadcast v44, $0x4  }
0xdf: {  	v49 =	vld [tilespmem:s23+$0xFFFFFFD0];
	v45 =	vbroadcast v44, $0x5;
	(xrf2) =	vadd.scan.msk.f32 $0xffff, v42;
	v42 =	vbroadcast v44, $0x6;
	v41 =	vadd.f32 v48, v41  }
0xe0: {  	v30 =	vld [tilespmem:s22+$0xFFFFFFE0];
	v40 =	vmul.f32 v58, v40;
	v38 =	vmul.f32 v57, v38  }
0xe1: {  	v57 =	vmul.f32 v60, v11;
	v60 =	vld [tilespmem:s23+$0xFFFFFFF0];
	v41 =	vmul.f32 v41, v9  }
0xe2: {  	v31 =	vld [tilespmem:s22+$0xFFFFFFD0];
	(xrf2) =	vadd.scan.msk.f32 $0xffff, v46;
	v39 =	vmul.f32 v59, v39;
	v46 =	vmul.f32 v52, v36  }
0xe3: {  	v58 =	vld [tilespmem:s23+$0xFFFFFFE0];
	v59 =	vmul.f32 v63, v14;
	v35 =	vmul.f32 v62, v35;
	v41 =	vmax.f32 v41, $-5.000000000e+00  }
0xe4: {  	v45 =	vmul.f32 v45, v34;
	v49 =	vmul.f32 v49, v28;
	v56 =	vmin.f32 v41, $5.000000000e+00  }
0xe5: {  	v41 =	vmul.f32 v61, v37;
	v61, _, _ =	vpop (xrf2);
	(xrf2) =	vadd.scan.msk.f32 $0xffff, v57;
	v36 =	vmul.f32 $1.442695020e+00, v56  }
0xe6: {  	v33 =	vmul.f32 v42, v33;
	v62, _, _ =	vpop (xrf2);
	v37 =	vmul.f32 v60, v30  }
0xe7: {  	v63, _, _ =	vpop (xrf2);
	(xrf2) =	vadd.scan.msk.f32 $0xffff, v59;
	v59 =	vbroadcast v61, $0xF;
	(erf) = vpow2.f32 v36  }
0xe8: {  	v61 =	vbroadcast v62, $0xF;
	v57, _, _ =	vpop (xrf2);
	v36 =	vmul.f32 v58, v31  }
0xe9: {  	s24 =	simm.s32 $0x5630;
	v44 =	vnsel vm0, $0x0, v44;
	v62 =	vbroadcast v63, $0xF;
	(xrf2) =	vadd.scan.msk.f32 $0xffff, v43;
	v58, _, _ =	vpop (xrf2);
	v52 =	vbroadcast v57, $0xF  }
0xea: {  	[tilespmem:s24+$0x80] =	vst v44;
	v48 =	vld [tilespmem:s23+$0xFFFFFF80];
	v42 =	vmul.f32 v1, v59;
	v57 =	vmul.f32 v2, v61;
	v60, _, _ =	vpop (xrf2)  }
0xeb: {  	v34 =	vld [tilespmem:s22+$0xFFFFFF70];
	[tilespmem:s24+$0x70] =	vst v40;
	v40 =	vbroadcast v58, $0xF;
	v47 =	vmul.f32 v3, v62;
	v63, _, _ =	vpop (xrf2)  }
0xec: {  	[tilespmem:s24+$0x0] =	vst v38;
	(xrf2) =	vadd.scan.msk.f32 $0xffff, v53;
	v44 =	vbroadcast v60, $0xF;
	v58 =	vmul.f32 v4, v52;
	v54, _, _ =	vpop (xrf2)  }
0xed: {  	[tilespmem:s24+$0x10] =	vst v39;
	v56 =	vld [tilespmem:s25+$0xFFFFFFF0];
	v39 =	vbroadcast v63, $0xF;
	v55 =	vbroadcast v54, $0xF  }
0xee: {  	[tilespmem:s24+$0x20] =	vst v46;
	v40 =	vmul.f32 v5, v40;
	v60 =	vmul.f32 v6, v44  }
0xef: {  	[tilespmem:s24+$0x40] =	vst v35;
	v39 =	vmul.f32 v7, v39;
	v61, _, _ =	vpop (xrf2);
	v62 =	vmul.f32 v8, v55;
	(xrf2) =	vadd.scan.msk.f32 $0xffff, v49  }
0xf0: {  	v48 =	vmul.f32 v48, v34;
	[tilespmem:s24+$0x30] =	vst v41;
	v38 =	vadd.f32 v57, v42;
	v41 =	vadd.f32 v58, v47;
	v59 =	vpop (erf)  }
0xf1: {  	[tilespmem:s24+$0x50] =	vst v45;
	v43 =	vadd.f32 v60, v40;
	v42 =	vbroadcast v61, $0xF;
	v63, _, _ =	vpop (xrf2);
	v44 =	vadd.f32 v62, v39  }
0xf2: {  	s26 =	simm.s32 $0x370;
	[tilespmem:s24+$0x60] =	vst v33;
	v33 =	vld [tilespmem:s22+$0xFFFFFFF0];
	s25 =	simm.s32 $0x2;
	(xrf2) =	vadd.scan.msk.f32 $0xffff, v48;
	v40 =	vbroadcast v63, $0xF;
	v39 =	vmul.f32 v59, v56  }
.LBB2_5:
0xf3: {  	v35 =	vld [tilespmem:s26+$0x0];
	v42 =	vmul.f32 v2, v42;
	v38 =	vadd.f32 v41, v38;
	v41 =	vadd.f32 v44, v43;
	s23 =	sadd.s32 $0x100, s23;
	v43, _, _ =	vpop (xrf2)  }
0xf4: {  	v44 =	vld [tilespmem:s23+$0x0];
	v40 =	vmul.f32 v3, v40;
	v43 =	vbroadcast v43, $0xF;
	v45 =	vnsel vm0, $0x0, v39  }
0xf5: {  	v47 =	vbroadcast v39, $0x1;
	v46 =	vld [tilespmem:s26+$0xFFFFFF80];
	v38 =	vadd.f32 v41, v38;
	(xrf2) =	vadd.scan.msk.f32 $0xffff, v36;
	v41 =	vbroadcast v39, $0x0  }
0xf6: {  	v36 =	vld [tilespmem:s26+$0x10];
	v43 =	vmul.f32 v4, v43;
	v48, _, _ =	vpop (xrf2);
	[tilespmem:s24+$0xFFFFFFF0] =	vst v45;
	v45 =	vbroadcast v39, $0x2  }
0xf7: {  	v49 =	vld [tilespmem:s23+$0x10];
	v48 =	vbroadcast v48, $0xF;
	v38 =	vmul.f32 v38, v9  }
0xf8: {  	v51 =	vbroadcast v39, $0x4;
	v50 =	vld [tilespmem:s26+$0xFFFFFF90];
	v40 =	vadd.f32 v43, v40;
	(xrf2) =	vadd.scan.msk.f32 $0xffff, v37;
	v43 =	vbroadcast v39, $0x3  }
0xf9: {  	v37 =	vld [tilespmem:s26+$0x20];
	v44 =	vmul.f32 v44, v35;
	v48 =	vmul.f32 v5, v48;
	v38 =	vmax.f32 v38, $-5.000000000e+00;
	v52, _, _ =	vpop (xrf2)  }
0xfa: {  	v54 =	vbroadcast v39, $0x5;
	v53 =	vld [tilespmem:s23+$0x20];
	v52 =	vbroadcast v52, $0xF;
	v38 =	vmin.f32 v38, $5.000000000e+00  }
0xfb: {  	v56 =	vbroadcast v39, $0x6;
	v55 =	vld [tilespmem:s26+$0xFFFFFFA0];
	(xrf2) =	vadd.scan.msk.f32 $0xffff, v44;
	v44 =	vmul.f32 $1.442695020e+00, v38  }
0xfc: {  	v38 =	vld [tilespmem:s26+$0x30];
	v49 =	vmul.f32 v49, v36;
	v52 =	vmul.f32 v6, v52;
	v57, _, _ =	vpop (xrf2)  }
0xfd: {  	v58 =	vld [tilespmem:s23+$0x30];
	v57 =	vbroadcast v57, $0xF;
	(erf) = vpow2.f32 v44  }
0xfe: {  	v41 =	vmul.f32 v41, v24;
	v24 =	vmovc v34;
	v39 =	vbroadcast v39, $0x7;
	v44 =	vld [tilespmem:s26+$0xFFFFFFB0];
	(xrf2) =	vadd.scan.msk.f32 $0xffff, v49;
	v48 =	vadd.f32 v52, v48  }
0xff: {  	v34 =	vld [tilespmem:s26+$0x40];
	v49 =	vmul.f32 v53, v37;
	v59 =	vmul.f32 v1, v57;
	v53, _, _ =	vpop (xrf2)  }
0x100: {  	v57 =	vld [tilespmem:s23+$0x40];
	v53 =	vbroadcast v53, $0xF;
	[tilespmem:s24+$0xFFFFFF70] =	vst v41;
	v41 =	vmul.f32 v47, v10;
	v10 =	vmovc v11;
	v11 =	vmov v46  }
0x101: {  	v45 =	vmul.f32 v45, v12;
	(xrf2) =	vadd.scan.msk.f32 $0xffff, v49;
	v42 =	vadd.f32 v42, v59;
	v46 =	vld [tilespmem:s22+$0x80];
	v59 =	vmul.f32 v43, v17;
	s22 =	smov.u32 s26  }
0x102: {  	v12 =	vmov v14;
	v43 =	vld [tilespmem:s26+$0x50];
	v47 =	vmul.f32 v58, v38;
	v49 =	vmul.f32 v7, v53;
	v52, _, _ =	vpop (xrf2);
	[tilespmem:s24+$0xFFFFFF80] =	vst v41  }
0x103: {  	v14 =	vmovc v50;
	v58 =	vmul.f32 v51, v16;
	v41 =	vld [tilespmem:s23+$0x50];
	v52 =	vbroadcast v52, $0xF;
	v40 =	vadd.f32 v40, v42;
	[tilespmem:s24+$0xFFFFFF90] =	vst v45  }
0x104: {  	v54 =	vmul.f32 v54, v15;
	v19 =	vmul.f32 v56, v19;
	v17 =	vmovc v18;
	v42 =	vld [tilespmem:s26+$0xFFFFFFC0];
	(xrf2) =	vadd.scan.msk.f32 $0xffff, v47;
	[tilespmem:s24+$0xFFFFFFA0] =	vst v59  }
0x105: {  	v18 =	vmov v55;
	v45 =	vld [tilespmem:s26+$0x60];
	v47 =	vmul.f32 v57, v34;
	v50, _, _ =	vpop (xrf2);
	v51 =	vmul.f32 v8, v52;
	[tilespmem:s24+$0xFFFFFFB0] =	vst v58  }
0x106: {  	v16 =	vmov v20;
	v20 =	vmov v44;
	v52 =	vld [tilespmem:s23+$0x60];
	v53 =	vpop (erf);
	[tilespmem:s24+$0xFFFFFFC0] =	vst v54;
	v54 =	vmul.f32 v39, v13  }
0x107: {  	v15 =	vmovc v28;
	v39 =	vld [tilespmem:s26+$0xFFFFFFD0];
	(xrf2) =	vadd.scan.msk.f32 $0xffff, v47;
	v44 =	vadd.f32 v51, v49;
	v46 =	vmul.f32 v53, v46;
	[tilespmem:s24+$0xFFFFFFD0] =	vst v19  }
0x108: {  	v13 =	vmov v30;
	v19 =	vmov v31;
	v47 =	vld [tilespmem:s26+$0x70];
	v41 =	vmul.f32 v41, v43;
	v49, _, _ =	vpop (xrf2);
	[tilespmem:s24+$0xFFFFFFE0] =	vst v54  }
0x109: {  	v51 =	vld [tilespmem:s23+$0x70];
	v58 =	vadd.f32 v44, v48;
	v44 =	vbroadcast v46, $0x0;
	v48 =	vbroadcast v46, $0x7;
	v28 =	vmovc v42  }
0x10a: {  	v42 =	vbroadcast v46, $0x1;
	v53 =	vbroadcast v46, $0x2;
	v30 =	vld [tilespmem:s26+$0xFFFFFFE0];
	(xrf2) =	vadd.scan.msk.f32 $0xffff, v41;
	v41 =	vnsel vm0, $0x0, v46  }
0x10b: {  	s25 =	sadd.s32 $0x2, s25;
	v54 =	vld [tilespmem:s23+$0xFFFFFF80];
	v52 =	vmul.f32 v52, v45;
	v55, _, _ =	vpop (xrf2);
	v40 =	vadd.f32 v58, v40;
	v59 =	vmul.f32 v48, v32  }
0x10c: {  	p0 =	slt.u32 s25, $0x26;
	s24 =	sadd.s32 $0x120, s24;
	v56 =	vbroadcast v46, $0x3;
	v57 =	vbroadcast v46, $0x4;
	v48 =	vld [tilespmem:s23+$0xFFFFFF90];
	v31 =	vmov v39  }
0x10d: {  	v39 =	vld [tilespmem:s23+$0xFFFFFFA0];
	(xrf2) =	vadd.scan.msk.f32 $0xffff, v52;
	v40 =	vmul.f32 v40, v9;
	v52 =	vbroadcast v46, $0x5;
	[tilespmem:s24+$0x70] =	vst v59;
	v32 =	vmovc v47  }
0x10e: {  	v47 =	vld [tilespmem:s23+$0xFFFFFFB0];
	v51 =	vmul.f32 v51, v32;
	v58, _, _ =	vpop (xrf2);
	[tilespmem:s24+$0x80] =	vst v41;
	v41 =	vbroadcast v46, $0x6  }
0x10f: {  	v44 =	vmul.f32 v44, v21;
	v42 =	vmul.f32 v42, v22;
	v21 =	vmovc v35;
	v22 =	vmovc v36;
	v46 =	vld [tilespmem:s23+$0xFFFFFFC0];
	v40 =	vmax.f32 v40, $-5.000000000e+00  }
0x110: {  	v35 =	vld [tilespmem:s23+$0xFFFFFFD0];
	(xrf2) =	vadd.scan.msk.f32 $0xffff, v51;
	v36 =	vmin.f32 v40, $5.000000000e+00;
	v40 =	vmul.f32 v53, v23;
	v51 =	vmul.f32 v56, v25;
	v23 =	vmovc v37  }
0x111: {  	v25 =	vmov v38;
	v37 =	vmul.f32 v48, v11;
	v48 =	vld [tilespmem:s23+$0xFFFFFFE0];
	v53, _, _ =	vpop (xrf2);
	v36 =	vmul.f32 $1.442695020e+00, v36;
	[tilespmem:s24+$0x0] =	vst v44  }
0x112: {  	v38 =	vmul.f32 v39, v14;
	v39 =	vld [tilespmem:s23+$0xFFFFFFF0];
	[tilespmem:s24+$0x10] =	vst v42;
	v42 =	vmul.f32 v57, v26;
	v26 =	vmov v34  }
0x113: {  	v34 =	vld [tilespmem:s26+$0xFFFFFF70];
	v44 =	vmul.f32 v47, v18;
	(xrf2) =	vadd.scan.msk.f32 $0xffff, v37;
	[tilespmem:s24+$0x20] =	vst v40;
	(erf) = vpow2.f32 v36  }
0x114: {  	v37 =	vmul.f32 v52, v27;
	v27 =	vmov v43;
	v40 =	vmul.f32 v46, v20;
	v46 =	vld [tilespmem:s26+$0xFFFFFFF0];
	v47, _, _ =	vpop (xrf2);
	[tilespmem:s24+$0x30] =	vst v51  }
0x115: {  	v41 =	vmul.f32 v41, v29;
	v29 =	vmov v45;
	v35 =	vmul.f32 v35, v28;
	[tilespmem:s24+$0x40] =	vst v42  }
0x116: {  	v36 =	vmul.f32 v48, v31;
	(xrf2) =	vadd.scan.msk.f32 $0xffff, v38;
	[tilespmem:s24+$0x50] =	vst v37  }
0x117: {  	v37 =	vmul.f32 v39, v30;
	v38, _, _ =	vpop (xrf2);
	[tilespmem:s24+$0x60] =	vst v41  }
0x118: {  	v39 =	vbroadcast v50, $0xF;
	v41 =	vbroadcast v49, $0xF  }
0x119: {  	v43 =	vbroadcast v58, $0xF;
	v42 =	vbroadcast v55, $0xF;
	(xrf2) =	vadd.scan.msk.f32 $0xffff, v44  }
0x11a: {  	v45 =	vbroadcast v47, $0xF;
	v44 =	vbroadcast v53, $0xF;
	v47, _, _ =	vpop (xrf2)  }
0x11b: {  	v38 =	vbroadcast v38, $0xF;
	v47 =	vbroadcast v47, $0xF  }
0x11c: {  	v39 =	vmul.f32 v1, v39;
	v41 =	vmul.f32 v2, v41;
	(xrf2) =	vadd.scan.msk.f32 $0xffff, v40;
	v48 =	vpop (erf)  }
0x11d: {  	v40 =	vmul.f32 v3, v42;
	v42 =	vmul.f32 v4, v43;
	v43, _, _ =	vpop (xrf2)  }
.Ltmp3:
0x11e: {  	v45 =	vmul.f32 v6, v45;
	v44 =	vmul.f32 v5, v44;
	(pc) =	sbr.rel @p0 .LBB2_5-.Ltmp3, $4  }
0x11f: {  	v49 =	vmul.f32 v7, v38;
	v47 =	vmul.f32 v8, v47;
	(xrf2) =	vadd.scan.msk.f32 $0xffff, v35  }
0x120: {  	v38 =	vadd.f32 v41, v39;
	v41 =	vadd.f32 v42, v40;
	v35 =	vmul.f32 v54, v34;
	v39, _, _ =	vpop (xrf2)  }
0x121: {  	v42 =	vbroadcast v43, $0xF;
	v43 =	vadd.f32 v45, v44;
	v44 =	vadd.f32 v47, v49  }
0x122: {  	s26 =	sadd.s32 $0x120, s26;
	v40 =	vbroadcast v39, $0xF;
	v39 =	vmul.f32 v48, v33;
	v33 =	vmovc v46;
	(xrf2) =	vadd.scan.msk.f32 $0xffff, v35  }
0x123: {  	(xrf2) =	vadd.scan.msk.f32 $0xffff, v36  }
0x124: {  	(xrf2) =	vadd.scan.msk.f32 $0xffff, v37;
	_ =	sdelay $0x4  }
0x125: {  	v35 =	vadd.f32 v41, v38;
	v49 =	vadd.f32 v44, v43;
	v50, _, _ =	vpop (xrf2)  }
0x126: {  	v37 =	vbroadcast v50, $0xF;
	v51, _, _ =	vpop (xrf2)  }
0x127: {  	v52 =	vmul.f32 v2, v42;
	v35 =	vadd.f32 v49, v35;
	v53 =	vbroadcast v51, $0xF;
	v54, _, _ =	vpop (xrf2)  }
0x128: {  	v40 =	vmul.f32 v3, v40;
	v37 =	vmul.f32 v4, v37;
	v55, _, _ =	vpop (xrf2)  }
0x129: {  	v35 =	vmul.f32 v35, v9;
	v36 =	vmul.f32 v5, v53;
	v56, _, _ =	vpop (xrf2)  }
0x12a: {  	v38 =	vbroadcast v54, $0xF;
	v42 =	vbroadcast v55, $0xF;
	v57, _, _ =	vpop (xrf2)  }
0x12b: {  	v43 =	vbroadcast v56, $0xF;
	v44 =	vbroadcast v57, $0xF  }
0x12c: {  	v35 =	vmax.f32 v35, $-5.000000000e+00;
	v38 =	vmul.f32 v6, v38;
	v42 =	vmul.f32 v1, v42  }
0x12d: {  	v35 =	vmin.f32 v35, $5.000000000e+00;
	v43 =	vmul.f32 v7, v43;
	v44 =	vmul.f32 v8, v44  }
0x12e: {  	v37 =	vadd.f32 v37, v40;
	v35 =	vmul.f32 $1.442695020e+00, v35;
	v36 =	vadd.f32 v38, v36  }
0x12f: {  	v58 =	vadd.f32 v52, v42;
	v59 =	vadd.f32 v44, v43  }
0x130: {  	(erf) = vpow2.f32 v35  }
0x131: {  	v60 =	vadd.f32 v37, v58;
	v36 =	vadd.f32 v59, v36;
	_ =	sdelay $0x1  }
0x132: {  	v35 =	vadd.f32 v36, v60  }
0x133: {  	v61 =	vbroadcast v39, $0x0;
	v62 =	vbroadcast v39, $0x1  }
0x134: {  	v63 =	vbroadcast v39, $0x2;
	v51 =	vld [tilespmem:s22+$0x80];
	v35 =	vmul.f32 v35, v9  }
0x135: {  	v49 =	vbroadcast v39, $0x3;
	v24 =	vmul.f32 v61, v24  }
0x136: {  	v50 =	vbroadcast v39, $0x4;
	v10 =	vmul.f32 v62, v10;
	v35 =	vmax.f32 v35, $-5.000000000e+00  }
0x137: {  	v12 =	vmul.f32 v63, v12;
	v17 =	vmul.f32 v49, v17;
	[tilespmem:s24+$0xFFFFFF70] =	vst v24;
	v35 =	vmin.f32 v35, $5.000000000e+00  }
0x138: {  	[tilespmem:s24+$0xFFFFFF80] =	vst v10;
	v10 =	vmul.f32 v50, v16;
	v16 =	vpop (erf);
	v24 =	vmul.f32 $1.442695020e+00, v35  }
0x139: {  	v48 =	vnsel vm0, $0x0, v39;
	[tilespmem:s24+$0xFFFFFF90] =	vst v12;
	v12 =	vmul.f32 v16, v51;
	v16 =	vbroadcast v39, $0x7  }
0x13a: {  	[tilespmem:s24+$0xFFFFFFF0] =	vst v48;
	v52 =	vbroadcast v39, $0x5;
	(erf) = vpow2.f32 v24  }
0x13b: {  	v53 =	vbroadcast v39, $0x6;
	[tilespmem:s24+$0xFFFFFFA0] =	vst v17;
	v13 =	vmul.f32 v16, v13  }
0x13c: {  	[tilespmem:s24+$0xFFFFFFB0] =	vst v10;
	v15 =	vmul.f32 v52, v15;
	v10 =	vbroadcast v12, $0x7  }
0x13d: {  	v17 =	vmul.f32 v53, v19;
	[tilespmem:s24+$0xFFFFFFE0] =	vst v13;
	v13 =	vbroadcast v12, $0x1  }
0x13e: {  	[tilespmem:s24+$0xFFFFFFC0] =	vst v15;
	v15 =	vbroadcast v12, $0x0;
	v10 =	vmul.f32 v10, v32  }
0x13f: {  	s25 =	sadd.s32 $0x120, s24;
	[tilespmem:s24+$0xFFFFFFD0] =	vst v17;
	v13 =	vmul.f32 v13, v22  }
0x140: {  	v16 =	vbroadcast v12, $0x2;
	v17 =	vnsel vm0, $0x0, v12;
	[tilespmem:s25+$0x70] =	vst v10;
	v10 =	vmul.f32 v15, v21  }
0x141: {  	v19 =	vbroadcast v12, $0x3;
	[tilespmem:s25+$0x80] =	vst v17;
	v17 =	vbroadcast v12, $0x5  }
0x142: {  	v16 =	vmul.f32 v16, v23;
	v15 =	vbroadcast v12, $0x4;
	[tilespmem:s25+$0x0] =	vst v10  }
0x143: {  	v10 =	vbroadcast v12, $0x6;
	v12 =	vmul.f32 v19, v25;
	[tilespmem:s25+$0x10] =	vst v13;
	v13 =	vpop (erf)  }
0x144: {  	[tilespmem:s25+$0x20] =	vst v16;
	v15 =	vmul.f32 v15, v26;
	v13 =	vmul.f32 v13, v33  }
0x145: {  	[tilespmem:s25+$0x30] =	vst v12;
	v12 =	vmul.f32 v17, v27  }
0x146: {  	[tilespmem:s25+$0x40] =	vst v15;
	v10 =	vmul.f32 v10, v29;
	v15 =	vbroadcast v13, $0x0  }
0x147: {  	[tilespmem:s25+$0x50] =	vst v12;
	v12 =	vbroadcast v13, $0x1  }
0x148: {  	[tilespmem:s25+$0x60] =	vst v10;
	v10 =	vnsel vm0, $0x0, v13;
	v16 =	vbroadcast v13, $0x2;
	v15 =	vmul.f32 v15, v34  }
0x149: {  	[tilespmem:s25+$0xFFFFFFF0] =	vst v10;
	v10 =	vbroadcast v13, $0x3;
	v11 =	vmul.f32 v12, v11  }
0x14a: {  	v12 =	vbroadcast v13, $0x4;
	v14 =	vmul.f32 v16, v14;
	[tilespmem:s25+$0xFFFFFF70] =	vst v15  }
0x14b: {  	v10 =	vmul.f32 v10, v18;
	v15 =	vbroadcast v13, $0x5;
	[tilespmem:s25+$0xFFFFFF80] =	vst v11  }
0x14c: {  	v11 =	vbroadcast v13, $0x6;
	[tilespmem:s25+$0xFFFFFF90] =	vst v14;
	v12 =	vmul.f32 v12, v20  }
0x14d: {  	v13 =	vbroadcast v13, $0x7;
	[tilespmem:s25+$0xFFFFFFA0] =	vst v10;
	v10 =	vmul.f32 v15, v28  }
0x14e: {  	v11 =	vmul.f32 v11, v31;
	[tilespmem:s25+$0xFFFFFFB0] =	vst v12  }
0x14f: {  	[tilespmem:s25+$0xFFFFFFC0] =	vst v10;
	v10 =	vmul.f32 v13, v30  }
0x150: {  	p0 =	seq.s32 s21, $0x7C;
	[tilespmem:s25+$0xFFFFFFD0] =	vst v11  }
0x151: {  	s22 =	smul.u32 @!p0 $0x50, s21;
	[tilespmem:s25+$0xFFFFFFE0] =	vst v10  }
0x152: {  	[spmem:s5] =	stream.indirect.scatter.add.f32 [tilespmem:s6], [sflag:$0x5], $0x90, s11, s12, $0xb8;
	[tilespmem:$0x1CFB0] =	vst v63  }
0x153: {  	s22 =	sadd.s32 @!p0 s22, s31;
	_ =	swait.ge [sflag:s10], $0x1680  }
0x154: {  	s22 =	sshrl.u32 @!p0 s22, $0x3;
	[sflag:s10] =	ssyncset.done $0x0  }
0x155: {  	s23 =	sadd.s32 @!p0 s2, s22;
	s24 =	simm.s32 @!p0 $0x0;
	[sflag:s10] =	ssyncadd.s32 $0xFFFFE980  }
0x156: {  	[tilespmem:s24], [sflag:$0x5] =	stream.linear.gather @!p0 [hbm4b:s23+s24], $0x28, $0x38;
	[tilespmem:$0x1CFB0] =	vst v63  }
0x157: {  	s23 =	simm.s32 @!p0 $0x5  }
0x158: {  	_ =	swait.ge @!p0 [sflag:s23], $0x28  }
0x159: {  	[sflag:s23] =	ssyncset.done @!p0 $0x0  }
0x15a: {  	s22 =	sadd.s32 @!p0 s3, s22;
	s25 =	simm.s32 @!p0 $0x50;
	[sflag:s23] =	ssyncadd.s32 @!p0 $0xFFFFFFD8  }
0x15b: {  	[tilespmem:s25], [sflag:$0x5] =	stream.linear.gather @!p0 [hbm4b:s22+s24], $0x28, $0x38;
	[tilespmem:$0x1CFB0] =	vst v63  }
0x15c: {  	_ =	swait.ge @!p0 [sflag:s23], $0x28  }
0x15d: {  	[sflag:s23] =	ssyncset.done @!p0 $0x0  }
0x15e: {  	s22 =	simm.s32 @!p0 $0x28;
	[sflag:s23] =	ssyncadd.s32 @!p0 $0xFFFFFFD8;
	s23 =	simm.s32 @!p0 $0xA0  }
0x15f: {  	[tilespmem:s23], [sflag:$0x1] =	stream.indirect.gather @!p0 [hbm4b:s8+s22], $0x90, s24, s22, $0xb8;
	[tilespmem:$0x1CFB0] =	vst v63  }
0x160: {  	s23 =	simm.s32 @!p0 $0x2DA0  }
0x161: {  	[tilespmem:s23], [sflag:$0x3] =	stream.indirect.gather @!p0 [hbm4b:s1+s22], $0x80, s25, s22, $0xb8;
	[tilespmem:$0x1CFB0] =	vst v63  }
0x162: {  	_ =	swait.ge [sflag:s18], $0x1680  }
0x163: {  	[sflag:s18] =	ssyncset.done $0x0  }
0x164: {  	[sflag:s18] =	ssyncadd.s32 $0xFFFFE980  }
0x165: {  	_ =	swait.ge [sflag:s19], $0x1400  }
0x166: {  	[sflag:s19] =	ssyncset.done $0x0  }
0x167: {  	s25 =	simm.s32 $0x1830;
	[sflag:s19] =	ssyncadd.s32 $0xFFFFEC00  }
0x168: {  	s26 =	simm.s32 $0x4290;
	v38 =	vld [tilespmem:s25+$0xFFFFFF80]  }
0x169: {  	v10 =	vld [tilespmem:s26+$0xFFFFFF90]  }
0x16a: {  	v39 =	vld [tilespmem:s25+$0xFFFFFF90]  }
0x16b: {  	v11 =	vld [tilespmem:s26+$0xFFFFFFA0]  }
0x16c: {  	v36 =	vld [tilespmem:s25+$0xFFFFFFA0]  }
0x16d: {  	v12 =	vld [tilespmem:s26+$0xFFFFFFB0]  }
0x16e: {  	v37 =	vld [tilespmem:s25+$0xFFFFFFB0]  }
0x16f: {  	v13 =	vld [tilespmem:s26+$0xFFFFFFC0]  }
0x170: {  	v35 =	vld [tilespmem:s25+$0xFFFFFFC0]  }
0x171: {  	v14 =	vld [tilespmem:s26+$0xFFFFFFD0]  }
0x172: {  	v34 =	vld [tilespmem:s25+$0xFFFFFFD0]  }
0x173: {  	v15 =	vld [tilespmem:s26+$0xFFFFFFE0]  }
0x174: {  	v33 =	vld [tilespmem:s25+$0xFFFFFFE0]  }
0x175: {  	v16 =	vld [tilespmem:s26+$0xFFFFFFF0];
	v10 =	vmul.f32 v10, v38  }
0x176: {  	v40 =	vld [tilespmem:s25+$0xFFFFFFF0];
	v11 =	vmul.f32 v11, v39  }
0x177: {  	(xrf2) =	vadd.scan.msk.f32 $0xffff, v10;
	v10 =	vmul.f32 v12, v36;
	v12 =	vld [tilespmem:s26+$0x0]  }
0x178: {  	(xrf2) =	vadd.scan.msk.f32 $0xffff, v11;
	v11 =	vmul.f32 v13, v37  }
0x179: {  	(xrf2) =	vadd.scan.msk.f32 $0xffff, v10;
	v10 =	vmul.f32 v14, v35  }
0x17a: {  	(xrf2) =	vadd.scan.msk.f32 $0xffff, v11;
	v11 =	vmul.f32 v15, v34  }
0x17b: {  	(xrf2) =	vadd.scan.msk.f32 $0xffff, v10;
	v10 =	vmul.f32 v16, v33  }
0x17c: {  	(xrf2) =	vadd.scan.msk.f32 $0xffff, v11;
	v11 =	vmul.f32 v12, v40  }
0x17d: {  	(xrf2) =	vadd.scan.msk.f32 $0xffff, v10  }
0x17e: {  	v10 =	vld [tilespmem:s25+$0xFFFFFF00];
	(xrf2) =	vadd.scan.msk.f32 $0xffff, v11  }
0x17f: {  	v11 =	vld [tilespmem:s26+$0xFFFFFF20]  }
0x180: {  	v17 =	vld [tilespmem:s25+$0xFFFFFF20]  }
0x181: {  	v19 =	vld [tilespmem:s25+$0xFFFFFF50];
	v13, _, _ =	vpop (xrf2)  }
0x182: {  	v25 =	vld [tilespmem:s26+$0xFFFFFF10];
	v14, _, _ =	vpop (xrf2)  }
0x183: {  	v27 =	vld [tilespmem:s26+$0xFFFFFF30];
	v23 =	vbroadcast v13, $0xF;
	v18, _, _ =	vpop (xrf2)  }
0x184: {  	v29 =	vld [tilespmem:s26+$0xFFFFFF40];
	v11 =	vmul.f32 v11, v10;
	v14 =	vbroadcast v14, $0xF;
	v20, _, _ =	vpop (xrf2)  }
0x185: {  	v30 =	vld [tilespmem:s26+$0xFFFFFF50];
	v18 =	vbroadcast v18, $0xF;
	v23 =	vmul.f32 v1, v23;
	v21, _, _ =	vpop (xrf2)  }
0x186: {  	v31 =	vld [tilespmem:s26+$0xFFFFFF60];
	v20 =	vbroadcast v20, $0xF;
	v14 =	vmul.f32 v2, v14;
	v22, _, _ =	vpop (xrf2)  }
0x187: {  	v12 =	vld [tilespmem:s25+$0xFFFFFF10];
	v21 =	vbroadcast v21, $0xF;
	v18 =	vmul.f32 v3, v18;
	v24, _, _ =	vpop (xrf2)  }
0x188: {  	v54 =	vld [tilespmem:s26+$0xFFFFFF70];
	v22 =	vbroadcast v22, $0xF;
	v20 =	vmul.f32 v4, v20;
	v26, _, _ =	vpop (xrf2)  }
0x189: {  	v16 =	vld [tilespmem:s25+$0xFFFFFF30];
	v28 =	vbroadcast v24, $0xF;
	v26 =	vbroadcast v26, $0xF  }
0x18a: {  	v15 =	vld [tilespmem:s25+$0xFFFFFF40];
	v21 =	vmul.f32 v5, v21;
	v22 =	vmul.f32 v6, v22  }
0x18b: {  	s23 =	simm.s32 $0x4390;
	v24 =	vld [tilespmem:s25+$0xFFFFFEF0];
	v28 =	vmul.f32 v7, v28;
	v26 =	vmul.f32 v8, v26  }
0x18c: {  	v55 =	vld [tilespmem:s23+$0xFFFFFFC0];
	v27 =	vmul.f32 v27, v12;
	v14 =	vadd.f32 v14, v23;
	v18 =	vadd.f32 v20, v18  }
0x18d: {  	v13 =	vld [tilespmem:s25+$0xFFFFFF60];
	(xrf2) =	vadd.scan.msk.f32 $0xffff, v11;
	v23 =	vmul.f32 v29, v17;
	v11 =	vadd.f32 v22, v21;
	v21 =	vadd.f32 v26, v28  }
0x18e: {  	(xrf2) =	vadd.scan.msk.f32 $0xffff, v27;
	v20 =	vld [tilespmem:s26+$0xFFFFFF80];
	v22 =	vmul.f32 v30, v16  }
0x18f: {  	v46 =	vld [tilespmem:s23+$0xFFFFFFD0];
	(xrf2) =	vadd.scan.msk.f32 $0xffff, v23;
	v14 =	vadd.f32 v18, v14;
	v26 =	vmul.f32 v31, v15;
	v11 =	vadd.f32 v21, v11  }
0x190: {  	s22 =	simm.s32 $0x1950;
	v47 =	vld [tilespmem:s25+$0x0];
	(xrf2) =	vadd.scan.msk.f32 $0xffff, v22;
	v18 =	vmul.f32 v25, v24  }
0x191: {  	v23 =	vld [tilespmem:s22+$0xFFFFFFA0];
	v22 =	vmul.f32 v54, v19;
	(xrf2) =	vadd.scan.msk.f32 $0xffff, v26;
	v14 =	vadd.f32 v11, v14  }
0x192: {  	v30 =	vld [tilespmem:s23+$0xFFFFFFB0];
	(xrf2) =	vadd.scan.msk.f32 $0xffff, v18  }
0x193: {  	v25 =	vld [tilespmem:s22+$0xFFFFFFB0];
	v20 =	vmul.f32 v20, v13;
	(xrf2) =	vadd.scan.msk.f32 $0xffff, v22;
	v18 =	vmul.f32 v14, v9  }
0x194: {  	v27 =	vld [tilespmem:s23+$0xFFFFFF90]  }
0x195: {  	v28 =	vld [tilespmem:s23+$0xFFFFFFA0];
	(xrf2) =	vadd.scan.msk.f32 $0xffff, v20;
	v18 =	vmax.f32 v18, $-5.000000000e+00  }
0x196: {  	v21 =	vld [tilespmem:s22+$0xFFFFFF80];
	v18 =	vmin.f32 v18, $5.000000000e+00  }
0x197: {  	v22 =	vld [tilespmem:s22+$0xFFFFFF90];
	v20, _, _ =	vpop (xrf2);
	v26 =	vmul.f32 $1.442695020e+00, v18  }
0x198: {  	v50 =	vld [tilespmem:s23+$0xFFFFFFE0];
	v30 =	vmul.f32 v30, v23;
	v62 =	vmul.f32 v55, v25;
	v29, _, _ =	vpop (xrf2)  }
0x199: {  	v60 =	vld [tilespmem:s23+$0xFFFFFFF0];
	v20 =	vbroadcast v20, $0xF;
	v31, _, _ =	vpop (xrf2);
	(erf) = vpow2.f32 v26  }
0x19a: {  	v53 =	vld [tilespmem:s23+$0xFFFFFF40];
	v26 =	vbroadcast v29, $0xF;
	v29 =	vbroadcast v31, $0xF;
	v31, _, _ =	vpop (xrf2)  }
0x19b: {  	v54 =	vld [tilespmem:s23+$0xFFFFFF50];
	v45 =	vmul.f32 v27, v21;
	v56 =	vmul.f32 v2, v20;
	v57, _, _ =	vpop (xrf2)  }
0x19c: {  	v51 =	vmul.f32 v28, v22;
	v18 =	vld [tilespmem:s22+$0xFFFFFF20];
	v31 =	vbroadcast v31, $0xF;
	v59, _, _ =	vpop (xrf2)  }
0x19d: {  	v58 =	vmul.f32 v3, v26;
	v29 =	vmul.f32 v4, v29;
	v26 =	vld [tilespmem:s22+$0xFFFFFFC0];
	v27, _, _ =	vpop (xrf2)  }
0x19e: {  	v44 =	vbroadcast v59, $0xF;
	v49 =	vbroadcast v27, $0xF;
	v27 =	vld [tilespmem:s22+$0xFFFFFFD0]  }
0x19f: {  	v42 =	vbroadcast v57, $0xF;
	v31 =	vmul.f32 v5, v31;
	v48, _, _ =	vpop (xrf2);
	v43 =	vadd.f32 v29, v58;
	v29 =	vld [tilespmem:s22+$0xFFFFFFE0]  }
0x1a0: {  	v20 =	vld [tilespmem:s22+$0xFFFFFF30];
	v48 =	vbroadcast v48, $0xF;
	v44 =	vmul.f32 v1, v44  }
0x1a1: {  	v42 =	vmul.f32 v6, v42;
	v49 =	vmul.f32 v7, v49  }
0x1a2: {  	v32 =	vld [tilespmem:s22+$0xFFFFFFF0];
	v48 =	vmul.f32 v8, v48;
	v41 =	vadd.f32 v56, v44;
	v63 =	vmul.f32 v46, v26;
	v61 =	vpop (erf)  }
0x1a3: {  	v11 =	vld [tilespmem:s22+$0xFFFFFF00];
	(xrf2) =	vadd.scan.msk.f32 $0xffff, v45;
	v31 =	vadd.f32 v42, v31;
	v45 =	vmul.f32 v50, v27;
	v44 =	vmul.f32 v61, v47  }
0x1a4: {  	(xrf2) =	vadd.scan.msk.f32 $0xffff, v51;
	v56 =	vld [tilespmem:s23+$0x0];
	v41 =	vadd.f32 v43, v41;
	v42 =	vmul.f32 v60, v29;
	v43 =	vmul.f32 v53, v18  }
0x1a5: {  	v14 =	vld [tilespmem:s22+$0xFFFFFF10];
	(xrf2) =	vadd.scan.msk.f32 $0xffff, v30;
	v53 =	vmul.f32 v54, v20;
	v57 =	vbroadcast v44, $0x0  }
0x1a6: {  	(xrf2) =	vadd.scan.msk.f32 $0xffff, v62;
	v48 =	vadd.f32 v48, v49;
	v60 =	vld [tilespmem:s23+$0xFFFFFF20];
	v58 =	vbroadcast v44, $0x7;
	v59 =	vbroadcast v44, $0x1  }
0x1a7: {  	v28 =	vld [tilespmem:s22+$0xFFFFFF40];
	(xrf2) =	vadd.scan.msk.f32 $0xffff, v63;
	v52 =	vbroadcast v44, $0x2;
	v61 =	vbroadcast v44, $0x3  }
0x1a8: {  	v63 =	vld [tilespmem:s23+$0xFFFFFF30];
	v48 =	vadd.f32 v48, v31;
	(xrf2) =	vadd.scan.msk.f32 $0xffff, v45;
	v62 =	vbroadcast v44, $0x4;
	v45 =	vbroadcast v44, $0x5  }
0x1a9: {  	v49 =	vld [tilespmem:s23+$0xFFFFFF60];
	v46 =	vmul.f32 v56, v32;
	(xrf2) =	vadd.scan.msk.f32 $0xffff, v42;
	v42 =	vbroadcast v44, $0x6  }
0x1aa: {  	v30 =	vld [tilespmem:s22+$0xFFFFFF60];
	v41 =	vadd.f32 v48, v41;
	v40 =	vmul.f32 v58, v40;
	v38 =	vmul.f32 v57, v38  }
0x1ab: {  	v39 =	vmul.f32 v59, v39;
	v57 =	vmul.f32 v60, v11;
	v60 =	vld [tilespmem:s23+$0xFFFFFF80]  }
0x1ac: {  	v31 =	vld [tilespmem:s22+$0xFFFFFF50];
	(xrf2) =	vadd.scan.msk.f32 $0xffff, v46;
	v46 =	vmul.f32 v52, v36;
	v41 =	vmul.f32 v41, v9  }
0x1ad: {  	v58 =	vld [tilespmem:s23+$0xFFFFFF70];
	v59 =	vmul.f32 v63, v14;
	v35 =	vmul.f32 v62, v35  }
0x1ae: {  	v45 =	vmul.f32 v45, v34;
	v49 =	vmul.f32 v49, v28;
	v41 =	vmax.f32 v41, $-5.000000000e+00  }
0x1af: {  	v33 =	vmul.f32 v42, v33;
	v56 =	vmin.f32 v41, $5.000000000e+00;
	v41 =	vmul.f32 v61, v37;
	v61, _, _ =	vpop (xrf2);
	(xrf2) =	vadd.scan.msk.f32 $0xffff, v57  }
0x1b0: {  	v36 =	vmul.f32 $1.442695020e+00, v56;
	v62, _, _ =	vpop (xrf2);
	(xrf2) =	vadd.scan.msk.f32 $0xffff, v59;
	v37 =	vmul.f32 v60, v30  }
0x1b1: {  	v59 =	vbroadcast v61, $0xF;
	v63, _, _ =	vpop (xrf2);
	v61 =	vbroadcast v62, $0xF  }
0x1b2: {  	(erf) = vpow2.f32 v36;
	v57, _, _ =	vpop (xrf2);
	v36 =	vmul.f32 v58, v31  }
0x1b3: {  	s24 =	simm.s32 $0x5630;
	v44 =	vnsel vm0, $0x0, v44;
	v62 =	vbroadcast v63, $0xF;
	v42 =	vmul.f32 v1, v59;
	(xrf2) =	vadd.scan.msk.f32 $0xffff, v43;
	v58, _, _ =	vpop (xrf2)  }
0x1b4: {  	[tilespmem:s24+$0x80] =	vst v44;
	v48 =	vld [tilespmem:s23+$0xFFFFFF10];
	v52 =	vbroadcast v57, $0xF;
	v57 =	vmul.f32 v2, v61;
	v60, _, _ =	vpop (xrf2)  }
0x1b5: {  	v34 =	vld [tilespmem:s22+$0xFFFFFEF0];
	[tilespmem:s24+$0x70] =	vst v40;
	v40 =	vbroadcast v58, $0xF;
	v47 =	vmul.f32 v3, v62;
	v63, _, _ =	vpop (xrf2)  }
0x1b6: {  	[tilespmem:s24+$0x0] =	vst v38;
	(xrf2) =	vadd.scan.msk.f32 $0xffff, v53;
	v44 =	vbroadcast v60, $0xF;
	v58 =	vmul.f32 v4, v52;
	v54, _, _ =	vpop (xrf2)  }
0x1b7: {  	[tilespmem:s24+$0x10] =	vst v39;
	v56 =	vld [tilespmem:s25+$0xFFFFFF70];
	v39 =	vbroadcast v63, $0xF;
	v55 =	vbroadcast v54, $0xF  }
0x1b8: {  	[tilespmem:s24+$0x20] =	vst v46;
	v59 =	vmul.f32 v5, v40;
	v61 =	vmul.f32 v6, v44  }
0x1b9: {  	[tilespmem:s24+$0x30] =	vst v41;
	v39 =	vmul.f32 v7, v39;
	v62, _, _ =	vpop (xrf2);
	v41 =	vmul.f32 v8, v55;
	(xrf2) =	vadd.scan.msk.f32 $0xffff, v49  }
0x1ba: {  	[tilespmem:s24+$0x40] =	vst v35;
	v48 =	vmul.f32 v48, v34;
	v38 =	vadd.f32 v57, v42;
	v40 =	vadd.f32 v58, v47;
	v63, _, _ =	vpop (xrf2)  }
0x1bb: {  	[tilespmem:s24+$0x50] =	vst v45;
	v43 =	vadd.f32 v61, v59;
	v42 =	vbroadcast v62, $0xF;
	v60 =	vpop (erf);
	v44 =	vadd.f32 v41, v39  }
0x1bc: {  	s26 =	simm.s32 $0x1A70;
	[tilespmem:s24+$0x60] =	vst v33;
	v33 =	vld [tilespmem:s22+$0xFFFFFF70];
	s25 =	simm.s32 $0x2;
	(xrf2) =	vadd.scan.msk.f32 $0xffff, v48;
	v41 =	vbroadcast v63, $0xF;
	v39 =	vmul.f32 v60, v56  }
.LBB2_7:
0x1bd: {  	v35 =	vld [tilespmem:s26+$0xFFFFFF80];
	v42 =	vmul.f32 v2, v42;
	v38 =	vadd.f32 v40, v38;
	v40 =	vadd.f32 v44, v43;
	s23 =	sadd.s32 $0x100, s23;
	v43, _, _ =	vpop (xrf2)  }
0x1be: {  	v44 =	vld [tilespmem:s23+$0xFFFFFF90];
	v41 =	vmul.f32 v3, v41;
	v43 =	vbroadcast v43, $0xF;
	v45 =	vnsel vm0, $0x0, v39  }
0x1bf: {  	v47 =	vbroadcast v39, $0x1;
	v46 =	vld [tilespmem:s26+$0xFFFFFF00];
	v38 =	vadd.f32 v40, v38;
	(xrf2) =	vadd.scan.msk.f32 $0xffff, v36;
	v40 =	vbroadcast v39, $0x0  }
0x1c0: {  	v36 =	vld [tilespmem:s26+$0xFFFFFF90];
	v43 =	vmul.f32 v4, v43;
	v48, _, _ =	vpop (xrf2);
	[tilespmem:s24+$0xFFFFFFF0] =	vst v45;
	v45 =	vbroadcast v39, $0x2  }
0x1c1: {  	v49 =	vld [tilespmem:s23+$0xFFFFFFA0];
	v48 =	vbroadcast v48, $0xF;
	v38 =	vmul.f32 v38, v9  }
0x1c2: {  	v51 =	vbroadcast v39, $0x4;
	v50 =	vld [tilespmem:s26+$0xFFFFFF10];
	v41 =	vadd.f32 v43, v41;
	(xrf2) =	vadd.scan.msk.f32 $0xffff, v37;
	v43 =	vbroadcast v39, $0x3  }
0x1c3: {  	v37 =	vld [tilespmem:s26+$0xFFFFFFA0];
	v44 =	vmul.f32 v44, v35;
	v48 =	vmul.f32 v5, v48;
	v38 =	vmax.f32 v38, $-5.000000000e+00;
	v52, _, _ =	vpop (xrf2)  }
0x1c4: {  	v54 =	vbroadcast v39, $0x5;
	v53 =	vld [tilespmem:s23+$0xFFFFFFB0];
	v52 =	vbroadcast v52, $0xF;
	v38 =	vmin.f32 v38, $5.000000000e+00  }
0x1c5: {  	v56 =	vbroadcast v39, $0x6;
	v55 =	vld [tilespmem:s26+$0xFFFFFF20];
	(xrf2) =	vadd.scan.msk.f32 $0xffff, v44;
	v44 =	vmul.f32 $1.442695020e+00, v38  }
0x1c6: {  	v38 =	vld [tilespmem:s26+$0xFFFFFFB0];
	v49 =	vmul.f32 v49, v36;
	v52 =	vmul.f32 v6, v52;
	v57, _, _ =	vpop (xrf2)  }
0x1c7: {  	v58 =	vld [tilespmem:s23+$0xFFFFFFC0];
	v57 =	vbroadcast v57, $0xF;
	(erf) = vpow2.f32 v44  }
0x1c8: {  	v40 =	vmul.f32 v40, v24;
	v24 =	vmovc v34;
	v39 =	vbroadcast v39, $0x7;
	v44 =	vld [tilespmem:s26+$0xFFFFFF30];
	(xrf2) =	vadd.scan.msk.f32 $0xffff, v49;
	v48 =	vadd.f32 v52, v48  }
0x1c9: {  	v34 =	vld [tilespmem:s26+$0xFFFFFFC0];
	v49 =	vmul.f32 v53, v37;
	v59 =	vmul.f32 v1, v57;
	v53, _, _ =	vpop (xrf2)  }
0x1ca: {  	v57 =	vld [tilespmem:s23+$0xFFFFFFD0];
	v53 =	vbroadcast v53, $0xF;
	[tilespmem:s24+$0xFFFFFF70] =	vst v40;
	v40 =	vmul.f32 v47, v10;
	v10 =	vmovc v11;
	v11 =	vmov v46  }
0x1cb: {  	v45 =	vmul.f32 v45, v12;
	(xrf2) =	vadd.scan.msk.f32 $0xffff, v49;
	v42 =	vadd.f32 v42, v59;
	v46 =	vld [tilespmem:s22+$0x0];
	v59 =	vmul.f32 v43, v17;
	s22 =	smov.u32 s26  }
0x1cc: {  	v12 =	vmov v14;
	v43 =	vld [tilespmem:s26+$0xFFFFFFD0];
	v47 =	vmul.f32 v58, v38;
	v49 =	vmul.f32 v7, v53;
	v52, _, _ =	vpop (xrf2);
	[tilespmem:s24+$0xFFFFFF80] =	vst v40  }
0x1cd: {  	v14 =	vmovc v50;
	v58 =	vmul.f32 v51, v16;
	v40 =	vld [tilespmem:s23+$0xFFFFFFE0];
	v52 =	vbroadcast v52, $0xF;
	v41 =	vadd.f32 v41, v42;
	[tilespmem:s24+$0xFFFFFF90] =	vst v45  }
0x1ce: {  	v54 =	vmul.f32 v54, v15;
	v19 =	vmul.f32 v56, v19;
	v17 =	vmovc v18;
	v42 =	vld [tilespmem:s26+$0xFFFFFF40];
	(xrf2) =	vadd.scan.msk.f32 $0xffff, v47;
	[tilespmem:s24+$0xFFFFFFA0] =	vst v59  }
0x1cf: {  	v18 =	vmov v55;
	v45 =	vld [tilespmem:s26+$0xFFFFFFE0];
	v47 =	vmul.f32 v57, v34;
	v50, _, _ =	vpop (xrf2);
	v51 =	vmul.f32 v8, v52;
	[tilespmem:s24+$0xFFFFFFB0] =	vst v58  }
0x1d0: {  	v16 =	vmov v20;
	v20 =	vmov v44;
	v52 =	vld [tilespmem:s23+$0xFFFFFFF0];
	v53 =	vpop (erf);
	[tilespmem:s24+$0xFFFFFFC0] =	vst v54;
	v54 =	vmul.f32 v39, v13  }
0x1d1: {  	v15 =	vmovc v28;
	v39 =	vld [tilespmem:s26+$0xFFFFFF50];
	(xrf2) =	vadd.scan.msk.f32 $0xffff, v47;
	v44 =	vadd.f32 v51, v49;
	v46 =	vmul.f32 v53, v46;
	[tilespmem:s24+$0xFFFFFFD0] =	vst v19  }
0x1d2: {  	v13 =	vmov v30;
	v19 =	vmov v31;
	v47 =	vld [tilespmem:s26+$0xFFFFFFF0];
	v40 =	vmul.f32 v40, v43;
	v49, _, _ =	vpop (xrf2);
	[tilespmem:s24+$0xFFFFFFE0] =	vst v54  }
0x1d3: {  	v51 =	vld [tilespmem:s23+$0x0];
	v58 =	vadd.f32 v44, v48;
	v44 =	vbroadcast v46, $0x0;
	v48 =	vbroadcast v46, $0x7;
	v28 =	vmovc v42  }
0x1d4: {  	v42 =	vbroadcast v46, $0x1;
	v53 =	vbroadcast v46, $0x2;
	v30 =	vld [tilespmem:s26+$0xFFFFFF60];
	(xrf2) =	vadd.scan.msk.f32 $0xffff, v40;
	v40 =	vnsel vm0, $0x0, v46  }
0x1d5: {  	s25 =	sadd.s32 $0x2, s25;
	v54 =	vld [tilespmem:s23+$0xFFFFFF10];
	v52 =	vmul.f32 v52, v45;
	v55, _, _ =	vpop (xrf2);
	v41 =	vadd.f32 v58, v41;
	v59 =	vmul.f32 v48, v32  }
0x1d6: {  	p1 =	slt.u32 s25, $0x26;
	s24 =	sadd.s32 $0x120, s24;
	v56 =	vbroadcast v46, $0x3;
	v57 =	vbroadcast v46, $0x4;
	v48 =	vld [tilespmem:s23+$0xFFFFFF20];
	v31 =	vmov v39  }
0x1d7: {  	v39 =	vld [tilespmem:s23+$0xFFFFFF30];
	(xrf2) =	vadd.scan.msk.f32 $0xffff, v52;
	v41 =	vmul.f32 v41, v9;
	v52 =	vbroadcast v46, $0x5;
	[tilespmem:s24+$0x70] =	vst v59;
	v32 =	vmovc v47  }
0x1d8: {  	v47 =	vld [tilespmem:s23+$0xFFFFFF40];
	v51 =	vmul.f32 v51, v32;
	v58, _, _ =	vpop (xrf2);
	[tilespmem:s24+$0x80] =	vst v40;
	v40 =	vbroadcast v46, $0x6  }
0x1d9: {  	v44 =	vmul.f32 v44, v21;
	v42 =	vmul.f32 v42, v22;
	v21 =	vmovc v35;
	v22 =	vmovc v36;
	v46 =	vld [tilespmem:s23+$0xFFFFFF50];
	v41 =	vmax.f32 v41, $-5.000000000e+00  }
0x1da: {  	v35 =	vld [tilespmem:s23+$0xFFFFFF60];
	(xrf2) =	vadd.scan.msk.f32 $0xffff, v51;
	v36 =	vmin.f32 v41, $5.000000000e+00;
	v41 =	vmul.f32 v53, v23;
	v51 =	vmul.f32 v56, v25;
	v23 =	vmovc v37  }
0x1db: {  	v25 =	vmov v38;
	v37 =	vmul.f32 v48, v11;
	v48 =	vld [tilespmem:s23+$0xFFFFFF70];
	v53, _, _ =	vpop (xrf2);
	v36 =	vmul.f32 $1.442695020e+00, v36;
	[tilespmem:s24+$0x0] =	vst v44  }
0x1dc: {  	v38 =	vmul.f32 v39, v14;
	v39 =	vld [tilespmem:s23+$0xFFFFFF80];
	[tilespmem:s24+$0x10] =	vst v42;
	v42 =	vmul.f32 v57, v26;
	v26 =	vmov v34  }
0x1dd: {  	v34 =	vld [tilespmem:s26+$0xFFFFFEF0];
	v44 =	vmul.f32 v47, v18;
	(xrf2) =	vadd.scan.msk.f32 $0xffff, v37;
	[tilespmem:s24+$0x20] =	vst v41;
	(erf) = vpow2.f32 v36  }
0x1de: {  	v37 =	vmul.f32 v52, v27;
	v27 =	vmov v43;
	v41 =	vmul.f32 v46, v20;
	v46 =	vld [tilespmem:s26+$0xFFFFFF70];
	v47, _, _ =	vpop (xrf2);
	[tilespmem:s24+$0x30] =	vst v51  }
0x1df: {  	v40 =	vmul.f32 v40, v29;
	v29 =	vmov v45;
	v35 =	vmul.f32 v35, v28;
	[tilespmem:s24+$0x40] =	vst v42  }
0x1e0: {  	v36 =	vmul.f32 v48, v31;
	(xrf2) =	vadd.scan.msk.f32 $0xffff, v38;
	[tilespmem:s24+$0x50] =	vst v37  }
0x1e1: {  	v37 =	vmul.f32 v39, v30;
	v38, _, _ =	vpop (xrf2);
	[tilespmem:s24+$0x60] =	vst v40  }
0x1e2: {  	v39 =	vbroadcast v50, $0xF;
	v40 =	vbroadcast v49, $0xF  }
0x1e3: {  	v43 =	vbroadcast v58, $0xF;
	v42 =	vbroadcast v55, $0xF;
	(xrf2) =	vadd.scan.msk.f32 $0xffff, v44  }
0x1e4: {  	v45 =	vbroadcast v47, $0xF;
	v44 =	vbroadcast v53, $0xF;
	v47, _, _ =	vpop (xrf2)  }
0x1e5: {  	v38 =	vbroadcast v38, $0xF;
	v47 =	vbroadcast v47, $0xF  }
0x1e6: {  	v39 =	vmul.f32 v1, v39;
	v40 =	vmul.f32 v2, v40;
	(xrf2) =	vadd.scan.msk.f32 $0xffff, v41;
	v48 =	vpop (erf)  }
0x1e7: {  	v41 =	vmul.f32 v3, v42;
	v42 =	vmul.f32 v4, v43;
	v43, _, _ =	vpop (xrf2)  }
.Ltmp4:
0x1e8: {  	v45 =	vmul.f32 v6, v45;
	v44 =	vmul.f32 v5, v44;
	(pc) =	sbr.rel @p1 .LBB2_7-.Ltmp4, $4  }
0x1e9: {  	v49 =	vmul.f32 v7, v38;
	v47 =	vmul.f32 v8, v47;
	(xrf2) =	vadd.scan.msk.f32 $0xffff, v35  }
0x1ea: {  	v38 =	vadd.f32 v40, v39;
	v40 =	vadd.f32 v42, v41;
	v35 =	vmul.f32 v54, v34;
	v39, _, _ =	vpop (xrf2)  }
0x1eb: {  	v42 =	vbroadcast v43, $0xF;
	v43 =	vadd.f32 v45, v44;
	v44 =	vadd.f32 v47, v49  }
0x1ec: {  	s26 =	sadd.s32 $0x120, s26;
	v41 =	vbroadcast v39, $0xF;
	v39 =	vmul.f32 v48, v33;
	v33 =	vmovc v46;
	(xrf2) =	vadd.scan.msk.f32 $0xffff, v35  }
0x1ed: {  	(xrf2) =	vadd.scan.msk.f32 $0xffff, v36  }
0x1ee: {  	(xrf2) =	vadd.scan.msk.f32 $0xffff, v37;
	_ =	sdelay $0x4  }
0x1ef: {  	v35, _, _ =	vpop (xrf2);
	v60 =	vadd.f32 v40, v38;
	v61 =	vadd.f32 v44, v43  }
0x1f0: {  	v35 =	vbroadcast v35, $0xF;
	v62, _, _ =	vpop (xrf2)  }
0x1f1: {  	v63 =	vmul.f32 v2, v42;
	v36 =	vadd.f32 v61, v60;
	v47 =	vbroadcast v62, $0xF;
	v48, _, _ =	vpop (xrf2)  }
0x1f2: {  	v41 =	vmul.f32 v3, v41;
	v35 =	vmul.f32 v4, v35;
	v49, _, _ =	vpop (xrf2)  }
0x1f3: {  	v36 =	vmul.f32 v36, v9;
	v37 =	vmul.f32 v5, v47;
	v50, _, _ =	vpop (xrf2)  }
0x1f4: {  	v38 =	vbroadcast v48, $0xF;
	v42 =	vbroadcast v49, $0xF;
	v51, _, _ =	vpop (xrf2)  }
0x1f5: {  	v43 =	vbroadcast v50, $0xF;
	v44 =	vbroadcast v51, $0xF  }
0x1f6: {  	v38 =	vmul.f32 v6, v38;
	v42 =	vmul.f32 v1, v42  }
0x1f7: {  	v43 =	vmul.f32 v7, v43;
	v44 =	vmul.f32 v8, v44  }
0x1f8: {  	v35 =	vadd.f32 v35, v41;
	v36 =	vmax.f32 v36, $-5.000000000e+00;
	v37 =	vadd.f32 v38, v37  }
0x1f9: {  	v36 =	vmin.f32 v36, $5.000000000e+00;
	v52 =	vadd.f32 v63, v42;
	v53 =	vadd.f32 v44, v43  }
0x1fa: {  	v36 =	vmul.f32 $1.442695020e+00, v36  }
0x1fb: {  	v35 =	vadd.f32 v35, v52;
	v54 =	vadd.f32 v53, v37  }
0x1fc: {  	(erf) = vpow2.f32 v36  }
0x1fd: {  	v35 =	vadd.f32 v54, v35  }
0x1fe: {  	v55 =	vbroadcast v39, $0x0;
	v56 =	vbroadcast v39, $0x1  }
0x1ff: {  	v57 =	vbroadcast v39, $0x2;
	v35 =	vmul.f32 v35, v9  }
0x200: {  	v58 =	vnsel vm0, $0x0, v39;
	v59 =	vbroadcast v39, $0x3;
	v60 =	vbroadcast v39, $0x4  }
0x201: {  	v61 =	vld [tilespmem:s22+$0x0];
	v24 =	vmul.f32 v55, v24;
	v10 =	vmul.f32 v56, v10;
	v35 =	vmax.f32 v35, $-5.000000000e+00  }
0x202: {  	[tilespmem:s24+$0xFFFFFFF0] =	vst v58;
	v12 =	vmul.f32 v57, v12;
	v17 =	vmul.f32 v59, v17;
	v35 =	vmin.f32 v35, $5.000000000e+00  }
0x203: {  	v62 =	vbroadcast v39, $0x5;
	[tilespmem:s24+$0xFFFFFF70] =	vst v24;
	v40 =	vmul.f32 $1.442695020e+00, v35  }
0x204: {  	[tilespmem:s24+$0xFFFFFF80] =	vst v10;
	v10 =	vmul.f32 v60, v16;
	v47 =	vbroadcast v39, $0x7  }
0x205: {  	[tilespmem:s24+$0xFFFFFF90] =	vst v12;
	v15 =	vmul.f32 v62, v15;
	v45 =	vpop (erf);
	(erf) = vpow2.f32 v40  }
0x206: {  	[tilespmem:s24+$0xFFFFFFA0] =	vst v17;
	v63 =	vbroadcast v39, $0x6;
	v46 =	vmul.f32 v45, v61  }
0x207: {  	[tilespmem:s24+$0xFFFFFFB0] =	vst v10;
	v13 =	vmul.f32 v47, v13  }
0x208: {  	[tilespmem:s24+$0xFFFFFFC0] =	vst v15;
	v48 =	vmul.f32 v63, v19;
	v10 =	vbroadcast v46, $0x7  }
0x209: {  	[tilespmem:s24+$0xFFFFFFE0] =	vst v13;
	v49 =	vbroadcast v46, $0x0;
	v50 =	vbroadcast v46, $0x1  }
0x20a: {  	s26 =	sadd.s32 $0x120, s24;
	[tilespmem:s24+$0xFFFFFFD0] =	vst v48;
	v51 =	vbroadcast v46, $0x2;
	v52 =	vnsel vm0, $0x0, v46;
	v10 =	vmul.f32 v10, v32  }
0x20b: {  	v53 =	vbroadcast v46, $0x3;
	[tilespmem:s26+$0x80] =	vst v52;
	v13 =	vmul.f32 v50, v22  }
0x20c: {  	v54 =	vbroadcast v46, $0x4;
	v16 =	vmul.f32 v51, v23;
	[tilespmem:s26+$0x70] =	vst v10  }
0x20d: {  	v55 =	vbroadcast v46, $0x5;
	v10 =	vmul.f32 v49, v21;
	[tilespmem:s26+$0x10] =	vst v13  }
0x20e: {  	v56 =	vmul.f32 v53, v25;
	v15 =	vmul.f32 v54, v26;
	[tilespmem:s26+$0x20] =	vst v16;
	v57 =	vpop (erf)  }
0x20f: {  	[tilespmem:s26+$0x0] =	vst v10;
	v10 =	vbroadcast v46, $0x6;
	v13 =	vmul.f32 v57, v33  }
0x210: {  	v58 =	vmul.f32 v55, v27;
	[tilespmem:s26+$0x30] =	vst v56  }
0x211: {  	[tilespmem:s26+$0x40] =	vst v15;
	v10 =	vmul.f32 v10, v29;
	v59 =	vbroadcast v13, $0x0  }
0x212: {  	[tilespmem:s26+$0x50] =	vst v58;
	v60 =	vbroadcast v13, $0x1  }
0x213: {  	[tilespmem:s26+$0x60] =	vst v10;
	v10 =	vnsel vm0, $0x0, v13;
	v61 =	vbroadcast v13, $0x2;
	v15 =	vmul.f32 v59, v34  }
0x214: {  	[tilespmem:s26+$0xFFFFFFF0] =	vst v10;
	v10 =	vbroadcast v13, $0x3;
	v11 =	vmul.f32 v60, v11  }
0x215: {  	v62 =	vbroadcast v13, $0x4;
	v14 =	vmul.f32 v61, v14;
	[tilespmem:s26+$0xFFFFFF70] =	vst v15  }
0x216: {  	v63 =	vbroadcast v13, $0x5;
	v10 =	vmul.f32 v10, v18;
	[tilespmem:s26+$0xFFFFFF80] =	vst v11  }
0x217: {  	v12 =	vmul.f32 v62, v20;
	v11 =	vbroadcast v13, $0x6;
	[tilespmem:s26+$0xFFFFFF90] =	vst v14  }
0x218: {  	v13 =	vbroadcast v13, $0x7;
	[tilespmem:s26+$0xFFFFFFA0] =	vst v10;
	v10 =	vmul.f32 v63, v28  }
0x219: {  	[tilespmem:s26+$0xFFFFFFB0] =	vst v12;
	v11 =	vmul.f32 v11, v31  }
0x21a: {  	[tilespmem:s26+$0xFFFFFFC0] =	vst v10;
	v10 =	vmul.f32 v13, v30  }
0x21b: {  	[tilespmem:s26+$0xFFFFFFD0] =	vst v11  }
.Ltmp5:
0x21c: {  	[tilespmem:s26+$0xFFFFFFE0] =	vst v10;
	(pc) =	sbr.rel @p0 .LBB2_10-.Ltmp5, $4  }
0x21d: {  	[spmem:s5] =	stream.indirect.scatter.add.f32 [tilespmem:s6], [sflag:$0x5], $0x90, s13, s12, $0xb8;
	[tilespmem:$0x1CFB0] =	vst v63  }
0x21e: {  	_ =	swait.ge [sflag:s10], $0x1680  }
0x21f: {  	[sflag:s10] =	ssyncset.done $0x0  }
0x220: {  	[sflag:s10] =	ssyncadd.s32 $0xFFFFE980  }
0x221: {  	s22 =	smul.u32 $0x50, s21;
	_ =	sdelay $0x1  }
0x222: {  	s22 =	sadd.s32 s22, s0  }
0x223: {  	s22 =	sshrl.u32 s22, $0x3  }
0x224: {  	s23 =	sadd.s32 s2, s22  }
0x225: {  	[tilespmem:s12], [sflag:$0x5] =	stream.linear.gather [hbm4b:s23+s7], $0x28, $0x38;
	[tilespmem:$0x1CFB0] =	vst v63  }
0x226: {  	_ =	swait.ge [sflag:s10], $0x28  }
0x227: {  	[sflag:s10] =	ssyncset.done $0x0  }
0x228: {  	s22 =	sadd.s32 s3, s22;
	[sflag:s10] =	ssyncadd.s32 $0xFFFFFFD8  }
0x229: {  	[tilespmem:s13], [sflag:$0x5] =	stream.linear.gather [hbm4b:s22+s7], $0x28, $0x38;
	[tilespmem:$0x1CFB0] =	vst v63  }
0x22a: {  	_ =	swait.ge [sflag:s10], $0x28  }
.Ltmp6:
0x22b: {  	[sflag:s10] =	ssyncset.done $0x0;
	(pc) =	sbr.rel .LBB2_4-.Ltmp6, $4  }
0x22c: {  	[sflag:s10] =	ssyncadd.s32 $0xFFFFFFD8  }
0x22d: {  	[tilespmem:s14], [sflag:$0x2] =	stream.indirect.gather [hbm4b:s8+s12], $0x90, s12, s12, $0xb8;
	[tilespmem:$0x1CFB0] =	vst v63  }
0x22e: {  	s21 =	sadd.s32 $0x1, s21  }
0x22f: {  	[tilespmem:s15], [sflag:$0x4] =	stream.indirect.gather [hbm4b:s1+s12], $0x80, s13, s12, $0xb8;
	[tilespmem:$0x1CFB0] =	vst v63  }
.LBB2_11:
0x230: {  	_ =	sfence.sel $0x180000  }
0x231: {  	[bflag:$0x0] =	sbarrier.arrive $0xFFFF  }
0x232: {  	_ =	strace $0x90000047  }
0x233: {  	s0 =	stileid.u32;
	[bflag:$0x2] =	sbarrier.arrive $0xFFFF  }
0x234: {  	p0 =	sne.s32 s0, $0x0;
	s0 =	rddreg [dreg:$0x7]  }
0x235: {  	s0 =	sadd.s32 @!p0 $0x100000, s0  }
0x236: {  	[sflag:s0] =	ssyncadd.tile.s32 @!p0 $0x1;
	_ =	shalt  }
.Lfunc_end2:
_tile_overlayer_lowered:
.L_overlay_start_2:
0x237: {  	(tag) =	ssettag $0x2  }
0x238: {  	s0 =	rddreg [dreg:$0x0];
	s2 =	stileid.u32  }
0x239: {  	s1 =	rddreg [dreg:$0x1];
	p0 =	sne.s32 s2, $0x0  }
0x23a: {  	s3 =	rddreg [dreg:$0x2];
	[bflag:$0x3] =	sbarrier.arrive $0xFFFF;
	s2 =	simm.s32 @!p0 $0x1C05  }
0x23b: {  	[timem:s3], [sflag:s2] =	dma.local @!p0 [hbm:s0], s1  }
0x23c: {  	s0 =	simm.s32 @!p0 $0x5  }
0x23d: {  	_ =	swait.ge @!p0 [sflag:s0], s1  }
0x23e: {  	s1 =	ssub.s32 @!p0 $0x0, s1;
	[sflag:s0] =	ssyncset.done @!p0 $0x0  }
0x23f: {  	[sflag:s0] =	ssyncadd.s32 @!p0 s1  }
0x240: {  	[bflag:$0x3] =	sbarrier.arrive $0xFFFF  }
0x241: {  	_ =	shalt  }

</sc_bundles>
